<compile_context>
chip_gen: v7x
topology: tpu7x:2x2x1
jax: 0.10.2.dev20260603
libtpu: 0.0.44.dev20260713+nightly
codegen_flags: <defaults>
</compile_context>

<pallas_src>
import functools

import jax
import jax.numpy as jnp
from jax import lax
from jax.experimental import pallas as pl
from jax.experimental.pallas import tpu as pltpu
from jax.experimental.pallas import tpu_sc as plsc

SEQ, BATCH, VOCAB, EMB = 50, 4096, 100000, 64
TOT = SEQ * BATCH
CHUNK = 128
NC, NS = 2, 16
NW = NC * NS
PER_W = TOT // NW
CHUNKS_PER_W = PER_W // CHUNK

G = 1
SUPER = G * CHUNK
NSUP = CHUNKS_PER_W // G
NBUF = 10
P = 8
NGRP = NSUP // NBUF


def _sc_gather(idx1d, table):
    mesh = plsc.VectorSubcoreMesh(core_axis_name="c", subcore_axis_name="s")

    @functools.partial(
        pl.kernel,
        mesh=mesh,
        out_type=jax.ShapeDtypeStruct((SEQ, BATCH, EMB), jnp.float32),
        compiler_params=pltpu.CompilerParams(use_tc_tiling_on_sc=False),
        scratch_types=[pltpu.VMEM((PER_W,), jnp.int32)]
        + [pltpu.VMEM((SUPER, EMB), jnp.float32) for _ in range(NBUF)]
        + [pltpu.SemaphoreType.DMA for _ in range(2 * NBUF)],
    )
    def k(table_hbm, idx_hbm, out_hbm, idx_v, *rest):
        bufs = list(rest[:NBUF])
        gsems = list(rest[NBUF:2 * NBUF])
        osems = list(rest[2 * NBUF:3 * NBUF])
        wid = lax.axis_index("s") * NC + lax.axis_index("c")
        pltpu.sync_copy(idx_hbm.at[pl.ds(wid * PER_W, PER_W)], idx_v)
        unit0 = wid * NSUP

        def fire_g(s, b):
            for c in range(G):
                pltpu.make_async_copy(
                    table_hbm.at[idx_v.at[pl.ds((s * G + c) * CHUNK, CHUNK)]],
                    bufs[b].at[pl.ds(c * CHUNK, CHUNK)],
                    gsems[b]).start()

        def wait_g(b):
            for c in range(G):
                pltpu.make_async_copy(
                    table_hbm.at[idx_v.at[pl.ds(0, CHUNK)]],
                    bufs[b].at[pl.ds(c * CHUNK, CHUNK)],
                    gsems[b]).wait()

        NB = BATCH // SUPER

        def fire_o(s, b):
            g = unit0 + s
            pltpu.make_async_copy(
                bufs[b],
                out_hbm.at[g // NB, pl.ds((g % NB) * SUPER, SUPER)],
                osems[b]).start()

        def wait_o(b):
            pltpu.make_async_copy(
                bufs[b],
                out_hbm.at[0, pl.ds(0, SUPER)],
                osems[b]).wait()

        for s in range(P):
            fire_g(s, s % NBUF)

        for b in range(NBUF):
            sp = b + P
            bp = sp % NBUF
            if sp >= NBUF:
                wait_o(bp)
            fire_g(sp, bp)
            wait_g(b)
            fire_o(b, b)

        def grp(go, carry):
            for b in range(NBUF):
                s = go * NBUF + b
                bp = (b + P) % NBUF
                wait_o(bp)
                fire_g(s + P, bp)
                wait_g(b)
                fire_o(s, b)
            return carry

        lax.fori_loop(1, NGRP - 1, grp, 0)

        for b in range(NBUF):
            s = (NGRP - 1) * NBUF + b
            sp = s + P
            bp = (b + P) % NBUF
            if sp < NSUP:
                wait_o(bp)
                fire_g(sp, bp)
            wait_g(b)
            fire_o(s, b)

        for b in range(NBUF):
            wait_o(b)

    return k(table, idx1d)


def _tc_mask(idx):
    def mk(idx_ref, out_ref):
        out_ref[...] = (idx_ref[...] == 0).astype(jnp.float32)

    return pl.pallas_call(
        mk,
        out_shape=jax.ShapeDtypeStruct((SEQ, BATCH), jnp.float32),
    )(idx)


def kernel(input_idx, word_lut):
    idx32 = input_idx.astype(jnp.int32)
    emb = _sc_gather(idx32.reshape(-1), word_lut)
    mask = _tc_mask(idx32).T
    return emb, mask

# --- scband reference (transcript-rebuilt; emitter-appended) ---
"""Pipeline reference for scband-topic-encoder-34016140984466 (READ-ONLY COPY).

The authoritative reference and input builder live on the scoring server;
editing this copy changes nothing except your own understanding.
"""

import jax, jax.numpy as jnp
import numpy as np

SEQ = 50
BATCH = 4096
VOCAB = 100000
EMB = 64

def setup_inputs(seed: int = 0) -> dict:
    key = jax.random.key(seed)
    k_idx, k_tab = jax.random.split(key)
    input_idx = jax.random.randint(k_idx, (SEQ, BATCH), 0, VOCAB, dtype=jnp.int64 if jax.config.jax_enable_x64 else jnp.int32)
    word_lut = jax.random.normal(k_tab, (VOCAB, EMB), dtype=jnp.float32) * 0.02
    # padding_idx=0: row 0 is zero
    word_lut = word_lut.at[0].set(0.0)
    return {"input_idx": input_idx, "word_lut": word_lut}

def reference(input_idx, word_lut):
    # mask = input_idx.eq(0).float().transpose(0, 1)
    mask = (input_idx == 0).astype(jnp.float32).T
    # ensure padding row contributes zeros (padding_idx=0 semantics)
    table = word_lut.at[0].set(0.0)
    wordEmb = jnp.take(table, input_idx, axis=0)
    return (wordEmb, mask)

if __name__ == "__main__":
    import jax
    _d = setup_inputs()
    print(jax.jit(kernel)(*tuple(_d.values())))

</pallas_src>

<mosaic_0001>
#map = affine_map<(d0, d1) -> (0, 0)>
#map1 = affine_map<(d0, d1) -> (0)>
#map2 = affine_map<(d0, d1) -> (0, 0, 0)>
module attributes {stable_mosaic.version = 14 : i64} {
  func.func @k(%arg0: i32, %arg1: i32, %arg2: memref<100000x64xf32, #tpu.memory_space<hbm>>, %arg3: memref<204800xi32, #tpu.memory_space<hbm>>, %arg4: memref<50x4096x64xf32, #tpu.memory_space<hbm>>, %arg5: memref<6400xi32, #tpu.memory_space<vmem>>, %arg6: memref<128x64xf32, #tpu.memory_space<vmem>>, %arg7: memref<128x64xf32, #tpu.memory_space<vmem>>, %arg8: memref<128x64xf32, #tpu.memory_space<vmem>>, %arg9: memref<128x64xf32, #tpu.memory_space<vmem>>, %arg10: memref<128x64xf32, #tpu.memory_space<vmem>>, %arg11: memref<128x64xf32, #tpu.memory_space<vmem>>, %arg12: memref<128x64xf32, #tpu.memory_space<vmem>>, %arg13: memref<128x64xf32, #tpu.memory_space<vmem>>, %arg14: memref<128x64xf32, #tpu.memory_space<vmem>>, %arg15: memref<128x64xf32, #tpu.memory_space<vmem>>, %arg16: memref<!tpu.dma_semaphore, #tpu.memory_space<semaphore_mem>>, %arg17: memref<!tpu.dma_semaphore, #tpu.memory_space<semaphore_mem>>, %arg18: memref<!tpu.dma_semaphore, #tpu.memory_space<semaphore_mem>>, %arg19: memref<!tpu.dma_semaphore, #tpu.memory_space<semaphore_mem>>, %arg20: memref<!tpu.dma_semaphore, #tpu.memory_space<semaphore_mem>>, %arg21: memref<!tpu.dma_semaphore, #tpu.memory_space<semaphore_mem>>, %arg22: memref<!tpu.dma_semaphore, #tpu.memory_space<semaphore_mem>>, %arg23: memref<!tpu.dma_semaphore, #tpu.memory_space<semaphore_mem>>, %arg24: memref<!tpu.dma_semaphore, #tpu.memory_space<semaphore_mem>>, %arg25: memref<!tpu.dma_semaphore, #tpu.memory_space<semaphore_mem>>, %arg26: memref<!tpu.dma_semaphore, #tpu.memory_space<semaphore_mem>>, %arg27: memref<!tpu.dma_semaphore, #tpu.memory_space<semaphore_mem>>, %arg28: memref<!tpu.dma_semaphore, #tpu.memory_space<semaphore_mem>>, %arg29: memref<!tpu.dma_semaphore, #tpu.memory_space<semaphore_mem>>, %arg30: memref<!tpu.dma_semaphore, #tpu.memory_space<semaphore_mem>>, %arg31: memref<!tpu.dma_semaphore, #tpu.memory_space<semaphore_mem>>, %arg32: memref<!tpu.dma_semaphore, #tpu.memory_space<semaphore_mem>>, %arg33: memref<!tpu.dma_semaphore, #tpu.memory_space<semaphore_mem>>, %arg34: memref<!tpu.dma_semaphore, #tpu.memory_space<semaphore_mem>>, %arg35: memref<!tpu.dma_semaphore, #tpu.memory_space<semaphore_mem>>) attributes {dimension_semantics = [#tpu.dimension_semantics<core_parallel>, #tpu.dimension_semantics<subcore_parallel>], iteration_bounds = array<i64: 2, 16>, scalar_prefetch = 0 : i64, scratch_operands = 31 : i64, tpu.core_type = #tpu.core_type<sc_vector_subcore>, window_params = [{transform_indices = #map}, {transform_indices = #map1}, {transform_indices = #map2}]} {
    %mul3A = arith.constant 2 : i32
    %mul3A_0 = arith.muli %arg1, %mul3A : i32
    %add3A = arith.addi %mul3A_0, %arg0 : i32
    %mul3A_1 = arith.constant 6400 : i32
    %mul3A_2 = arith.muli %add3A, %mul3A_1 : i32
    "tpu.region"() ({
      %run_scoped3A = tpu.sem_alloc : memref<!tpu.dma_semaphore, #tpu.memory_space<semaphore_mem>>
      %dma_start3A_1498 = tpu.memref_slice %arg3[%mul3A_2] : memref<204800xi32, #tpu.memory_space<hbm>> -> memref<6400xi32, #tpu.memory_space<hbm>>
      %dma_start3A_1499 = tpu.memref_slice %arg3[%mul3A_2] : memref<204800xi32, #tpu.memory_space<hbm>> -> memref<6400xi32, #tpu.memory_space<hbm>>
      tpu.enqueue_dma source(%dma_start3A_1499 : memref<6400xi32, #tpu.memory_space<hbm>>) target(%arg5 : memref<6400xi32, #tpu.memory_space<vmem>>) target_semaphore(%run_scoped3A : memref<!tpu.dma_semaphore, #tpu.memory_space<semaphore_mem>>)
      %dma_wait3A_1500 = tpu.memref_slice %arg3[%mul3A_2] : memref<204800xi32, #tpu.memory_space<hbm>> -> memref<6400xi32, #tpu.memory_space<hbm>>
      %dma_wait3A_1501 = tpu.memref_slice %arg3[%mul3A_2] : memref<204800xi32, #tpu.memory_space<hbm>> -> memref<6400xi32, #tpu.memory_space<hbm>>
      tpu.wait_dma2 semaphore(%run_scoped3A : memref<!tpu.dma_semaphore, #tpu.memory_space<semaphore_mem>>) src(%dma_wait3A_1501 : memref<6400xi32, #tpu.memory_space<hbm>>) dst(%arg5 : memref<6400xi32, #tpu.memory_space<vmem>>)
      tpu.yield
    }) : () -> ()
    %mul3A_3 = arith.constant 50 : i32
    %mul3A_4 = arith.muli %add3A, %mul3A_3 : i32
    %dma_start3A = arith.constant 0 : i32
    %dma_start3A_5 = arith.constant 0 : i32
    %dma_start3A_6 = tpu.memref_slice %arg6[%dma_start3A, %dma_start3A_5] : memref<128x64xf32, #tpu.memory_space<vmem>> -> memref<128x64xf32, #tpu.memory_space<vmem>>
    %dma_start3A_7 = arith.constant 0 : i32
    %dma_start3A_8 = tpu.memref_slice %arg5[%dma_start3A_7] : memref<6400xi32, #tpu.memory_space<vmem>> -> memref<128xi32, #tpu.memory_space<vmem>>
    %dma_start3A_9 = arith.constant 0 : i32
    %dma_start3A_10 = arith.constant 0 : i32
    %dma_start3A_11 = tpu.memref_slice %arg2[%dma_start3A_9, %dma_start3A_10] : memref<100000x64xf32, #tpu.memory_space<hbm>> -> memref<100000x64xf32, #tpu.memory_space<hbm>>
    tpu.enqueue_indirect_dma source(%dma_start3A_11 : memref<100000x64xf32, #tpu.memory_space<hbm>>) target(%dma_start3A_6 : memref<128x64xf32, #tpu.memory_space<vmem>>) offsets(%dma_start3A_8 : memref<128xi32, #tpu.memory_space<vmem>>) semaphore(%arg16 : memref<!tpu.dma_semaphore, #tpu.memory_space<semaphore_mem>>)
    %dma_start3A_12 = arith.constant 0 : i32
    %dma_start3A_13 = arith.constant 0 : i32
    %dma_start3A_14 = tpu.memref_slice %arg7[%dma_start3A_12, %dma_start3A_13] : memref<128x64xf32, #tpu.memory_space<vmem>> -> memref<128x64xf32, #tpu.memory_space<vmem>>
    %dma_start3A_15 = arith.constant 128 : i32
    %dma_start3A_16 = tpu.memref_slice %arg5[%dma_start3A_15] : memref<6400xi32, #tpu.memory_space<vmem>> -> memref<128xi32, #tpu.memory_space<vmem>>
    %dma_start3A_17 = arith.constant 0 : i32
    %dma_start3A_18 = arith.constant 0 : i32
    %dma_start3A_19 = tpu.memref_slice %arg2[%dma_start3A_17, %dma_start3A_18] : memref<100000x64xf32, #tpu.memory_space<hbm>> -> memref<100000x64xf32, #tpu.memory_space<hbm>>
    tpu.enqueue_indirect_dma source(%dma_start3A_19 : memref<100000x64xf32, #tpu.memory_space<hbm>>) target(%dma_start3A_14 : memref<128x64xf32, #tpu.memory_space<vmem>>) offsets(%dma_start3A_16 : memref<128xi32, #tpu.memory_space<vmem>>) semaphore(%arg17 : memref<!tpu.dma_semaphore, #tpu.memory_space<semaphore_mem>>)
    %dma_start3A_20 = arith.constant 0 : i32
    %dma_start3A_21 = arith.constant 0 : i32
    %dma_start3A_22 = tpu.memref_slice %arg8[%dma_start3A_20, %dma_start3A_21] : memref<128x64xf32, #tpu.memory_space<vmem>> -> memref<128x64xf32, #tpu.memory_space<vmem>>
    %dma_start3A_23 = arith.constant 256 : i32
    %dma_start3A_24 = tpu.memref_slice %arg5[%dma_start3A_23] : memref<6400xi32, #tpu.memory_space<vmem>> -> memref<128xi32, #tpu.memory_space<vmem>>
    %dma_start3A_25 = arith.constant 0 : i32
    %dma_start3A_26 = arith.constant 0 : i32
    %dma_start3A_27 = tpu.memref_slice %arg2[%dma_start3A_25, %dma_start3A_26] : memref<100000x64xf32, #tpu.memory_space<hbm>> -> memref<100000x64xf32, #tpu.memory_space<hbm>>
    tpu.enqueue_indirect_dma source(%dma_start3A_27 : memref<100000x64xf32, #tpu.memory_space<hbm>>) target(%dma_start3A_22 : memref<128x64xf32, #tpu.memory_space<vmem>>) offsets(%dma_start3A_24 : memref<128xi32, #tpu.memory_space<vmem>>) semaphore(%arg18 : memref<!tpu.dma_semaphore, #tpu.memory_space<semaphore_mem>>)
    %dma_start3A_28 = arith.constant 0 : i32
    %dma_start3A_29 = arith.constant 0 : i32
    %dma_start3A_30 = tpu.memref_slice %arg9[%dma_start3A_28, %dma_start3A_29] : memref<128x64xf32, #tpu.memory_space<vmem>> -> memref<128x64xf32, #tpu.memory_space<vmem>>
    %dma_start3A_31 = arith.constant 384 : i32
    %dma_start3A_32 = tpu.memref_slice %arg5[%dma_start3A_31] : memref<6400xi32, #tpu.memory_space<vmem>> -> memref<128xi32, #tpu.memory_space<vmem>>
    %dma_start3A_33 = arith.constant 0 : i32
    %dma_start3A_34 = arith.constant 0 : i32
    %dma_start3A_35 = tpu.memref_slice %arg2[%dma_start3A_33, %dma_start3A_34] : memref<100000x64xf32, #tpu.memory_space<hbm>> -> memref<100000x64xf32, #tpu.memory_space<hbm>>
    tpu.enqueue_indirect_dma source(%dma_start3A_35 : memref<100000x64xf32, #tpu.memory_space<hbm>>) target(%dma_start3A_30 : memref<128x64xf32, #tpu.memory_space<vmem>>) offsets(%dma_start3A_32 : memref<128xi32, #tpu.memory_space<vmem>>) semaphore(%arg19 : memref<!tpu.dma_semaphore, #tpu.memory_space<semaphore_mem>>)
    %dma_start3A_36 = arith.constant 0 : i32
    %dma_start3A_37 = arith.constant 0 : i32
    %dma_start3A_38 = tpu.memref_slice %arg10[%dma_start3A_36, %dma_start3A_37] : memref<128x64xf32, #tpu.memory_space<vmem>> -> memref<128x64xf32, #tpu.memory_space<vmem>>
    %dma_start3A_39 = arith.constant 512 : i32
    %dma_start3A_40 = tpu.memref_slice %arg5[%dma_start3A_39] : memref<6400xi32, #tpu.memory_space<vmem>> -> memref<128xi32, #tpu.memory_space<vmem>>
    %dma_start3A_41 = arith.constant 0 : i32
    %dma_start3A_42 = arith.constant 0 : i32
    %dma_start3A_43 = tpu.memref_slice %arg2[%dma_start3A_41, %dma_start3A_42] : memref<100000x64xf32, #tpu.memory_space<hbm>> -> memref<100000x64xf32, #tpu.memory_space<hbm>>
    tpu.enqueue_indirect_dma source(%dma_start3A_43 : memref<100000x64xf32, #tpu.memory_space<hbm>>) target(%dma_start3A_38 : memref<128x64xf32, #tpu.memory_space<vmem>>) offsets(%dma_start3A_40 : memref<128xi32, #tpu.memory_space<vmem>>) semaphore(%arg20 : memref<!tpu.dma_semaphore, #tpu.memory_space<semaphore_mem>>)
    %dma_start3A_44 = arith.constant 0 : i32
    %dma_start3A_45 = arith.constant 0 : i32
    %dma_start3A_46 = tpu.memref_slice %arg11[%dma_start3A_44, %dma_start3A_45] : memref<128x64xf32, #tpu.memory_space<vmem>> -> memref<128x64xf32, #tpu.memory_space<vmem>>
    %dma_start3A_47 = arith.constant 640 : i32
    %dma_start3A_48 = tpu.memref_slice %arg5[%dma_start3A_47] : memref<6400xi32, #tpu.memory_space<vmem>> -> memref<128xi32, #tpu.memory_space<vmem>>
    %dma_start3A_49 = arith.constant 0 : i32
    %dma_start3A_50 = arith.constant 0 : i32
    %dma_start3A_51 = tpu.memref_slice %arg2[%dma_start3A_49, %dma_start3A_50] : memref<100000x64xf32, #tpu.memory_space<hbm>> -> memref<100000x64xf32, #tpu.memory_space<hbm>>
    tpu.enqueue_indirect_dma source(%dma_start3A_51 : memref<100000x64xf32, #tpu.memory_space<hbm>>) target(%dma_start3A_46 : memref<128x64xf32, #tpu.memory_space<vmem>>) offsets(%dma_start3A_48 : memref<128xi32, #tpu.memory_space<vmem>>) semaphore(%arg21 : memref<!tpu.dma_semaphore, #tpu.memory_space<semaphore_mem>>)
    %dma_start3A_52 = arith.constant 0 : i32
    %dma_start3A_53 = arith.constant 0 : i32
    %dma_start3A_54 = tpu.memref_slice %arg12[%dma_start3A_52, %dma_start3A_53] : memref<128x64xf32, #tpu.memory_space<vmem>> -> memref<128x64xf32, #tpu.memory_space<vmem>>
    %dma_start3A_55 = arith.constant 768 : i32
    %dma_start3A_56 = tpu.memref_slice %arg5[%dma_start3A_55] : memref<6400xi32, #tpu.memory_space<vmem>> -> memref<128xi32, #tpu.memory_space<vmem>>
    %dma_start3A_57 = arith.constant 0 : i32
    %dma_start3A_58 = arith.constant 0 : i32
    %dma_start3A_59 = tpu.memref_slice %arg2[%dma_start3A_57, %dma_start3A_58] : memref<100000x64xf32, #tpu.memory_space<hbm>> -> memref<100000x64xf32, #tpu.memory_space<hbm>>
    tpu.enqueue_indirect_dma source(%dma_start3A_59 : memref<100000x64xf32, #tpu.memory_space<hbm>>) target(%dma_start3A_54 : memref<128x64xf32, #tpu.memory_space<vmem>>) offsets(%dma_start3A_56 : memref<128xi32, #tpu.memory_space<vmem>>) semaphore(%arg22 : memref<!tpu.dma_semaphore, #tpu.memory_space<semaphore_mem>>)
    %dma_start3A_60 = arith.constant 0 : i32
    %dma_start3A_61 = arith.constant 0 : i32
    %dma_start3A_62 = tpu.memref_slice %arg13[%dma_start3A_60, %dma_start3A_61] : memref<128x64xf32, #tpu.memory_space<vmem>> -> memref<128x64xf32, #tpu.memory_space<vmem>>
    %dma_start3A_63 = arith.constant 896 : i32
    %dma_start3A_64 = tpu.memref_slice %arg5[%dma_start3A_63] : memref<6400xi32, #tpu.memory_space<vmem>> -> memref<128xi32, #tpu.memory_space<vmem>>
    %dma_start3A_65 = arith.constant 0 : i32
    %dma_start3A_66 = arith.constant 0 : i32
    %dma_start3A_67 = tpu.memref_slice %arg2[%dma_start3A_65, %dma_start3A_66] : memref<100000x64xf32, #tpu.memory_space<hbm>> -> memref<100000x64xf32, #tpu.memory_space<hbm>>
    tpu.enqueue_indirect_dma source(%dma_start3A_67 : memref<100000x64xf32, #tpu.memory_space<hbm>>) target(%dma_start3A_62 : memref<128x64xf32, #tpu.memory_space<vmem>>) offsets(%dma_start3A_64 : memref<128xi32, #tpu.memory_space<vmem>>) semaphore(%arg23 : memref<!tpu.dma_semaphore, #tpu.memory_space<semaphore_mem>>)
    %dma_start3A_68 = arith.constant 0 : i32
    %dma_start3A_69 = arith.constant 0 : i32
    %dma_start3A_70 = tpu.memref_slice %arg14[%dma_start3A_68, %dma_start3A_69] : memref<128x64xf32, #tpu.memory_space<vmem>> -> memref<128x64xf32, #tpu.memory_space<vmem>>
    %dma_start3A_71 = arith.constant 1024 : i32
    %dma_start3A_72 = tpu.memref_slice %arg5[%dma_start3A_71] : memref<6400xi32, #tpu.memory_space<vmem>> -> memref<128xi32, #tpu.memory_space<vmem>>
    %dma_start3A_73 = arith.constant 0 : i32
    %dma_start3A_74 = arith.constant 0 : i32
    %dma_start3A_75 = tpu.memref_slice %arg2[%dma_start3A_73, %dma_start3A_74] : memref<100000x64xf32, #tpu.memory_space<hbm>> -> memref<100000x64xf32, #tpu.memory_space<hbm>>
    tpu.enqueue_indirect_dma source(%dma_start3A_75 : memref<100000x64xf32, #tpu.memory_space<hbm>>) target(%dma_start3A_70 : memref<128x64xf32, #tpu.memory_space<vmem>>) offsets(%dma_start3A_72 : memref<128xi32, #tpu.memory_space<vmem>>) semaphore(%arg24 : memref<!tpu.dma_semaphore, #tpu.memory_space<semaphore_mem>>)
    %dma_wait3A = arith.constant 0 : i32
    %dma_wait3A_76 = arith.constant 0 : i32
    %dma_wait3A_77 = tpu.memref_slice %arg6[%dma_wait3A, %dma_wait3A_76] : memref<128x64xf32, #tpu.memory_space<vmem>> -> memref<128x64xf32, #tpu.memory_space<vmem>>
    %dma_wait3A_78 = arith.constant 0 : i32
    %dma_wait3A_79 = tpu.memref_slice %arg5[%dma_wait3A_78] : memref<6400xi32, #tpu.memory_space<vmem>> -> memref<128xi32, #tpu.memory_space<vmem>>
    %dma_wait3A_80 = arith.constant 0 : i32
    %dma_wait3A_81 = arith.constant 0 : i32
    %dma_wait3A_82 = tpu.memref_slice %arg2[%dma_wait3A_80, %dma_wait3A_81] : memref<100000x64xf32, #tpu.memory_space<hbm>> -> memref<100000x64xf32, #tpu.memory_space<hbm>>
    tpu.wait_indirect_dma semaphore(%arg16 : memref<!tpu.dma_semaphore, #tpu.memory_space<semaphore_mem>>) src(%dma_wait3A_82 : memref<100000x64xf32, #tpu.memory_space<hbm>>) dst(%dma_wait3A_77 : memref<128x64xf32, #tpu.memory_space<vmem>>)
    %add3A_83 = arith.constant 0 : i32
    %add3A_84 = arith.addi %mul3A_4, %add3A_83 : i32
    %jit3A = arith.constant 32 : i32
    %div3A = arith.divsi %add3A_84, %jit3A : i32
    %sign3A = arith.constant 0 : i32
    %sign3A_85 = arith.cmpi sgt, %add3A_84, %sign3A : i32
    %sign3A_86 = arith.extui %sign3A_85 : i1 to i32
    %sign3A_87 = arith.constant 0 : i32
    %sign3A_88 = arith.cmpi slt, %add3A_84, %sign3A_87 : i32
    %sign3A_89 = arith.extui %sign3A_88 : i1 to i32
    %sign3A_90 = arith.subi %sign3A_86, %sign3A_89 : i32
    %sign3A_91 = arith.constant 0 : i32
    %sign3A_92 = arith.cmpi sgt, %jit3A, %sign3A_91 : i32
    %sign3A_93 = arith.extui %sign3A_92 : i1 to i32
    %sign3A_94 = arith.constant 0 : i32
    %sign3A_95 = arith.cmpi slt, %jit3A, %sign3A_94 : i32
    %sign3A_96 = arith.extui %sign3A_95 : i1 to i32
    %sign3A_97 = arith.subi %sign3A_93, %sign3A_96 : i32
    %ne3A = arith.cmpi ne, %sign3A_90, %sign3A_97 : i32
    %rem3A = arith.remsi %add3A_84, %jit3A : i32
    %ne3A_98 = arith.constant 0 : i32
    %ne3A_99 = arith.cmpi ne, %rem3A, %ne3A_98 : i32
    %and3A = arith.andi %ne3A, %ne3A_99 : i1
    %sub3A = arith.constant 1 : i32
    %sub3A_100 = arith.subi %div3A, %sub3A : i32
    %select_n3A = arith.select %and3A, %sub3A_100, %div3A : i32
    %jit3A_101 = arith.constant 32 : i32
    %eq3A = arith.constant 0 : i32
    %eq3A_102 = arith.cmpi eq, %jit3A_101, %eq3A : i32
    %jit3A_103 = arith.constant 1 : i32
    %select_n3A_104 = arith.select %eq3A_102, %jit3A_103, %jit3A_101 : i32
    %rem3A_105 = arith.remsi %add3A_84, %select_n3A_104 : i32
    %ne3A_106 = arith.constant 0 : i32
    %ne3A_107 = arith.cmpi ne, %rem3A_105, %ne3A_106 : i32
    %lt3A = arith.constant 0 : i32
    %lt3A_108 = arith.cmpi slt, %rem3A_105, %lt3A : i32
    %lt3A_109 = arith.constant 0 : i32
    %lt3A_110 = arith.cmpi slt, %select_n3A_104, %lt3A_109 : i32
    %ne3A_111 = arith.xori %lt3A_108, %lt3A_110 : i1
    %and3A_112 = arith.andi %ne3A_111, %ne3A_107 : i1
    %add3A_113 = arith.addi %rem3A_105, %select_n3A_104 : i32
    %select_n3A_114 = arith.select %and3A_112, %add3A_113, %rem3A_105 : i32
    %mul3A_115 = arith.constant 128 : i32
    %mul3A_116 = arith.muli %select_n3A_114, %mul3A_115 : i32
    %dma_start3A_117 = arith.constant 0 : i32
    %dma_start3A_118 = tpu.memref_slice %arg4[%select_n3A, %mul3A_116, %dma_start3A_117] : memref<50x4096x64xf32, #tpu.memory_space<hbm>> -> memref<1x128x64xf32, #tpu.memory_space<hbm>>
    %dma_start3A_119 = tpu.memref_squeeze %dma_start3A_118 : memref<1x128x64xf32, #tpu.memory_space<hbm>> -> memref<128x64xf32, #tpu.memory_space<hbm>>
    %dma_start3A_120 = arith.constant 0 : i32
    %dma_start3A_121 = tpu.memref_slice %arg4[%select_n3A, %mul3A_116, %dma_start3A_120] : memref<50x4096x64xf32, #tpu.memory_space<hbm>> -> memref<1x128x64xf32, #tpu.memory_space<hbm>>
    %dma_start3A_122 = tpu.memref_squeeze %dma_start3A_121 : memref<1x128x64xf32, #tpu.memory_space<hbm>> -> memref<128x64xf32, #tpu.memory_space<hbm>>
    tpu.enqueue_dma source(%arg6 : memref<128x64xf32, #tpu.memory_space<vmem>>) target(%dma_start3A_122 : memref<128x64xf32, #tpu.memory_space<hbm>>) target_semaphore(%arg26 : memref<!tpu.dma_semaphore, #tpu.memory_space<semaphore_mem>>)
    %dma_start3A_123 = arith.constant 0 : i32
    %dma_start3A_124 = arith.constant 0 : i32
    %dma_start3A_125 = tpu.memref_slice %arg15[%dma_start3A_123, %dma_start3A_124] : memref<128x64xf32, #tpu.memory_space<vmem>> -> memref<128x64xf32, #tpu.memory_space<vmem>>
    %dma_start3A_126 = arith.constant 1152 : i32
    %dma_start3A_127 = tpu.memref_slice %arg5[%dma_start3A_126] : memref<6400xi32, #tpu.memory_space<vmem>> -> memref<128xi32, #tpu.memory_space<vmem>>
    %dma_start3A_128 = arith.constant 0 : i32
    %dma_start3A_129 = arith.constant 0 : i32
    %dma_start3A_130 = tpu.memref_slice %arg2[%dma_start3A_128, %dma_start3A_129] : memref<100000x64xf32, #tpu.memory_space<hbm>> -> memref<100000x64xf32, #tpu.memory_space<hbm>>
    tpu.enqueue_indirect_dma source(%dma_start3A_130 : memref<100000x64xf32, #tpu.memory_space<hbm>>) target(%dma_start3A_125 : memref<128x64xf32, #tpu.memory_space<vmem>>) offsets(%dma_start3A_127 : memref<128xi32, #tpu.memory_space<vmem>>) semaphore(%arg25 : memref<!tpu.dma_semaphore, #tpu.memory_space<semaphore_mem>>)
    %dma_wait3A_131 = arith.constant 0 : i32
    %dma_wait3A_132 = arith.constant 0 : i32
    %dma_wait3A_133 = tpu.memref_slice %arg7[%dma_wait3A_131, %dma_wait3A_132] : memref<128x64xf32, #tpu.memory_space<vmem>> -> memref<128x64xf32, #tpu.memory_space<vmem>>
    %dma_wait3A_134 = arith.constant 0 : i32
    %dma_wait3A_135 = tpu.memref_slice %arg5[%dma_wait3A_134] : memref<6400xi32, #tpu.memory_space<vmem>> -> memref<128xi32, #tpu.memory_space<vmem>>
    %dma_wait3A_136 = arith.constant 0 : i32
    %dma_wait3A_137 = arith.constant 0 : i32
    %dma_wait3A_138 = tpu.memref_slice %arg2[%dma_wait3A_136, %dma_wait3A_137] : memref<100000x64xf32, #tpu.memory_space<hbm>> -> memref<100000x64xf32, #tpu.memory_space<hbm>>
    tpu.wait_indirect_dma semaphore(%arg17 : memref<!tpu.dma_semaphore, #tpu.memory_space<semaphore_mem>>) src(%dma_wait3A_138 : memref<100000x64xf32, #tpu.memory_space<hbm>>) dst(%dma_wait3A_133 : memref<128x64xf32, #tpu.memory_space<vmem>>)
    %add3A_139 = arith.constant 1 : i32
    %add3A_140 = arith.addi %mul3A_4, %add3A_139 : i32
    %jit3A_141 = arith.constant 32 : i32
    %div3A_142 = arith.divsi %add3A_140, %jit3A_141 : i32
    %sign3A_143 = arith.constant 0 : i32
    %sign3A_144 = arith.cmpi sgt, %add3A_140, %sign3A_143 : i32
    %sign3A_145 = arith.extui %sign3A_144 : i1 to i32
    %sign3A_146 = arith.constant 0 : i32
    %sign3A_147 = arith.cmpi slt, %add3A_140, %sign3A_146 : i32
    %sign3A_148 = arith.extui %sign3A_147 : i1 to i32
    %sign3A_149 = arith.subi %sign3A_145, %sign3A_148 : i32
    %sign3A_150 = arith.constant 0 : i32
    %sign3A_151 = arith.cmpi sgt, %jit3A_141, %sign3A_150 : i32
    %sign3A_152 = arith.extui %sign3A_151 : i1 to i32
    %sign3A_153 = arith.constant 0 : i32
    %sign3A_154 = arith.cmpi slt, %jit3A_141, %sign3A_153 : i32
    %sign3A_155 = arith.extui %sign3A_154 : i1 to i32
    %sign3A_156 = arith.subi %sign3A_152, %sign3A_155 : i32
    %ne3A_157 = arith.cmpi ne, %sign3A_149, %sign3A_156 : i32
    %rem3A_158 = arith.remsi %add3A_140, %jit3A_141 : i32
    %ne3A_159 = arith.constant 0 : i32
    %ne3A_160 = arith.cmpi ne, %rem3A_158, %ne3A_159 : i32
    %and3A_161 = arith.andi %ne3A_157, %ne3A_160 : i1
    %sub3A_162 = arith.constant 1 : i32
    %sub3A_163 = arith.subi %div3A_142, %sub3A_162 : i32
    %select_n3A_164 = arith.select %and3A_161, %sub3A_163, %div3A_142 : i32
    %jit3A_165 = arith.constant 32 : i32
    %eq3A_166 = arith.constant 0 : i32
    %eq3A_167 = arith.cmpi eq, %jit3A_165, %eq3A_166 : i32
    %jit3A_168 = arith.constant 1 : i32
    %select_n3A_169 = arith.select %eq3A_167, %jit3A_168, %jit3A_165 : i32
    %rem3A_170 = arith.remsi %add3A_140, %select_n3A_169 : i32
    %ne3A_171 = arith.constant 0 : i32
    %ne3A_172 = arith.cmpi ne, %rem3A_170, %ne3A_171 : i32
    %lt3A_173 = arith.constant 0 : i32
    %lt3A_174 = arith.cmpi slt, %rem3A_170, %lt3A_173 : i32
    %lt3A_175 = arith.constant 0 : i32
    %lt3A_176 = arith.cmpi slt, %select_n3A_169, %lt3A_175 : i32
    %ne3A_177 = arith.xori %lt3A_174, %lt3A_176 : i1
    %and3A_178 = arith.andi %ne3A_177, %ne3A_172 : i1
    %add3A_179 = arith.addi %rem3A_170, %select_n3A_169 : i32
    %select_n3A_180 = arith.select %and3A_178, %add3A_179, %rem3A_170 : i32
    %mul3A_181 = arith.constant 128 : i32
    %mul3A_182 = arith.muli %select_n3A_180, %mul3A_181 : i32
    %dma_start3A_183 = arith.constant 0 : i32
    %dma_start3A_184 = tpu.memref_slice %arg4[%select_n3A_164, %mul3A_182, %dma_start3A_183] : memref<50x4096x64xf32, #tpu.memory_space<hbm>> -> memref<1x128x64xf32, #tpu.memory_space<hbm>>
    %dma_start3A_185 = tpu.memref_squeeze %dma_start3A_184 : memref<1x128x64xf32, #tpu.memory_space<hbm>> -> memref<128x64xf32, #tpu.memory_space<hbm>>
    %dma_start3A_186 = arith.constant 0 : i32
    %dma_start3A_187 = tpu.memref_slice %arg4[%select_n3A_164, %mul3A_182, %dma_start3A_186] : memref<50x4096x64xf32, #tpu.memory_space<hbm>> -> memref<1x128x64xf32, #tpu.memory_space<hbm>>
    %dma_start3A_188 = tpu.memref_squeeze %dma_start3A_187 : memref<1x128x64xf32, #tpu.memory_space<hbm>> -> memref<128x64xf32, #tpu.memory_space<hbm>>
    tpu.enqueue_dma source(%arg7 : memref<128x64xf32, #tpu.memory_space<vmem>>) target(%dma_start3A_188 : memref<128x64xf32, #tpu.memory_space<hbm>>) target_semaphore(%arg27 : memref<!tpu.dma_semaphore, #tpu.memory_space<semaphore_mem>>)
    %dma_wait3A_189 = arith.constant 0 : i32
    %dma_wait3A_190 = arith.constant 0 : i32
    %dma_wait3A_191 = arith.constant 0 : i32
    %dma_wait3A_192 = tpu.memref_slice %arg4[%dma_wait3A_189, %dma_wait3A_190, %dma_wait3A_191] : memref<50x4096x64xf32, #tpu.memory_space<hbm>> -> memref<1x128x64xf32, #tpu.memory_space<hbm>>
    %dma_wait3A_193 = tpu.memref_squeeze %dma_wait3A_192 : memref<1x128x64xf32, #tpu.memory_space<hbm>> -> memref<128x64xf32, #tpu.memory_space<hbm>>
    %dma_wait3A_194 = arith.constant 0 : i32
    %dma_wait3A_195 = arith.constant 0 : i32
    %dma_wait3A_196 = tpu.memref_slice %arg4[%dma_wait3A_189, %dma_wait3A_194, %dma_wait3A_195] : memref<50x4096x64xf32, #tpu.memory_space<hbm>> -> memref<1x128x64xf32, #tpu.memory_space<hbm>>
    %dma_wait3A_197 = tpu.memref_squeeze %dma_wait3A_196 : memref<1x128x64xf32, #tpu.memory_space<hbm>> -> memref<128x64xf32, #tpu.memory_space<hbm>>
    tpu.wait_dma2 semaphore(%arg26 : memref<!tpu.dma_semaphore, #tpu.memory_space<semaphore_mem>>) src(%arg6 : memref<128x64xf32, #tpu.memory_space<vmem>>) dst(%dma_wait3A_197 : memref<128x64xf32, #tpu.memory_space<hbm>>)
    %dma_start3A_198 = arith.constant 0 : i32
    %dma_start3A_199 = arith.constant 0 : i32
    %dma_start3A_200 = tpu.memref_slice %arg6[%dma_start3A_198, %dma_start3A_199] : memref<128x64xf32, #tpu.memory_space<vmem>> -> memref<128x64xf32, #tpu.memory_space<vmem>>
    %dma_start3A_201 = arith.constant 1280 : i32
    %dma_start3A_202 = tpu.memref_slice %arg5[%dma_start3A_201] : memref<6400xi32, #tpu.memory_space<vmem>> -> memref<128xi32, #tpu.memory_space<vmem>>
    %dma_start3A_203 = arith.constant 0 : i32
    %dma_start3A_204 = arith.constant 0 : i32
    %dma_start3A_205 = tpu.memref_slice %arg2[%dma_start3A_203, %dma_start3A_204] : memref<100000x64xf32, #tpu.memory_space<hbm>> -> memref<100000x64xf32, #tpu.memory_space<hbm>>
    tpu.enqueue_indirect_dma source(%dma_start3A_205 : memref<100000x64xf32, #tpu.memory_space<hbm>>) target(%dma_start3A_200 : memref<128x64xf32, #tpu.memory_space<vmem>>) offsets(%dma_start3A_202 : memref<128xi32, #tpu.memory_space<vmem>>) semaphore(%arg16 : memref<!tpu.dma_semaphore, #tpu.memory_space<semaphore_mem>>)
    %dma_wait3A_206 = arith.constant 0 : i32
    %dma_wait3A_207 = arith.constant 0 : i32
    %dma_wait3A_208 = tpu.memref_slice %arg8[%dma_wait3A_206, %dma_wait3A_207] : memref<128x64xf32, #tpu.memory_space<vmem>> -> memref<128x64xf32, #tpu.memory_space<vmem>>
    %dma_wait3A_209 = arith.constant 0 : i32
    %dma_wait3A_210 = tpu.memref_slice %arg5[%dma_wait3A_209] : memref<6400xi32, #tpu.memory_space<vmem>> -> memref<128xi32, #tpu.memory_space<vmem>>
    %dma_wait3A_211 = arith.constant 0 : i32
    %dma_wait3A_212 = arith.constant 0 : i32
    %dma_wait3A_213 = tpu.memref_slice %arg2[%dma_wait3A_211, %dma_wait3A_212] : memref<100000x64xf32, #tpu.memory_space<hbm>> -> memref<100000x64xf32, #tpu.memory_space<hbm>>
    tpu.wait_indirect_dma semaphore(%arg18 : memref<!tpu.dma_semaphore, #tpu.memory_space<semaphore_mem>>) src(%dma_wait3A_213 : memref<100000x64xf32, #tpu.memory_space<hbm>>) dst(%dma_wait3A_208 : memref<128x64xf32, #tpu.memory_space<vmem>>)
    %add3A_214 = arith.constant 2 : i32
    %add3A_215 = arith.addi %mul3A_4, %add3A_214 : i32
    %jit3A_216 = arith.constant 32 : i32
    %div3A_217 = arith.divsi %add3A_215, %jit3A_216 : i32
    %sign3A_218 = arith.constant 0 : i32
    %sign3A_219 = arith.cmpi sgt, %add3A_215, %sign3A_218 : i32
    %sign3A_220 = arith.extui %sign3A_219 : i1 to i32
    %sign3A_221 = arith.constant 0 : i32
    %sign3A_222 = arith.cmpi slt, %add3A_215, %sign3A_221 : i32
    %sign3A_223 = arith.extui %sign3A_222 : i1 to i32
    %sign3A_224 = arith.subi %sign3A_220, %sign3A_223 : i32
    %sign3A_225 = arith.constant 0 : i32
    %sign3A_226 = arith.cmpi sgt, %jit3A_216, %sign3A_225 : i32
    %sign3A_227 = arith.extui %sign3A_226 : i1 to i32
    %sign3A_228 = arith.constant 0 : i32
    %sign3A_229 = arith.cmpi slt, %jit3A_216, %sign3A_228 : i32
    %sign3A_230 = arith.extui %sign3A_229 : i1 to i32
    %sign3A_231 = arith.subi %sign3A_227, %sign3A_230 : i32
    %ne3A_232 = arith.cmpi ne, %sign3A_224, %sign3A_231 : i32
    %rem3A_233 = arith.remsi %add3A_215, %jit3A_216 : i32
    %ne3A_234 = arith.constant 0 : i32
    %ne3A_235 = arith.cmpi ne, %rem3A_233, %ne3A_234 : i32
    %and3A_236 = arith.andi %ne3A_232, %ne3A_235 : i1
    %sub3A_237 = arith.constant 1 : i32
    %sub3A_238 = arith.subi %div3A_217, %sub3A_237 : i32
    %select_n3A_239 = arith.select %and3A_236, %sub3A_238, %div3A_217 : i32
    %jit3A_240 = arith.constant 32 : i32
    %eq3A_241 = arith.constant 0 : i32
    %eq3A_242 = arith.cmpi eq, %jit3A_240, %eq3A_241 : i32
    %jit3A_243 = arith.constant 1 : i32
    %select_n3A_244 = arith.select %eq3A_242, %jit3A_243, %jit3A_240 : i32
    %rem3A_245 = arith.remsi %add3A_215, %select_n3A_244 : i32
    %ne3A_246 = arith.constant 0 : i32
    %ne3A_247 = arith.cmpi ne, %rem3A_245, %ne3A_246 : i32
    %lt3A_248 = arith.constant 0 : i32
    %lt3A_249 = arith.cmpi slt, %rem3A_245, %lt3A_248 : i32
    %lt3A_250 = arith.constant 0 : i32
    %lt3A_251 = arith.cmpi slt, %select_n3A_244, %lt3A_250 : i32
    %ne3A_252 = arith.xori %lt3A_249, %lt3A_251 : i1
    %and3A_253 = arith.andi %ne3A_252, %ne3A_247 : i1
    %add3A_254 = arith.addi %rem3A_245, %select_n3A_244 : i32
    %select_n3A_255 = arith.select %and3A_253, %add3A_254, %rem3A_245 : i32
    %mul3A_256 = arith.constant 128 : i32
    %mul3A_257 = arith.muli %select_n3A_255, %mul3A_256 : i32
    %dma_start3A_258 = arith.constant 0 : i32
    %dma_start3A_259 = tpu.memref_slice %arg4[%select_n3A_239, %mul3A_257, %dma_start3A_258] : memref<50x4096x64xf32, #tpu.memory_space<hbm>> -> memref<1x128x64xf32, #tpu.memory_space<hbm>>
    %dma_start3A_260 = tpu.memref_squeeze %dma_start3A_259 : memref<1x128x64xf32, #tpu.memory_space<hbm>> -> memref<128x64xf32, #tpu.memory_space<hbm>>
    %dma_start3A_261 = arith.constant 0 : i32
    %dma_start3A_262 = tpu.memref_slice %arg4[%select_n3A_239, %mul3A_257, %dma_start3A_261] : memref<50x4096x64xf32, #tpu.memory_space<hbm>> -> memref<1x128x64xf32, #tpu.memory_space<hbm>>
    %dma_start3A_263 = tpu.memref_squeeze %dma_start3A_262 : memref<1x128x64xf32, #tpu.memory_space<hbm>> -> memref<128x64xf32, #tpu.memory_space<hbm>>
    tpu.enqueue_dma source(%arg8 : memref<128x64xf32, #tpu.memory_space<vmem>>) target(%dma_start3A_263 : memref<128x64xf32, #tpu.memory_space<hbm>>) target_semaphore(%arg28 : memref<!tpu.dma_semaphore, #tpu.memory_space<semaphore_mem>>)
    %dma_wait3A_264 = arith.constant 0 : i32
    %dma_wait3A_265 = arith.constant 0 : i32
    %dma_wait3A_266 = arith.constant 0 : i32
    %dma_wait3A_267 = tpu.memref_slice %arg4[%dma_wait3A_264, %dma_wait3A_265, %dma_wait3A_266] : memref<50x4096x64xf32, #tpu.memory_space<hbm>> -> memref<1x128x64xf32, #tpu.memory_space<hbm>>
    %dma_wait3A_268 = tpu.memref_squeeze %dma_wait3A_267 : memref<1x128x64xf32, #tpu.memory_space<hbm>> -> memref<128x64xf32, #tpu.memory_space<hbm>>
    %dma_wait3A_269 = arith.constant 0 : i32
    %dma_wait3A_270 = arith.constant 0 : i32
    %dma_wait3A_271 = tpu.memref_slice %arg4[%dma_wait3A_264, %dma_wait3A_269, %dma_wait3A_270] : memref<50x4096x64xf32, #tpu.memory_space<hbm>> -> memref<1x128x64xf32, #tpu.memory_space<hbm>>
    %dma_wait3A_272 = tpu.memref_squeeze %dma_wait3A_271 : memref<1x128x64xf32, #tpu.memory_space<hbm>> -> memref<128x64xf32, #tpu.memory_space<hbm>>
    tpu.wait_dma2 semaphore(%arg27 : memref<!tpu.dma_semaphore, #tpu.memory_space<semaphore_mem>>) src(%arg7 : memref<128x64xf32, #tpu.memory_space<vmem>>) dst(%dma_wait3A_272 : memref<128x64xf32, #tpu.memory_space<hbm>>)
    %dma_start3A_273 = arith.constant 0 : i32
    %dma_start3A_274 = arith.constant 0 : i32
    %dma_start3A_275 = tpu.memref_slice %arg7[%dma_start3A_273, %dma_start3A_274] : memref<128x64xf32, #tpu.memory_space<vmem>> -> memref<128x64xf32, #tpu.memory_space<vmem>>
    %dma_start3A_276 = arith.constant 1408 : i32
    %dma_start3A_277 = tpu.memref_slice %arg5[%dma_start3A_276] : memref<6400xi32, #tpu.memory_space<vmem>> -> memref<128xi32, #tpu.memory_space<vmem>>
    %dma_start3A_278 = arith.constant 0 : i32
    %dma_start3A_279 = arith.constant 0 : i32
    %dma_start3A_280 = tpu.memref_slice %arg2[%dma_start3A_278, %dma_start3A_279] : memref<100000x64xf32, #tpu.memory_space<hbm>> -> memref<100000x64xf32, #tpu.memory_space<hbm>>
    tpu.enqueue_indirect_dma source(%dma_start3A_280 : memref<100000x64xf32, #tpu.memory_space<hbm>>) target(%dma_start3A_275 : memref<128x64xf32, #tpu.memory_space<vmem>>) offsets(%dma_start3A_277 : memref<128xi32, #tpu.memory_space<vmem>>) semaphore(%arg17 : memref<!tpu.dma_semaphore, #tpu.memory_space<semaphore_mem>>)
    %dma_wait3A_281 = arith.constant 0 : i32
    %dma_wait3A_282 = arith.constant 0 : i32
    %dma_wait3A_283 = tpu.memref_slice %arg9[%dma_wait3A_281, %dma_wait3A_282] : memref<128x64xf32, #tpu.memory_space<vmem>> -> memref<128x64xf32, #tpu.memory_space<vmem>>
    %dma_wait3A_284 = arith.constant 0 : i32
    %dma_wait3A_285 = tpu.memref_slice %arg5[%dma_wait3A_284] : memref<6400xi32, #tpu.memory_space<vmem>> -> memref<128xi32, #tpu.memory_space<vmem>>
    %dma_wait3A_286 = arith.constant 0 : i32
    %dma_wait3A_287 = arith.constant 0 : i32
    %dma_wait3A_288 = tpu.memref_slice %arg2[%dma_wait3A_286, %dma_wait3A_287] : memref<100000x64xf32, #tpu.memory_space<hbm>> -> memref<100000x64xf32, #tpu.memory_space<hbm>>
    tpu.wait_indirect_dma semaphore(%arg19 : memref<!tpu.dma_semaphore, #tpu.memory_space<semaphore_mem>>) src(%dma_wait3A_288 : memref<100000x64xf32, #tpu.memory_space<hbm>>) dst(%dma_wait3A_283 : memref<128x64xf32, #tpu.memory_space<vmem>>)
    %add3A_289 = arith.constant 3 : i32
    %add3A_290 = arith.addi %mul3A_4, %add3A_289 : i32
    %jit3A_291 = arith.constant 32 : i32
    %div3A_292 = arith.divsi %add3A_290, %jit3A_291 : i32
    %sign3A_293 = arith.constant 0 : i32
    %sign3A_294 = arith.cmpi sgt, %add3A_290, %sign3A_293 : i32
    %sign3A_295 = arith.extui %sign3A_294 : i1 to i32
    %sign3A_296 = arith.constant 0 : i32
    %sign3A_297 = arith.cmpi slt, %add3A_290, %sign3A_296 : i32
    %sign3A_298 = arith.extui %sign3A_297 : i1 to i32
    %sign3A_299 = arith.subi %sign3A_295, %sign3A_298 : i32
    %sign3A_300 = arith.constant 0 : i32
    %sign3A_301 = arith.cmpi sgt, %jit3A_291, %sign3A_300 : i32
    %sign3A_302 = arith.extui %sign3A_301 : i1 to i32
    %sign3A_303 = arith.constant 0 : i32
    %sign3A_304 = arith.cmpi slt, %jit3A_291, %sign3A_303 : i32
    %sign3A_305 = arith.extui %sign3A_304 : i1 to i32
    %sign3A_306 = arith.subi %sign3A_302, %sign3A_305 : i32
    %ne3A_307 = arith.cmpi ne, %sign3A_299, %sign3A_306 : i32
    %rem3A_308 = arith.remsi %add3A_290, %jit3A_291 : i32
    %ne3A_309 = arith.constant 0 : i32
    %ne3A_310 = arith.cmpi ne, %rem3A_308, %ne3A_309 : i32
    %and3A_311 = arith.andi %ne3A_307, %ne3A_310 : i1
    %sub3A_312 = arith.constant 1 : i32
    %sub3A_313 = arith.subi %div3A_292, %sub3A_312 : i32
    %select_n3A_314 = arith.select %and3A_311, %sub3A_313, %div3A_292 : i32
    %jit3A_315 = arith.constant 32 : i32
    %eq3A_316 = arith.constant 0 : i32
    %eq3A_317 = arith.cmpi eq, %jit3A_315, %eq3A_316 : i32
    %jit3A_318 = arith.constant 1 : i32
    %select_n3A_319 = arith.select %eq3A_317, %jit3A_318, %jit3A_315 : i32
    %rem3A_320 = arith.remsi %add3A_290, %select_n3A_319 : i32
    %ne3A_321 = arith.constant 0 : i32
    %ne3A_322 = arith.cmpi ne, %rem3A_320, %ne3A_321 : i32
    %lt3A_323 = arith.constant 0 : i32
    %lt3A_324 = arith.cmpi slt, %rem3A_320, %lt3A_323 : i32
    %lt3A_325 = arith.constant 0 : i32
    %lt3A_326 = arith.cmpi slt, %select_n3A_319, %lt3A_325 : i32
    %ne3A_327 = arith.xori %lt3A_324, %lt3A_326 : i1
    %and3A_328 = arith.andi %ne3A_327, %ne3A_322 : i1
    %add3A_329 = arith.addi %rem3A_320, %select_n3A_319 : i32
    %select_n3A_330 = arith.select %and3A_328, %add3A_329, %rem3A_320 : i32
    %mul3A_331 = arith.constant 128 : i32
    %mul3A_332 = arith.muli %select_n3A_330, %mul3A_331 : i32
    %dma_start3A_333 = arith.constant 0 : i32
    %dma_start3A_334 = tpu.memref_slice %arg4[%select_n3A_314, %mul3A_332, %dma_start3A_333] : memref<50x4096x64xf32, #tpu.memory_space<hbm>> -> memref<1x128x64xf32, #tpu.memory_space<hbm>>
    %dma_start3A_335 = tpu.memref_squeeze %dma_start3A_334 : memref<1x128x64xf32, #tpu.memory_space<hbm>> -> memref<128x64xf32, #tpu.memory_space<hbm>>
    %dma_start3A_336 = arith.constant 0 : i32
    %dma_start3A_337 = tpu.memref_slice %arg4[%select_n3A_314, %mul3A_332, %dma_start3A_336] : memref<50x4096x64xf32, #tpu.memory_space<hbm>> -> memref<1x128x64xf32, #tpu.memory_space<hbm>>
    %dma_start3A_338 = tpu.memref_squeeze %dma_start3A_337 : memref<1x128x64xf32, #tpu.memory_space<hbm>> -> memref<128x64xf32, #tpu.memory_space<hbm>>
    tpu.enqueue_dma source(%arg9 : memref<128x64xf32, #tpu.memory_space<vmem>>) target(%dma_start3A_338 : memref<128x64xf32, #tpu.memory_space<hbm>>) target_semaphore(%arg29 : memref<!tpu.dma_semaphore, #tpu.memory_space<semaphore_mem>>)
    %dma_wait3A_339 = arith.constant 0 : i32
    %dma_wait3A_340 = arith.constant 0 : i32
    %dma_wait3A_341 = arith.constant 0 : i32
    %dma_wait3A_342 = tpu.memref_slice %arg4[%dma_wait3A_339, %dma_wait3A_340, %dma_wait3A_341] : memref<50x4096x64xf32, #tpu.memory_space<hbm>> -> memref<1x128x64xf32, #tpu.memory_space<hbm>>
    %dma_wait3A_343 = tpu.memref_squeeze %dma_wait3A_342 : memref<1x128x64xf32, #tpu.memory_space<hbm>> -> memref<128x64xf32, #tpu.memory_space<hbm>>
    %dma_wait3A_344 = arith.constant 0 : i32
    %dma_wait3A_345 = arith.constant 0 : i32
    %dma_wait3A_346 = tpu.memref_slice %arg4[%dma_wait3A_339, %dma_wait3A_344, %dma_wait3A_345] : memref<50x4096x64xf32, #tpu.memory_space<hbm>> -> memref<1x128x64xf32, #tpu.memory_space<hbm>>
    %dma_wait3A_347 = tpu.memref_squeeze %dma_wait3A_346 : memref<1x128x64xf32, #tpu.memory_space<hbm>> -> memref<128x64xf32, #tpu.memory_space<hbm>>
    tpu.wait_dma2 semaphore(%arg28 : memref<!tpu.dma_semaphore, #tpu.memory_space<semaphore_mem>>) src(%arg8 : memref<128x64xf32, #tpu.memory_space<vmem>>) dst(%dma_wait3A_347 : memref<128x64xf32, #tpu.memory_space<hbm>>)
    %dma_start3A_348 = arith.constant 0 : i32
    %dma_start3A_349 = arith.constant 0 : i32
    %dma_start3A_350 = tpu.memref_slice %arg8[%dma_start3A_348, %dma_start3A_349] : memref<128x64xf32, #tpu.memory_space<vmem>> -> memref<128x64xf32, #tpu.memory_space<vmem>>
    %dma_start3A_351 = arith.constant 1536 : i32
    %dma_start3A_352 = tpu.memref_slice %arg5[%dma_start3A_351] : memref<6400xi32, #tpu.memory_space<vmem>> -> memref<128xi32, #tpu.memory_space<vmem>>
    %dma_start3A_353 = arith.constant 0 : i32
    %dma_start3A_354 = arith.constant 0 : i32
    %dma_start3A_355 = tpu.memref_slice %arg2[%dma_start3A_353, %dma_start3A_354] : memref<100000x64xf32, #tpu.memory_space<hbm>> -> memref<100000x64xf32, #tpu.memory_space<hbm>>
    tpu.enqueue_indirect_dma source(%dma_start3A_355 : memref<100000x64xf32, #tpu.memory_space<hbm>>) target(%dma_start3A_350 : memref<128x64xf32, #tpu.memory_space<vmem>>) offsets(%dma_start3A_352 : memref<128xi32, #tpu.memory_space<vmem>>) semaphore(%arg18 : memref<!tpu.dma_semaphore, #tpu.memory_space<semaphore_mem>>)
    %dma_wait3A_356 = arith.constant 0 : i32
    %dma_wait3A_357 = arith.constant 0 : i32
    %dma_wait3A_358 = tpu.memref_slice %arg10[%dma_wait3A_356, %dma_wait3A_357] : memref<128x64xf32, #tpu.memory_space<vmem>> -> memref<128x64xf32, #tpu.memory_space<vmem>>
    %dma_wait3A_359 = arith.constant 0 : i32
    %dma_wait3A_360 = tpu.memref_slice %arg5[%dma_wait3A_359] : memref<6400xi32, #tpu.memory_space<vmem>> -> memref<128xi32, #tpu.memory_space<vmem>>
    %dma_wait3A_361 = arith.constant 0 : i32
    %dma_wait3A_362 = arith.constant 0 : i32
    %dma_wait3A_363 = tpu.memref_slice %arg2[%dma_wait3A_361, %dma_wait3A_362] : memref<100000x64xf32, #tpu.memory_space<hbm>> -> memref<100000x64xf32, #tpu.memory_space<hbm>>
    tpu.wait_indirect_dma semaphore(%arg20 : memref<!tpu.dma_semaphore, #tpu.memory_space<semaphore_mem>>) src(%dma_wait3A_363 : memref<100000x64xf32, #tpu.memory_space<hbm>>) dst(%dma_wait3A_358 : memref<128x64xf32, #tpu.memory_space<vmem>>)
    %add3A_364 = arith.constant 4 : i32
    %add3A_365 = arith.addi %mul3A_4, %add3A_364 : i32
    %jit3A_366 = arith.constant 32 : i32
    %div3A_367 = arith.divsi %add3A_365, %jit3A_366 : i32
    %sign3A_368 = arith.constant 0 : i32
    %sign3A_369 = arith.cmpi sgt, %add3A_365, %sign3A_368 : i32
    %sign3A_370 = arith.extui %sign3A_369 : i1 to i32
    %sign3A_371 = arith.constant 0 : i32
    %sign3A_372 = arith.cmpi slt, %add3A_365, %sign3A_371 : i32
    %sign3A_373 = arith.extui %sign3A_372 : i1 to i32
    %sign3A_374 = arith.subi %sign3A_370, %sign3A_373 : i32
    %sign3A_375 = arith.constant 0 : i32
    %sign3A_376 = arith.cmpi sgt, %jit3A_366, %sign3A_375 : i32
    %sign3A_377 = arith.extui %sign3A_376 : i1 to i32
    %sign3A_378 = arith.constant 0 : i32
    %sign3A_379 = arith.cmpi slt, %jit3A_366, %sign3A_378 : i32
    %sign3A_380 = arith.extui %sign3A_379 : i1 to i32
    %sign3A_381 = arith.subi %sign3A_377, %sign3A_380 : i32
    %ne3A_382 = arith.cmpi ne, %sign3A_374, %sign3A_381 : i32
    %rem3A_383 = arith.remsi %add3A_365, %jit3A_366 : i32
    %ne3A_384 = arith.constant 0 : i32
    %ne3A_385 = arith.cmpi ne, %rem3A_383, %ne3A_384 : i32
    %and3A_386 = arith.andi %ne3A_382, %ne3A_385 : i1
    %sub3A_387 = arith.constant 1 : i32
    %sub3A_388 = arith.subi %div3A_367, %sub3A_387 : i32
    %select_n3A_389 = arith.select %and3A_386, %sub3A_388, %div3A_367 : i32
    %jit3A_390 = arith.constant 32 : i32
    %eq3A_391 = arith.constant 0 : i32
    %eq3A_392 = arith.cmpi eq, %jit3A_390, %eq3A_391 : i32
    %jit3A_393 = arith.constant 1 : i32
    %select_n3A_394 = arith.select %eq3A_392, %jit3A_393, %jit3A_390 : i32
    %rem3A_395 = arith.remsi %add3A_365, %select_n3A_394 : i32
    %ne3A_396 = arith.constant 0 : i32
    %ne3A_397 = arith.cmpi ne, %rem3A_395, %ne3A_396 : i32
    %lt3A_398 = arith.constant 0 : i32
    %lt3A_399 = arith.cmpi slt, %rem3A_395, %lt3A_398 : i32
    %lt3A_400 = arith.constant 0 : i32
    %lt3A_401 = arith.cmpi slt, %select_n3A_394, %lt3A_400 : i32
    %ne3A_402 = arith.xori %lt3A_399, %lt3A_401 : i1
    %and3A_403 = arith.andi %ne3A_402, %ne3A_397 : i1
    %add3A_404 = arith.addi %rem3A_395, %select_n3A_394 : i32
    %select_n3A_405 = arith.select %and3A_403, %add3A_404, %rem3A_395 : i32
    %mul3A_406 = arith.constant 128 : i32
    %mul3A_407 = arith.muli %select_n3A_405, %mul3A_406 : i32
    %dma_start3A_408 = arith.constant 0 : i32
    %dma_start3A_409 = tpu.memref_slice %arg4[%select_n3A_389, %mul3A_407, %dma_start3A_408] : memref<50x4096x64xf32, #tpu.memory_space<hbm>> -> memref<1x128x64xf32, #tpu.memory_space<hbm>>
    %dma_start3A_410 = tpu.memref_squeeze %dma_start3A_409 : memref<1x128x64xf32, #tpu.memory_space<hbm>> -> memref<128x64xf32, #tpu.memory_space<hbm>>
    %dma_start3A_411 = arith.constant 0 : i32
    %dma_start3A_412 = tpu.memref_slice %arg4[%select_n3A_389, %mul3A_407, %dma_start3A_411] : memref<50x4096x64xf32, #tpu.memory_space<hbm>> -> memref<1x128x64xf32, #tpu.memory_space<hbm>>
    %dma_start3A_413 = tpu.memref_squeeze %dma_start3A_412 : memref<1x128x64xf32, #tpu.memory_space<hbm>> -> memref<128x64xf32, #tpu.memory_space<hbm>>
    tpu.enqueue_dma source(%arg10 : memref<128x64xf32, #tpu.memory_space<vmem>>) target(%dma_start3A_413 : memref<128x64xf32, #tpu.memory_space<hbm>>) target_semaphore(%arg30 : memref<!tpu.dma_semaphore, #tpu.memory_space<semaphore_mem>>)
    %dma_wait3A_414 = arith.constant 0 : i32
    %dma_wait3A_415 = arith.constant 0 : i32
    %dma_wait3A_416 = arith.constant 0 : i32
    %dma_wait3A_417 = tpu.memref_slice %arg4[%dma_wait3A_414, %dma_wait3A_415, %dma_wait3A_416] : memref<50x4096x64xf32, #tpu.memory_space<hbm>> -> memref<1x128x64xf32, #tpu.memory_space<hbm>>
    %dma_wait3A_418 = tpu.memref_squeeze %dma_wait3A_417 : memref<1x128x64xf32, #tpu.memory_space<hbm>> -> memref<128x64xf32, #tpu.memory_space<hbm>>
    %dma_wait3A_419 = arith.constant 0 : i32
    %dma_wait3A_420 = arith.constant 0 : i32
    %dma_wait3A_421 = tpu.memref_slice %arg4[%dma_wait3A_414, %dma_wait3A_419, %dma_wait3A_420] : memref<50x4096x64xf32, #tpu.memory_space<hbm>> -> memref<1x128x64xf32, #tpu.memory_space<hbm>>
    %dma_wait3A_422 = tpu.memref_squeeze %dma_wait3A_421 : memref<1x128x64xf32, #tpu.memory_space<hbm>> -> memref<128x64xf32, #tpu.memory_space<hbm>>
    tpu.wait_dma2 semaphore(%arg29 : memref<!tpu.dma_semaphore, #tpu.memory_space<semaphore_mem>>) src(%arg9 : memref<128x64xf32, #tpu.memory_space<vmem>>) dst(%dma_wait3A_422 : memref<128x64xf32, #tpu.memory_space<hbm>>)
    %dma_start3A_423 = arith.constant 0 : i32
    %dma_start3A_424 = arith.constant 0 : i32
    %dma_start3A_425 = tpu.memref_slice %arg9[%dma_start3A_423, %dma_start3A_424] : memref<128x64xf32, #tpu.memory_space<vmem>> -> memref<128x64xf32, #tpu.memory_space<vmem>>
    %dma_start3A_426 = arith.constant 1664 : i32
    %dma_start3A_427 = tpu.memref_slice %arg5[%dma_start3A_426] : memref<6400xi32, #tpu.memory_space<vmem>> -> memref<128xi32, #tpu.memory_space<vmem>>
    %dma_start3A_428 = arith.constant 0 : i32
    %dma_start3A_429 = arith.constant 0 : i32
    %dma_start3A_430 = tpu.memref_slice %arg2[%dma_start3A_428, %dma_start3A_429] : memref<100000x64xf32, #tpu.memory_space<hbm>> -> memref<100000x64xf32, #tpu.memory_space<hbm>>
    tpu.enqueue_indirect_dma source(%dma_start3A_430 : memref<100000x64xf32, #tpu.memory_space<hbm>>) target(%dma_start3A_425 : memref<128x64xf32, #tpu.memory_space<vmem>>) offsets(%dma_start3A_427 : memref<128xi32, #tpu.memory_space<vmem>>) semaphore(%arg19 : memref<!tpu.dma_semaphore, #tpu.memory_space<semaphore_mem>>)
    %dma_wait3A_431 = arith.constant 0 : i32
    %dma_wait3A_432 = arith.constant 0 : i32
    %dma_wait3A_433 = tpu.memref_slice %arg11[%dma_wait3A_431, %dma_wait3A_432] : memref<128x64xf32, #tpu.memory_space<vmem>> -> memref<128x64xf32, #tpu.memory_space<vmem>>
    %dma_wait3A_434 = arith.constant 0 : i32
    %dma_wait3A_435 = tpu.memref_slice %arg5[%dma_wait3A_434] : memref<6400xi32, #tpu.memory_space<vmem>> -> memref<128xi32, #tpu.memory_space<vmem>>
    %dma_wait3A_436 = arith.constant 0 : i32
    %dma_wait3A_437 = arith.constant 0 : i32
    %dma_wait3A_438 = tpu.memref_slice %arg2[%dma_wait3A_436, %dma_wait3A_437] : memref<100000x64xf32, #tpu.memory_space<hbm>> -> memref<100000x64xf32, #tpu.memory_space<hbm>>
    tpu.wait_indirect_dma semaphore(%arg21 : memref<!tpu.dma_semaphore, #tpu.memory_space<semaphore_mem>>) src(%dma_wait3A_438 : memref<100000x64xf32, #tpu.memory_space<hbm>>) dst(%dma_wait3A_433 : memref<128x64xf32, #tpu.memory_space<vmem>>)
    %add3A_439 = arith.constant 5 : i32
    %add3A_440 = arith.addi %mul3A_4, %add3A_439 : i32
    %jit3A_441 = arith.constant 32 : i32
    %div3A_442 = arith.divsi %add3A_440, %jit3A_441 : i32
    %sign3A_443 = arith.constant 0 : i32
    %sign3A_444 = arith.cmpi sgt, %add3A_440, %sign3A_443 : i32
    %sign3A_445 = arith.extui %sign3A_444 : i1 to i32
    %sign3A_446 = arith.constant 0 : i32
    %sign3A_447 = arith.cmpi slt, %add3A_440, %sign3A_446 : i32
    %sign3A_448 = arith.extui %sign3A_447 : i1 to i32
    %sign3A_449 = arith.subi %sign3A_445, %sign3A_448 : i32
    %sign3A_450 = arith.constant 0 : i32
    %sign3A_451 = arith.cmpi sgt, %jit3A_441, %sign3A_450 : i32
    %sign3A_452 = arith.extui %sign3A_451 : i1 to i32
    %sign3A_453 = arith.constant 0 : i32
    %sign3A_454 = arith.cmpi slt, %jit3A_441, %sign3A_453 : i32
    %sign3A_455 = arith.extui %sign3A_454 : i1 to i32
    %sign3A_456 = arith.subi %sign3A_452, %sign3A_455 : i32
    %ne3A_457 = arith.cmpi ne, %sign3A_449, %sign3A_456 : i32
    %rem3A_458 = arith.remsi %add3A_440, %jit3A_441 : i32
    %ne3A_459 = arith.constant 0 : i32
    %ne3A_460 = arith.cmpi ne, %rem3A_458, %ne3A_459 : i32
    %and3A_461 = arith.andi %ne3A_457, %ne3A_460 : i1
    %sub3A_462 = arith.constant 1 : i32
    %sub3A_463 = arith.subi %div3A_442, %sub3A_462 : i32
    %select_n3A_464 = arith.select %and3A_461, %sub3A_463, %div3A_442 : i32
    %jit3A_465 = arith.constant 32 : i32
    %eq3A_466 = arith.constant 0 : i32
    %eq3A_467 = arith.cmpi eq, %jit3A_465, %eq3A_466 : i32
    %jit3A_468 = arith.constant 1 : i32
    %select_n3A_469 = arith.select %eq3A_467, %jit3A_468, %jit3A_465 : i32
    %rem3A_470 = arith.remsi %add3A_440, %select_n3A_469 : i32
    %ne3A_471 = arith.constant 0 : i32
    %ne3A_472 = arith.cmpi ne, %rem3A_470, %ne3A_471 : i32
    %lt3A_473 = arith.constant 0 : i32
    %lt3A_474 = arith.cmpi slt, %rem3A_470, %lt3A_473 : i32
    %lt3A_475 = arith.constant 0 : i32
    %lt3A_476 = arith.cmpi slt, %select_n3A_469, %lt3A_475 : i32
    %ne3A_477 = arith.xori %lt3A_474, %lt3A_476 : i1
    %and3A_478 = arith.andi %ne3A_477, %ne3A_472 : i1
    %add3A_479 = arith.addi %rem3A_470, %select_n3A_469 : i32
    %select_n3A_480 = arith.select %and3A_478, %add3A_479, %rem3A_470 : i32
    %mul3A_481 = arith.constant 128 : i32
    %mul3A_482 = arith.muli %select_n3A_480, %mul3A_481 : i32
    %dma_start3A_483 = arith.constant 0 : i32
    %dma_start3A_484 = tpu.memref_slice %arg4[%select_n3A_464, %mul3A_482, %dma_start3A_483] : memref<50x4096x64xf32, #tpu.memory_space<hbm>> -> memref<1x128x64xf32, #tpu.memory_space<hbm>>
    %dma_start3A_485 = tpu.memref_squeeze %dma_start3A_484 : memref<1x128x64xf32, #tpu.memory_space<hbm>> -> memref<128x64xf32, #tpu.memory_space<hbm>>
    %dma_start3A_486 = arith.constant 0 : i32
    %dma_start3A_487 = tpu.memref_slice %arg4[%select_n3A_464, %mul3A_482, %dma_start3A_486] : memref<50x4096x64xf32, #tpu.memory_space<hbm>> -> memref<1x128x64xf32, #tpu.memory_space<hbm>>
    %dma_start3A_488 = tpu.memref_squeeze %dma_start3A_487 : memref<1x128x64xf32, #tpu.memory_space<hbm>> -> memref<128x64xf32, #tpu.memory_space<hbm>>
    tpu.enqueue_dma source(%arg11 : memref<128x64xf32, #tpu.memory_space<vmem>>) target(%dma_start3A_488 : memref<128x64xf32, #tpu.memory_space<hbm>>) target_semaphore(%arg31 : memref<!tpu.dma_semaphore, #tpu.memory_space<semaphore_mem>>)
    %dma_wait3A_489 = arith.constant 0 : i32
    %dma_wait3A_490 = arith.constant 0 : i32
    %dma_wait3A_491 = arith.constant 0 : i32
    %dma_wait3A_492 = tpu.memref_slice %arg4[%dma_wait3A_489, %dma_wait3A_490, %dma_wait3A_491] : memref<50x4096x64xf32, #tpu.memory_space<hbm>> -> memref<1x128x64xf32, #tpu.memory_space<hbm>>
    %dma_wait3A_493 = tpu.memref_squeeze %dma_wait3A_492 : memref<1x128x64xf32, #tpu.memory_space<hbm>> -> memref<128x64xf32, #tpu.memory_space<hbm>>
    %dma_wait3A_494 = arith.constant 0 : i32
    %dma_wait3A_495 = arith.constant 0 : i32
    %dma_wait3A_496 = tpu.memref_slice %arg4[%dma_wait3A_489, %dma_wait3A_494, %dma_wait3A_495] : memref<50x4096x64xf32, #tpu.memory_space<hbm>> -> memref<1x128x64xf32, #tpu.memory_space<hbm>>
    %dma_wait3A_497 = tpu.memref_squeeze %dma_wait3A_496 : memref<1x128x64xf32, #tpu.memory_space<hbm>> -> memref<128x64xf32, #tpu.memory_space<hbm>>
    tpu.wait_dma2 semaphore(%arg30 : memref<!tpu.dma_semaphore, #tpu.memory_space<semaphore_mem>>) src(%arg10 : memref<128x64xf32, #tpu.memory_space<vmem>>) dst(%dma_wait3A_497 : memref<128x64xf32, #tpu.memory_space<hbm>>)
    %dma_start3A_498 = arith.constant 0 : i32
    %dma_start3A_499 = arith.constant 0 : i32
    %dma_start3A_500 = tpu.memref_slice %arg10[%dma_start3A_498, %dma_start3A_499] : memref<128x64xf32, #tpu.memory_space<vmem>> -> memref<128x64xf32, #tpu.memory_space<vmem>>
    %dma_start3A_501 = arith.constant 1792 : i32
    %dma_start3A_502 = tpu.memref_slice %arg5[%dma_start3A_501] : memref<6400xi32, #tpu.memory_space<vmem>> -> memref<128xi32, #tpu.memory_space<vmem>>
    %dma_start3A_503 = arith.constant 0 : i32
    %dma_start3A_504 = arith.constant 0 : i32
    %dma_start3A_505 = tpu.memref_slice %arg2[%dma_start3A_503, %dma_start3A_504] : memref<100000x64xf32, #tpu.memory_space<hbm>> -> memref<100000x64xf32, #tpu.memory_space<hbm>>
    tpu.enqueue_indirect_dma source(%dma_start3A_505 : memref<100000x64xf32, #tpu.memory_space<hbm>>) target(%dma_start3A_500 : memref<128x64xf32, #tpu.memory_space<vmem>>) offsets(%dma_start3A_502 : memref<128xi32, #tpu.memory_space<vmem>>) semaphore(%arg20 : memref<!tpu.dma_semaphore, #tpu.memory_space<semaphore_mem>>)
    %dma_wait3A_506 = arith.constant 0 : i32
    %dma_wait3A_507 = arith.constant 0 : i32
    %dma_wait3A_508 = tpu.memref_slice %arg12[%dma_wait3A_506, %dma_wait3A_507] : memref<128x64xf32, #tpu.memory_space<vmem>> -> memref<128x64xf32, #tpu.memory_space<vmem>>
    %dma_wait3A_509 = arith.constant 0 : i32
    %dma_wait3A_510 = tpu.memref_slice %arg5[%dma_wait3A_509] : memref<6400xi32, #tpu.memory_space<vmem>> -> memref<128xi32, #tpu.memory_space<vmem>>
    %dma_wait3A_511 = arith.constant 0 : i32
    %dma_wait3A_512 = arith.constant 0 : i32
    %dma_wait3A_513 = tpu.memref_slice %arg2[%dma_wait3A_511, %dma_wait3A_512] : memref<100000x64xf32, #tpu.memory_space<hbm>> -> memref<100000x64xf32, #tpu.memory_space<hbm>>
    tpu.wait_indirect_dma semaphore(%arg22 : memref<!tpu.dma_semaphore, #tpu.memory_space<semaphore_mem>>) src(%dma_wait3A_513 : memref<100000x64xf32, #tpu.memory_space<hbm>>) dst(%dma_wait3A_508 : memref<128x64xf32, #tpu.memory_space<vmem>>)
    %add3A_514 = arith.constant 6 : i32
    %add3A_515 = arith.addi %mul3A_4, %add3A_514 : i32
    %jit3A_516 = arith.constant 32 : i32
    %div3A_517 = arith.divsi %add3A_515, %jit3A_516 : i32
    %sign3A_518 = arith.constant 0 : i32
    %sign3A_519 = arith.cmpi sgt, %add3A_515, %sign3A_518 : i32
    %sign3A_520 = arith.extui %sign3A_519 : i1 to i32
    %sign3A_521 = arith.constant 0 : i32
    %sign3A_522 = arith.cmpi slt, %add3A_515, %sign3A_521 : i32
    %sign3A_523 = arith.extui %sign3A_522 : i1 to i32
    %sign3A_524 = arith.subi %sign3A_520, %sign3A_523 : i32
    %sign3A_525 = arith.constant 0 : i32
    %sign3A_526 = arith.cmpi sgt, %jit3A_516, %sign3A_525 : i32
    %sign3A_527 = arith.extui %sign3A_526 : i1 to i32
    %sign3A_528 = arith.constant 0 : i32
    %sign3A_529 = arith.cmpi slt, %jit3A_516, %sign3A_528 : i32
    %sign3A_530 = arith.extui %sign3A_529 : i1 to i32
    %sign3A_531 = arith.subi %sign3A_527, %sign3A_530 : i32
    %ne3A_532 = arith.cmpi ne, %sign3A_524, %sign3A_531 : i32
    %rem3A_533 = arith.remsi %add3A_515, %jit3A_516 : i32
    %ne3A_534 = arith.constant 0 : i32
    %ne3A_535 = arith.cmpi ne, %rem3A_533, %ne3A_534 : i32
    %and3A_536 = arith.andi %ne3A_532, %ne3A_535 : i1
    %sub3A_537 = arith.constant 1 : i32
    %sub3A_538 = arith.subi %div3A_517, %sub3A_537 : i32
    %select_n3A_539 = arith.select %and3A_536, %sub3A_538, %div3A_517 : i32
    %jit3A_540 = arith.constant 32 : i32
    %eq3A_541 = arith.constant 0 : i32
    %eq3A_542 = arith.cmpi eq, %jit3A_540, %eq3A_541 : i32
    %jit3A_543 = arith.constant 1 : i32
    %select_n3A_544 = arith.select %eq3A_542, %jit3A_543, %jit3A_540 : i32
    %rem3A_545 = arith.remsi %add3A_515, %select_n3A_544 : i32
    %ne3A_546 = arith.constant 0 : i32
    %ne3A_547 = arith.cmpi ne, %rem3A_545, %ne3A_546 : i32
    %lt3A_548 = arith.constant 0 : i32
    %lt3A_549 = arith.cmpi slt, %rem3A_545, %lt3A_548 : i32
    %lt3A_550 = arith.constant 0 : i32
    %lt3A_551 = arith.cmpi slt, %select_n3A_544, %lt3A_550 : i32
    %ne3A_552 = arith.xori %lt3A_549, %lt3A_551 : i1
    %and3A_553 = arith.andi %ne3A_552, %ne3A_547 : i1
    %add3A_554 = arith.addi %rem3A_545, %select_n3A_544 : i32
    %select_n3A_555 = arith.select %and3A_553, %add3A_554, %rem3A_545 : i32
    %mul3A_556 = arith.constant 128 : i32
    %mul3A_557 = arith.muli %select_n3A_555, %mul3A_556 : i32
    %dma_start3A_558 = arith.constant 0 : i32
    %dma_start3A_559 = tpu.memref_slice %arg4[%select_n3A_539, %mul3A_557, %dma_start3A_558] : memref<50x4096x64xf32, #tpu.memory_space<hbm>> -> memref<1x128x64xf32, #tpu.memory_space<hbm>>
    %dma_start3A_560 = tpu.memref_squeeze %dma_start3A_559 : memref<1x128x64xf32, #tpu.memory_space<hbm>> -> memref<128x64xf32, #tpu.memory_space<hbm>>
    %dma_start3A_561 = arith.constant 0 : i32
    %dma_start3A_562 = tpu.memref_slice %arg4[%select_n3A_539, %mul3A_557, %dma_start3A_561] : memref<50x4096x64xf32, #tpu.memory_space<hbm>> -> memref<1x128x64xf32, #tpu.memory_space<hbm>>
    %dma_start3A_563 = tpu.memref_squeeze %dma_start3A_562 : memref<1x128x64xf32, #tpu.memory_space<hbm>> -> memref<128x64xf32, #tpu.memory_space<hbm>>
    tpu.enqueue_dma source(%arg12 : memref<128x64xf32, #tpu.memory_space<vmem>>) target(%dma_start3A_563 : memref<128x64xf32, #tpu.memory_space<hbm>>) target_semaphore(%arg32 : memref<!tpu.dma_semaphore, #tpu.memory_space<semaphore_mem>>)
    %dma_wait3A_564 = arith.constant 0 : i32
    %dma_wait3A_565 = arith.constant 0 : i32
    %dma_wait3A_566 = arith.constant 0 : i32
    %dma_wait3A_567 = tpu.memref_slice %arg4[%dma_wait3A_564, %dma_wait3A_565, %dma_wait3A_566] : memref<50x4096x64xf32, #tpu.memory_space<hbm>> -> memref<1x128x64xf32, #tpu.memory_space<hbm>>
    %dma_wait3A_568 = tpu.memref_squeeze %dma_wait3A_567 : memref<1x128x64xf32, #tpu.memory_space<hbm>> -> memref<128x64xf32, #tpu.memory_space<hbm>>
    %dma_wait3A_569 = arith.constant 0 : i32
    %dma_wait3A_570 = arith.constant 0 : i32
    %dma_wait3A_571 = tpu.memref_slice %arg4[%dma_wait3A_564, %dma_wait3A_569, %dma_wait3A_570] : memref<50x4096x64xf32, #tpu.memory_space<hbm>> -> memref<1x128x64xf32, #tpu.memory_space<hbm>>
    %dma_wait3A_572 = tpu.memref_squeeze %dma_wait3A_571 : memref<1x128x64xf32, #tpu.memory_space<hbm>> -> memref<128x64xf32, #tpu.memory_space<hbm>>
    tpu.wait_dma2 semaphore(%arg31 : memref<!tpu.dma_semaphore, #tpu.memory_space<semaphore_mem>>) src(%arg11 : memref<128x64xf32, #tpu.memory_space<vmem>>) dst(%dma_wait3A_572 : memref<128x64xf32, #tpu.memory_space<hbm>>)
    %dma_start3A_573 = arith.constant 0 : i32
    %dma_start3A_574 = arith.constant 0 : i32
    %dma_start3A_575 = tpu.memref_slice %arg11[%dma_start3A_573, %dma_start3A_574] : memref<128x64xf32, #tpu.memory_space<vmem>> -> memref<128x64xf32, #tpu.memory_space<vmem>>
    %dma_start3A_576 = arith.constant 1920 : i32
    %dma_start3A_577 = tpu.memref_slice %arg5[%dma_start3A_576] : memref<6400xi32, #tpu.memory_space<vmem>> -> memref<128xi32, #tpu.memory_space<vmem>>
    %dma_start3A_578 = arith.constant 0 : i32
    %dma_start3A_579 = arith.constant 0 : i32
    %dma_start3A_580 = tpu.memref_slice %arg2[%dma_start3A_578, %dma_start3A_579] : memref<100000x64xf32, #tpu.memory_space<hbm>> -> memref<100000x64xf32, #tpu.memory_space<hbm>>
    tpu.enqueue_indirect_dma source(%dma_start3A_580 : memref<100000x64xf32, #tpu.memory_space<hbm>>) target(%dma_start3A_575 : memref<128x64xf32, #tpu.memory_space<vmem>>) offsets(%dma_start3A_577 : memref<128xi32, #tpu.memory_space<vmem>>) semaphore(%arg21 : memref<!tpu.dma_semaphore, #tpu.memory_space<semaphore_mem>>)
    %dma_wait3A_581 = arith.constant 0 : i32
    %dma_wait3A_582 = arith.constant 0 : i32
    %dma_wait3A_583 = tpu.memref_slice %arg13[%dma_wait3A_581, %dma_wait3A_582] : memref<128x64xf32, #tpu.memory_space<vmem>> -> memref<128x64xf32, #tpu.memory_space<vmem>>
    %dma_wait3A_584 = arith.constant 0 : i32
    %dma_wait3A_585 = tpu.memref_slice %arg5[%dma_wait3A_584] : memref<6400xi32, #tpu.memory_space<vmem>> -> memref<128xi32, #tpu.memory_space<vmem>>
    %dma_wait3A_586 = arith.constant 0 : i32
    %dma_wait3A_587 = arith.constant 0 : i32
    %dma_wait3A_588 = tpu.memref_slice %arg2[%dma_wait3A_586, %dma_wait3A_587] : memref<100000x64xf32, #tpu.memory_space<hbm>> -> memref<100000x64xf32, #tpu.memory_space<hbm>>
    tpu.wait_indirect_dma semaphore(%arg23 : memref<!tpu.dma_semaphore, #tpu.memory_space<semaphore_mem>>) src(%dma_wait3A_588 : memref<100000x64xf32, #tpu.memory_space<hbm>>) dst(%dma_wait3A_583 : memref<128x64xf32, #tpu.memory_space<vmem>>)
    %add3A_589 = arith.constant 7 : i32
    %add3A_590 = arith.addi %mul3A_4, %add3A_589 : i32
    %jit3A_591 = arith.constant 32 : i32
    %div3A_592 = arith.divsi %add3A_590, %jit3A_591 : i32
    %sign3A_593 = arith.constant 0 : i32
    %sign3A_594 = arith.cmpi sgt, %add3A_590, %sign3A_593 : i32
    %sign3A_595 = arith.extui %sign3A_594 : i1 to i32
    %sign3A_596 = arith.constant 0 : i32
    %sign3A_597 = arith.cmpi slt, %add3A_590, %sign3A_596 : i32
    %sign3A_598 = arith.extui %sign3A_597 : i1 to i32
    %sign3A_599 = arith.subi %sign3A_595, %sign3A_598 : i32
    %sign3A_600 = arith.constant 0 : i32
    %sign3A_601 = arith.cmpi sgt, %jit3A_591, %sign3A_600 : i32
    %sign3A_602 = arith.extui %sign3A_601 : i1 to i32
    %sign3A_603 = arith.constant 0 : i32
    %sign3A_604 = arith.cmpi slt, %jit3A_591, %sign3A_603 : i32
    %sign3A_605 = arith.extui %sign3A_604 : i1 to i32
    %sign3A_606 = arith.subi %sign3A_602, %sign3A_605 : i32
    %ne3A_607 = arith.cmpi ne, %sign3A_599, %sign3A_606 : i32
    %rem3A_608 = arith.remsi %add3A_590, %jit3A_591 : i32
    %ne3A_609 = arith.constant 0 : i32
    %ne3A_610 = arith.cmpi ne, %rem3A_608, %ne3A_609 : i32
    %and3A_611 = arith.andi %ne3A_607, %ne3A_610 : i1
    %sub3A_612 = arith.constant 1 : i32
    %sub3A_613 = arith.subi %div3A_592, %sub3A_612 : i32
    %select_n3A_614 = arith.select %and3A_611, %sub3A_613, %div3A_592 : i32
    %jit3A_615 = arith.constant 32 : i32
    %eq3A_616 = arith.constant 0 : i32
    %eq3A_617 = arith.cmpi eq, %jit3A_615, %eq3A_616 : i32
    %jit3A_618 = arith.constant 1 : i32
    %select_n3A_619 = arith.select %eq3A_617, %jit3A_618, %jit3A_615 : i32
    %rem3A_620 = arith.remsi %add3A_590, %select_n3A_619 : i32
    %ne3A_621 = arith.constant 0 : i32
    %ne3A_622 = arith.cmpi ne, %rem3A_620, %ne3A_621 : i32
    %lt3A_623 = arith.constant 0 : i32
    %lt3A_624 = arith.cmpi slt, %rem3A_620, %lt3A_623 : i32
    %lt3A_625 = arith.constant 0 : i32
    %lt3A_626 = arith.cmpi slt, %select_n3A_619, %lt3A_625 : i32
    %ne3A_627 = arith.xori %lt3A_624, %lt3A_626 : i1
    %and3A_628 = arith.andi %ne3A_627, %ne3A_622 : i1
    %add3A_629 = arith.addi %rem3A_620, %select_n3A_619 : i32
    %select_n3A_630 = arith.select %and3A_628, %add3A_629, %rem3A_620 : i32
    %mul3A_631 = arith.constant 128 : i32
    %mul3A_632 = arith.muli %select_n3A_630, %mul3A_631 : i32
    %dma_start3A_633 = arith.constant 0 : i32
    %dma_start3A_634 = tpu.memref_slice %arg4[%select_n3A_614, %mul3A_632, %dma_start3A_633] : memref<50x4096x64xf32, #tpu.memory_space<hbm>> -> memref<1x128x64xf32, #tpu.memory_space<hbm>>
    %dma_start3A_635 = tpu.memref_squeeze %dma_start3A_634 : memref<1x128x64xf32, #tpu.memory_space<hbm>> -> memref<128x64xf32, #tpu.memory_space<hbm>>
    %dma_start3A_636 = arith.constant 0 : i32
    %dma_start3A_637 = tpu.memref_slice %arg4[%select_n3A_614, %mul3A_632, %dma_start3A_636] : memref<50x4096x64xf32, #tpu.memory_space<hbm>> -> memref<1x128x64xf32, #tpu.memory_space<hbm>>
    %dma_start3A_638 = tpu.memref_squeeze %dma_start3A_637 : memref<1x128x64xf32, #tpu.memory_space<hbm>> -> memref<128x64xf32, #tpu.memory_space<hbm>>
    tpu.enqueue_dma source(%arg13 : memref<128x64xf32, #tpu.memory_space<vmem>>) target(%dma_start3A_638 : memref<128x64xf32, #tpu.memory_space<hbm>>) target_semaphore(%arg33 : memref<!tpu.dma_semaphore, #tpu.memory_space<semaphore_mem>>)
    %dma_wait3A_639 = arith.constant 0 : i32
    %dma_wait3A_640 = arith.constant 0 : i32
    %dma_wait3A_641 = arith.constant 0 : i32
    %dma_wait3A_642 = tpu.memref_slice %arg4[%dma_wait3A_639, %dma_wait3A_640, %dma_wait3A_641] : memref<50x4096x64xf32, #tpu.memory_space<hbm>> -> memref<1x128x64xf32, #tpu.memory_space<hbm>>
    %dma_wait3A_643 = tpu.memref_squeeze %dma_wait3A_642 : memref<1x128x64xf32, #tpu.memory_space<hbm>> -> memref<128x64xf32, #tpu.memory_space<hbm>>
    %dma_wait3A_644 = arith.constant 0 : i32
    %dma_wait3A_645 = arith.constant 0 : i32
    %dma_wait3A_646 = tpu.memref_slice %arg4[%dma_wait3A_639, %dma_wait3A_644, %dma_wait3A_645] : memref<50x4096x64xf32, #tpu.memory_space<hbm>> -> memref<1x128x64xf32, #tpu.memory_space<hbm>>
    %dma_wait3A_647 = tpu.memref_squeeze %dma_wait3A_646 : memref<1x128x64xf32, #tpu.memory_space<hbm>> -> memref<128x64xf32, #tpu.memory_space<hbm>>
    tpu.wait_dma2 semaphore(%arg32 : memref<!tpu.dma_semaphore, #tpu.memory_space<semaphore_mem>>) src(%arg12 : memref<128x64xf32, #tpu.memory_space<vmem>>) dst(%dma_wait3A_647 : memref<128x64xf32, #tpu.memory_space<hbm>>)
    %dma_start3A_648 = arith.constant 0 : i32
    %dma_start3A_649 = arith.constant 0 : i32
    %dma_start3A_650 = tpu.memref_slice %arg12[%dma_start3A_648, %dma_start3A_649] : memref<128x64xf32, #tpu.memory_space<vmem>> -> memref<128x64xf32, #tpu.memory_space<vmem>>
    %dma_start3A_651 = arith.constant 2048 : i32
    %dma_start3A_652 = tpu.memref_slice %arg5[%dma_start3A_651] : memref<6400xi32, #tpu.memory_space<vmem>> -> memref<128xi32, #tpu.memory_space<vmem>>
    %dma_start3A_653 = arith.constant 0 : i32
    %dma_start3A_654 = arith.constant 0 : i32
    %dma_start3A_655 = tpu.memref_slice %arg2[%dma_start3A_653, %dma_start3A_654] : memref<100000x64xf32, #tpu.memory_space<hbm>> -> memref<100000x64xf32, #tpu.memory_space<hbm>>
    tpu.enqueue_indirect_dma source(%dma_start3A_655 : memref<100000x64xf32, #tpu.memory_space<hbm>>) target(%dma_start3A_650 : memref<128x64xf32, #tpu.memory_space<vmem>>) offsets(%dma_start3A_652 : memref<128xi32, #tpu.memory_space<vmem>>) semaphore(%arg22 : memref<!tpu.dma_semaphore, #tpu.memory_space<semaphore_mem>>)
    %dma_wait3A_656 = arith.constant 0 : i32
    %dma_wait3A_657 = arith.constant 0 : i32
    %dma_wait3A_658 = tpu.memref_slice %arg14[%dma_wait3A_656, %dma_wait3A_657] : memref<128x64xf32, #tpu.memory_space<vmem>> -> memref<128x64xf32, #tpu.memory_space<vmem>>
    %dma_wait3A_659 = arith.constant 0 : i32
    %dma_wait3A_660 = tpu.memref_slice %arg5[%dma_wait3A_659] : memref<6400xi32, #tpu.memory_space<vmem>> -> memref<128xi32, #tpu.memory_space<vmem>>
    %dma_wait3A_661 = arith.constant 0 : i32
    %dma_wait3A_662 = arith.constant 0 : i32
    %dma_wait3A_663 = tpu.memref_slice %arg2[%dma_wait3A_661, %dma_wait3A_662] : memref<100000x64xf32, #tpu.memory_space<hbm>> -> memref<100000x64xf32, #tpu.memory_space<hbm>>
    tpu.wait_indirect_dma semaphore(%arg24 : memref<!tpu.dma_semaphore, #tpu.memory_space<semaphore_mem>>) src(%dma_wait3A_663 : memref<100000x64xf32, #tpu.memory_space<hbm>>) dst(%dma_wait3A_658 : memref<128x64xf32, #tpu.memory_space<vmem>>)
    %add3A_664 = arith.constant 8 : i32
    %add3A_665 = arith.addi %mul3A_4, %add3A_664 : i32
    %jit3A_666 = arith.constant 32 : i32
    %div3A_667 = arith.divsi %add3A_665, %jit3A_666 : i32
    %sign3A_668 = arith.constant 0 : i32
    %sign3A_669 = arith.cmpi sgt, %add3A_665, %sign3A_668 : i32
    %sign3A_670 = arith.extui %sign3A_669 : i1 to i32
    %sign3A_671 = arith.constant 0 : i32
    %sign3A_672 = arith.cmpi slt, %add3A_665, %sign3A_671 : i32
    %sign3A_673 = arith.extui %sign3A_672 : i1 to i32
    %sign3A_674 = arith.subi %sign3A_670, %sign3A_673 : i32
    %sign3A_675 = arith.constant 0 : i32
    %sign3A_676 = arith.cmpi sgt, %jit3A_666, %sign3A_675 : i32
    %sign3A_677 = arith.extui %sign3A_676 : i1 to i32
    %sign3A_678 = arith.constant 0 : i32
    %sign3A_679 = arith.cmpi slt, %jit3A_666, %sign3A_678 : i32
    %sign3A_680 = arith.extui %sign3A_679 : i1 to i32
    %sign3A_681 = arith.subi %sign3A_677, %sign3A_680 : i32
    %ne3A_682 = arith.cmpi ne, %sign3A_674, %sign3A_681 : i32
    %rem3A_683 = arith.remsi %add3A_665, %jit3A_666 : i32
    %ne3A_684 = arith.constant 0 : i32
    %ne3A_685 = arith.cmpi ne, %rem3A_683, %ne3A_684 : i32
    %and3A_686 = arith.andi %ne3A_682, %ne3A_685 : i1
    %sub3A_687 = arith.constant 1 : i32
    %sub3A_688 = arith.subi %div3A_667, %sub3A_687 : i32
    %select_n3A_689 = arith.select %and3A_686, %sub3A_688, %div3A_667 : i32
    %jit3A_690 = arith.constant 32 : i32
    %eq3A_691 = arith.constant 0 : i32
    %eq3A_692 = arith.cmpi eq, %jit3A_690, %eq3A_691 : i32
    %jit3A_693 = arith.constant 1 : i32
    %select_n3A_694 = arith.select %eq3A_692, %jit3A_693, %jit3A_690 : i32
    %rem3A_695 = arith.remsi %add3A_665, %select_n3A_694 : i32
    %ne3A_696 = arith.constant 0 : i32
    %ne3A_697 = arith.cmpi ne, %rem3A_695, %ne3A_696 : i32
    %lt3A_698 = arith.constant 0 : i32
    %lt3A_699 = arith.cmpi slt, %rem3A_695, %lt3A_698 : i32
    %lt3A_700 = arith.constant 0 : i32
    %lt3A_701 = arith.cmpi slt, %select_n3A_694, %lt3A_700 : i32
    %ne3A_702 = arith.xori %lt3A_699, %lt3A_701 : i1
    %and3A_703 = arith.andi %ne3A_702, %ne3A_697 : i1
    %add3A_704 = arith.addi %rem3A_695, %select_n3A_694 : i32
    %select_n3A_705 = arith.select %and3A_703, %add3A_704, %rem3A_695 : i32
    %mul3A_706 = arith.constant 128 : i32
    %mul3A_707 = arith.muli %select_n3A_705, %mul3A_706 : i32
    %dma_start3A_708 = arith.constant 0 : i32
    %dma_start3A_709 = tpu.memref_slice %arg4[%select_n3A_689, %mul3A_707, %dma_start3A_708] : memref<50x4096x64xf32, #tpu.memory_space<hbm>> -> memref<1x128x64xf32, #tpu.memory_space<hbm>>
    %dma_start3A_710 = tpu.memref_squeeze %dma_start3A_709 : memref<1x128x64xf32, #tpu.memory_space<hbm>> -> memref<128x64xf32, #tpu.memory_space<hbm>>
    %dma_start3A_711 = arith.constant 0 : i32
    %dma_start3A_712 = tpu.memref_slice %arg4[%select_n3A_689, %mul3A_707, %dma_start3A_711] : memref<50x4096x64xf32, #tpu.memory_space<hbm>> -> memref<1x128x64xf32, #tpu.memory_space<hbm>>
    %dma_start3A_713 = tpu.memref_squeeze %dma_start3A_712 : memref<1x128x64xf32, #tpu.memory_space<hbm>> -> memref<128x64xf32, #tpu.memory_space<hbm>>
    tpu.enqueue_dma source(%arg14 : memref<128x64xf32, #tpu.memory_space<vmem>>) target(%dma_start3A_713 : memref<128x64xf32, #tpu.memory_space<hbm>>) target_semaphore(%arg34 : memref<!tpu.dma_semaphore, #tpu.memory_space<semaphore_mem>>)
    %dma_wait3A_714 = arith.constant 0 : i32
    %dma_wait3A_715 = arith.constant 0 : i32
    %dma_wait3A_716 = arith.constant 0 : i32
    %dma_wait3A_717 = tpu.memref_slice %arg4[%dma_wait3A_714, %dma_wait3A_715, %dma_wait3A_716] : memref<50x4096x64xf32, #tpu.memory_space<hbm>> -> memref<1x128x64xf32, #tpu.memory_space<hbm>>
    %dma_wait3A_718 = tpu.memref_squeeze %dma_wait3A_717 : memref<1x128x64xf32, #tpu.memory_space<hbm>> -> memref<128x64xf32, #tpu.memory_space<hbm>>
    %dma_wait3A_719 = arith.constant 0 : i32
    %dma_wait3A_720 = arith.constant 0 : i32
    %dma_wait3A_721 = tpu.memref_slice %arg4[%dma_wait3A_714, %dma_wait3A_719, %dma_wait3A_720] : memref<50x4096x64xf32, #tpu.memory_space<hbm>> -> memref<1x128x64xf32, #tpu.memory_space<hbm>>
    %dma_wait3A_722 = tpu.memref_squeeze %dma_wait3A_721 : memref<1x128x64xf32, #tpu.memory_space<hbm>> -> memref<128x64xf32, #tpu.memory_space<hbm>>
    tpu.wait_dma2 semaphore(%arg33 : memref<!tpu.dma_semaphore, #tpu.memory_space<semaphore_mem>>) src(%arg13 : memref<128x64xf32, #tpu.memory_space<vmem>>) dst(%dma_wait3A_722 : memref<128x64xf32, #tpu.memory_space<hbm>>)
    %dma_start3A_723 = arith.constant 0 : i32
    %dma_start3A_724 = arith.constant 0 : i32
    %dma_start3A_725 = tpu.memref_slice %arg13[%dma_start3A_723, %dma_start3A_724] : memref<128x64xf32, #tpu.memory_space<vmem>> -> memref<128x64xf32, #tpu.memory_space<vmem>>
    %dma_start3A_726 = arith.constant 2176 : i32
    %dma_start3A_727 = tpu.memref_slice %arg5[%dma_start3A_726] : memref<6400xi32, #tpu.memory_space<vmem>> -> memref<128xi32, #tpu.memory_space<vmem>>
    %dma_start3A_728 = arith.constant 0 : i32
    %dma_start3A_729 = arith.constant 0 : i32
    %dma_start3A_730 = tpu.memref_slice %arg2[%dma_start3A_728, %dma_start3A_729] : memref<100000x64xf32, #tpu.memory_space<hbm>> -> memref<100000x64xf32, #tpu.memory_space<hbm>>
    tpu.enqueue_indirect_dma source(%dma_start3A_730 : memref<100000x64xf32, #tpu.memory_space<hbm>>) target(%dma_start3A_725 : memref<128x64xf32, #tpu.memory_space<vmem>>) offsets(%dma_start3A_727 : memref<128xi32, #tpu.memory_space<vmem>>) semaphore(%arg23 : memref<!tpu.dma_semaphore, #tpu.memory_space<semaphore_mem>>)
    %dma_wait3A_731 = arith.constant 0 : i32
    %dma_wait3A_732 = arith.constant 0 : i32
    %dma_wait3A_733 = tpu.memref_slice %arg15[%dma_wait3A_731, %dma_wait3A_732] : memref<128x64xf32, #tpu.memory_space<vmem>> -> memref<128x64xf32, #tpu.memory_space<vmem>>
    %dma_wait3A_734 = arith.constant 0 : i32
    %dma_wait3A_735 = tpu.memref_slice %arg5[%dma_wait3A_734] : memref<6400xi32, #tpu.memory_space<vmem>> -> memref<128xi32, #tpu.memory_space<vmem>>
    %dma_wait3A_736 = arith.constant 0 : i32
    %dma_wait3A_737 = arith.constant 0 : i32
    %dma_wait3A_738 = tpu.memref_slice %arg2[%dma_wait3A_736, %dma_wait3A_737] : memref<100000x64xf32, #tpu.memory_space<hbm>> -> memref<100000x64xf32, #tpu.memory_space<hbm>>
    tpu.wait_indirect_dma semaphore(%arg25 : memref<!tpu.dma_semaphore, #tpu.memory_space<semaphore_mem>>) src(%dma_wait3A_738 : memref<100000x64xf32, #tpu.memory_space<hbm>>) dst(%dma_wait3A_733 : memref<128x64xf32, #tpu.memory_space<vmem>>)
    %add3A_739 = arith.constant 9 : i32
    %add3A_740 = arith.addi %mul3A_4, %add3A_739 : i32
    %jit3A_741 = arith.constant 32 : i32
    %div3A_742 = arith.divsi %add3A_740, %jit3A_741 : i32
    %sign3A_743 = arith.constant 0 : i32
    %sign3A_744 = arith.cmpi sgt, %add3A_740, %sign3A_743 : i32
    %sign3A_745 = arith.extui %sign3A_744 : i1 to i32
    %sign3A_746 = arith.constant 0 : i32
    %sign3A_747 = arith.cmpi slt, %add3A_740, %sign3A_746 : i32
    %sign3A_748 = arith.extui %sign3A_747 : i1 to i32
    %sign3A_749 = arith.subi %sign3A_745, %sign3A_748 : i32
    %sign3A_750 = arith.constant 0 : i32
    %sign3A_751 = arith.cmpi sgt, %jit3A_741, %sign3A_750 : i32
    %sign3A_752 = arith.extui %sign3A_751 : i1 to i32
    %sign3A_753 = arith.constant 0 : i32
    %sign3A_754 = arith.cmpi slt, %jit3A_741, %sign3A_753 : i32
    %sign3A_755 = arith.extui %sign3A_754 : i1 to i32
    %sign3A_756 = arith.subi %sign3A_752, %sign3A_755 : i32
    %ne3A_757 = arith.cmpi ne, %sign3A_749, %sign3A_756 : i32
    %rem3A_758 = arith.remsi %add3A_740, %jit3A_741 : i32
    %ne3A_759 = arith.constant 0 : i32
    %ne3A_760 = arith.cmpi ne, %rem3A_758, %ne3A_759 : i32
    %and3A_761 = arith.andi %ne3A_757, %ne3A_760 : i1
    %sub3A_762 = arith.constant 1 : i32
    %sub3A_763 = arith.subi %div3A_742, %sub3A_762 : i32
    %select_n3A_764 = arith.select %and3A_761, %sub3A_763, %div3A_742 : i32
    %jit3A_765 = arith.constant 32 : i32
    %eq3A_766 = arith.constant 0 : i32
    %eq3A_767 = arith.cmpi eq, %jit3A_765, %eq3A_766 : i32
    %jit3A_768 = arith.constant 1 : i32
    %select_n3A_769 = arith.select %eq3A_767, %jit3A_768, %jit3A_765 : i32
    %rem3A_770 = arith.remsi %add3A_740, %select_n3A_769 : i32
    %ne3A_771 = arith.constant 0 : i32
    %ne3A_772 = arith.cmpi ne, %rem3A_770, %ne3A_771 : i32
    %lt3A_773 = arith.constant 0 : i32
    %lt3A_774 = arith.cmpi slt, %rem3A_770, %lt3A_773 : i32
    %lt3A_775 = arith.constant 0 : i32
    %lt3A_776 = arith.cmpi slt, %select_n3A_769, %lt3A_775 : i32
    %ne3A_777 = arith.xori %lt3A_774, %lt3A_776 : i1
    %and3A_778 = arith.andi %ne3A_777, %ne3A_772 : i1
    %add3A_779 = arith.addi %rem3A_770, %select_n3A_769 : i32
    %select_n3A_780 = arith.select %and3A_778, %add3A_779, %rem3A_770 : i32
    %mul3A_781 = arith.constant 128 : i32
    %mul3A_782 = arith.muli %select_n3A_780, %mul3A_781 : i32
    %dma_start3A_783 = arith.constant 0 : i32
    %dma_start3A_784 = tpu.memref_slice %arg4[%select_n3A_764, %mul3A_782, %dma_start3A_783] : memref<50x4096x64xf32, #tpu.memory_space<hbm>> -> memref<1x128x64xf32, #tpu.memory_space<hbm>>
    %dma_start3A_785 = tpu.memref_squeeze %dma_start3A_784 : memref<1x128x64xf32, #tpu.memory_space<hbm>> -> memref<128x64xf32, #tpu.memory_space<hbm>>
    %dma_start3A_786 = arith.constant 0 : i32
    %dma_start3A_787 = tpu.memref_slice %arg4[%select_n3A_764, %mul3A_782, %dma_start3A_786] : memref<50x4096x64xf32, #tpu.memory_space<hbm>> -> memref<1x128x64xf32, #tpu.memory_space<hbm>>
    %dma_start3A_788 = tpu.memref_squeeze %dma_start3A_787 : memref<1x128x64xf32, #tpu.memory_space<hbm>> -> memref<128x64xf32, #tpu.memory_space<hbm>>
    tpu.enqueue_dma source(%arg15 : memref<128x64xf32, #tpu.memory_space<vmem>>) target(%dma_start3A_788 : memref<128x64xf32, #tpu.memory_space<hbm>>) target_semaphore(%arg35 : memref<!tpu.dma_semaphore, #tpu.memory_space<semaphore_mem>>)
    %scan3A = arith.constant 0 : i32
    %scan3A_789 = arith.constant 1 : i32
    %scan3A_790 = arith.constant 3 : i32
    %scan3A_791 = arith.addi %scan3A_789, %scan3A_790 : i32
    %scan3A_792 = arith.constant 1 : i32
    scf.for %scan3A_1498 = %scan3A_789 to %scan3A_791 step %scan3A_792  : i32 {
      %mul3A_1499 = arith.constant 10 : i32
      %mul3A_1500 = arith.muli %scan3A_1498, %mul3A_1499 : i32
      %add3A_1501 = arith.constant 0 : i32
      %add3A_1502 = arith.addi %mul3A_1500, %add3A_1501 : i32
      %dma_wait3A_1503 = arith.constant 0 : i32
      %dma_wait3A_1504 = arith.constant 0 : i32
      %dma_wait3A_1505 = arith.constant 0 : i32
      %dma_wait3A_1506 = tpu.memref_slice %arg4[%dma_wait3A_1503, %dma_wait3A_1504, %dma_wait3A_1505] : memref<50x4096x64xf32, #tpu.memory_space<hbm>> -> memref<1x128x64xf32, #tpu.memory_space<hbm>>
      %dma_wait3A_1507 = tpu.memref_squeeze %dma_wait3A_1506 : memref<1x128x64xf32, #tpu.memory_space<hbm>> -> memref<128x64xf32, #tpu.memory_space<hbm>>
      %dma_wait3A_1508 = arith.constant 0 : i32
      %dma_wait3A_1509 = arith.constant 0 : i32
      %dma_wait3A_1510 = tpu.memref_slice %arg4[%dma_wait3A_1503, %dma_wait3A_1508, %dma_wait3A_1509] : memref<50x4096x64xf32, #tpu.memory_space<hbm>> -> memref<1x128x64xf32, #tpu.memory_space<hbm>>
      %dma_wait3A_1511 = tpu.memref_squeeze %dma_wait3A_1510 : memref<1x128x64xf32, #tpu.memory_space<hbm>> -> memref<128x64xf32, #tpu.memory_space<hbm>>
      tpu.wait_dma2 semaphore(%arg34 : memref<!tpu.dma_semaphore, #tpu.memory_space<semaphore_mem>>) src(%arg14 : memref<128x64xf32, #tpu.memory_space<vmem>>) dst(%dma_wait3A_1511 : memref<128x64xf32, #tpu.memory_space<hbm>>)
      %add3A_1512 = arith.constant 8 : i32
      %add3A_1513 = arith.addi %add3A_1502, %add3A_1512 : i32
      %mul3A_1514 = arith.constant 1 : i32
      %mul3A_1515 = arith.muli %add3A_1513, %mul3A_1514 : i32
      %add3A_1516 = arith.constant 0 : i32
      %add3A_1517 = arith.addi %mul3A_1515, %add3A_1516 : i32
      %mul3A_1518 = arith.constant 128 : i32
      %mul3A_1519 = arith.muli %add3A_1517, %mul3A_1518 : i32
      %dma_start3A_1520 = arith.constant 0 : i32
      %dma_start3A_1521 = arith.constant 0 : i32
      %dma_start3A_1522 = tpu.memref_slice %arg14[%dma_start3A_1520, %dma_start3A_1521] : memref<128x64xf32, #tpu.memory_space<vmem>> -> memref<128x64xf32, #tpu.memory_space<vmem>>
      %dma_start3A_1523 = tpu.memref_slice %arg5[%mul3A_1519] : memref<6400xi32, #tpu.memory_space<vmem>> -> memref<128xi32, #tpu.memory_space<vmem>>
      %dma_start3A_1524 = arith.constant 0 : i32
      %dma_start3A_1525 = arith.constant 0 : i32
      %dma_start3A_1526 = tpu.memref_slice %arg2[%dma_start3A_1524, %dma_start3A_1525] : memref<100000x64xf32, #tpu.memory_space<hbm>> -> memref<100000x64xf32, #tpu.memory_space<hbm>>
      tpu.enqueue_indirect_dma source(%dma_start3A_1526 : memref<100000x64xf32, #tpu.memory_space<hbm>>) target(%dma_start3A_1522 : memref<128x64xf32, #tpu.memory_space<vmem>>) offsets(%dma_start3A_1523 : memref<128xi32, #tpu.memory_space<vmem>>) semaphore(%arg24 : memref<!tpu.dma_semaphore, #tpu.memory_space<semaphore_mem>>)
      %dma_wait3A_1527 = arith.constant 0 : i32
      %dma_wait3A_1528 = arith.constant 0 : i32
      %dma_wait3A_1529 = tpu.memref_slice %arg6[%dma_wait3A_1527, %dma_wait3A_1528] : memref<128x64xf32, #tpu.memory_space<vmem>> -> memref<128x64xf32, #tpu.memory_space<vmem>>
      %dma_wait3A_1530 = arith.constant 0 : i32
      %dma_wait3A_1531 = tpu.memref_slice %arg5[%dma_wait3A_1530] : memref<6400xi32, #tpu.memory_space<vmem>> -> memref<128xi32, #tpu.memory_space<vmem>>
      %dma_wait3A_1532 = arith.constant 0 : i32
      %dma_wait3A_1533 = arith.constant 0 : i32
      %dma_wait3A_1534 = tpu.memref_slice %arg2[%dma_wait3A_1532, %dma_wait3A_1533] : memref<100000x64xf32, #tpu.memory_space<hbm>> -> memref<100000x64xf32, #tpu.memory_space<hbm>>
      tpu.wait_indirect_dma semaphore(%arg16 : memref<!tpu.dma_semaphore, #tpu.memory_space<semaphore_mem>>) src(%dma_wait3A_1534 : memref<100000x64xf32, #tpu.memory_space<hbm>>) dst(%dma_wait3A_1529 : memref<128x64xf32, #tpu.memory_space<vmem>>)
      %add3A_1535 = arith.addi %mul3A_4, %add3A_1502 : i32
      %jit3A_1536 = arith.constant 32 : i32
      %div3A_1537 = arith.divsi %add3A_1535, %jit3A_1536 : i32
      %sign3A_1538 = arith.constant 0 : i32
      %sign3A_1539 = arith.cmpi sgt, %add3A_1535, %sign3A_1538 : i32
      %sign3A_1540 = arith.extui %sign3A_1539 : i1 to i32
      %sign3A_1541 = arith.constant 0 : i32
      %sign3A_1542 = arith.cmpi slt, %add3A_1535, %sign3A_1541 : i32
      %sign3A_1543 = arith.extui %sign3A_1542 : i1 to i32
      %sign3A_1544 = arith.subi %sign3A_1540, %sign3A_1543 : i32
      %sign3A_1545 = arith.constant 0 : i32
      %sign3A_1546 = arith.cmpi sgt, %jit3A_1536, %sign3A_1545 : i32
      %sign3A_1547 = arith.extui %sign3A_1546 : i1 to i32
      %sign3A_1548 = arith.constant 0 : i32
      %sign3A_1549 = arith.cmpi slt, %jit3A_1536, %sign3A_1548 : i32
      %sign3A_1550 = arith.extui %sign3A_1549 : i1 to i32
      %sign3A_1551 = arith.subi %sign3A_1547, %sign3A_1550 : i32
      %ne3A_1552 = arith.cmpi ne, %sign3A_1544, %sign3A_1551 : i32
      %rem3A_1553 = arith.remsi %add3A_1535, %jit3A_1536 : i32
      %ne3A_1554 = arith.constant 0 : i32
      %ne3A_1555 = arith.cmpi ne, %rem3A_1553, %ne3A_1554 : i32
      %and3A_1556 = arith.andi %ne3A_1552, %ne3A_1555 : i1
      %sub3A_1557 = arith.constant 1 : i32
      %sub3A_1558 = arith.subi %div3A_1537, %sub3A_1557 : i32
      %select_n3A_1559 = arith.select %and3A_1556, %sub3A_1558, %div3A_1537 : i32
      %jit3A_1560 = arith.constant 32 : i32
      %eq3A_1561 = arith.constant 0 : i32
      %eq3A_1562 = arith.cmpi eq, %jit3A_1560, %eq3A_1561 : i32
      %jit3A_1563 = arith.constant 1 : i32
      %select_n3A_1564 = arith.select %eq3A_1562, %jit3A_1563, %jit3A_1560 : i32
      %rem3A_1565 = arith.remsi %add3A_1535, %select_n3A_1564 : i32
      %ne3A_1566 = arith.constant 0 : i32
      %ne3A_1567 = arith.cmpi ne, %rem3A_1565, %ne3A_1566 : i32
      %lt3A_1568 = arith.constant 0 : i32
      %lt3A_1569 = arith.cmpi slt, %rem3A_1565, %lt3A_1568 : i32
      %lt3A_1570 = arith.constant 0 : i32
      %lt3A_1571 = arith.cmpi slt, %select_n3A_1564, %lt3A_1570 : i32
      %ne3A_1572 = arith.xori %lt3A_1569, %lt3A_1571 : i1
      %and3A_1573 = arith.andi %ne3A_1572, %ne3A_1567 : i1
      %add3A_1574 = arith.addi %rem3A_1565, %select_n3A_1564 : i32
      %select_n3A_1575 = arith.select %and3A_1573, %add3A_1574, %rem3A_1565 : i32
      %mul3A_1576 = arith.constant 128 : i32
      %mul3A_1577 = arith.muli %select_n3A_1575, %mul3A_1576 : i32
      %dma_start3A_1578 = arith.constant 0 : i32
      %dma_start3A_1579 = tpu.memref_slice %arg4[%select_n3A_1559, %mul3A_1577, %dma_start3A_1578] : memref<50x4096x64xf32, #tpu.memory_space<hbm>> -> memref<1x128x64xf32, #tpu.memory_space<hbm>>
      %dma_start3A_1580 = tpu.memref_squeeze %dma_start3A_1579 : memref<1x128x64xf32, #tpu.memory_space<hbm>> -> memref<128x64xf32, #tpu.memory_space<hbm>>
      %dma_start3A_1581 = arith.constant 0 : i32
      %dma_start3A_1582 = tpu.memref_slice %arg4[%select_n3A_1559, %mul3A_1577, %dma_start3A_1581] : memref<50x4096x64xf32, #tpu.memory_space<hbm>> -> memref<1x128x64xf32, #tpu.memory_space<hbm>>
      %dma_start3A_1583 = tpu.memref_squeeze %dma_start3A_1582 : memref<1x128x64xf32, #tpu.memory_space<hbm>> -> memref<128x64xf32, #tpu.memory_space<hbm>>
      tpu.enqueue_dma source(%arg6 : memref<128x64xf32, #tpu.memory_space<vmem>>) target(%dma_start3A_1583 : memref<128x64xf32, #tpu.memory_space<hbm>>) target_semaphore(%arg26 : memref<!tpu.dma_semaphore, #tpu.memory_space<semaphore_mem>>)
      %mul3A_1584 = arith.constant 10 : i32
      %mul3A_1585 = arith.muli %scan3A_1498, %mul3A_1584 : i32
      %add3A_1586 = arith.constant 1 : i32
      %add3A_1587 = arith.addi %mul3A_1585, %add3A_1586 : i32
      %dma_wait3A_1588 = arith.constant 0 : i32
      %dma_wait3A_1589 = arith.constant 0 : i32
      %dma_wait3A_1590 = arith.constant 0 : i32
      %dma_wait3A_1591 = tpu.memref_slice %arg4[%dma_wait3A_1588, %dma_wait3A_1589, %dma_wait3A_1590] : memref<50x4096x64xf32, #tpu.memory_space<hbm>> -> memref<1x128x64xf32, #tpu.memory_space<hbm>>
      %dma_wait3A_1592 = tpu.memref_squeeze %dma_wait3A_1591 : memref<1x128x64xf32, #tpu.memory_space<hbm>> -> memref<128x64xf32, #tpu.memory_space<hbm>>
      %dma_wait3A_1593 = arith.constant 0 : i32
      %dma_wait3A_1594 = arith.constant 0 : i32
      %dma_wait3A_1595 = tpu.memref_slice %arg4[%dma_wait3A_1588, %dma_wait3A_1593, %dma_wait3A_1594] : memref<50x4096x64xf32, #tpu.memory_space<hbm>> -> memref<1x128x64xf32, #tpu.memory_space<hbm>>
      %dma_wait3A_1596 = tpu.memref_squeeze %dma_wait3A_1595 : memref<1x128x64xf32, #tpu.memory_space<hbm>> -> memref<128x64xf32, #tpu.memory_space<hbm>>
      tpu.wait_dma2 semaphore(%arg35 : memref<!tpu.dma_semaphore, #tpu.memory_space<semaphore_mem>>) src(%arg15 : memref<128x64xf32, #tpu.memory_space<vmem>>) dst(%dma_wait3A_1596 : memref<128x64xf32, #tpu.memory_space<hbm>>)
      %add3A_1597 = arith.constant 8 : i32
      %add3A_1598 = arith.addi %add3A_1587, %add3A_1597 : i32
      %mul3A_1599 = arith.constant 1 : i32
      %mul3A_1600 = arith.muli %add3A_1598, %mul3A_1599 : i32
      %add3A_1601 = arith.constant 0 : i32
      %add3A_1602 = arith.addi %mul3A_1600, %add3A_1601 : i32
      %mul3A_1603 = arith.constant 128 : i32
      %mul3A_1604 = arith.muli %add3A_1602, %mul3A_1603 : i32
      %dma_start3A_1605 = arith.constant 0 : i32
      %dma_start3A_1606 = arith.constant 0 : i32
      %dma_start3A_1607 = tpu.memref_slice %arg15[%dma_start3A_1605, %dma_start3A_1606] : memref<128x64xf32, #tpu.memory_space<vmem>> -> memref<128x64xf32, #tpu.memory_space<vmem>>
      %dma_start3A_1608 = tpu.memref_slice %arg5[%mul3A_1604] : memref<6400xi32, #tpu.memory_space<vmem>> -> memref<128xi32, #tpu.memory_space<vmem>>
      %dma_start3A_1609 = arith.constant 0 : i32
      %dma_start3A_1610 = arith.constant 0 : i32
      %dma_start3A_1611 = tpu.memref_slice %arg2[%dma_start3A_1609, %dma_start3A_1610] : memref<100000x64xf32, #tpu.memory_space<hbm>> -> memref<100000x64xf32, #tpu.memory_space<hbm>>
      tpu.enqueue_indirect_dma source(%dma_start3A_1611 : memref<100000x64xf32, #tpu.memory_space<hbm>>) target(%dma_start3A_1607 : memref<128x64xf32, #tpu.memory_space<vmem>>) offsets(%dma_start3A_1608 : memref<128xi32, #tpu.memory_space<vmem>>) semaphore(%arg25 : memref<!tpu.dma_semaphore, #tpu.memory_space<semaphore_mem>>)
      %dma_wait3A_1612 = arith.constant 0 : i32
      %dma_wait3A_1613 = arith.constant 0 : i32
      %dma_wait3A_1614 = tpu.memref_slice %arg7[%dma_wait3A_1612, %dma_wait3A_1613] : memref<128x64xf32, #tpu.memory_space<vmem>> -> memref<128x64xf32, #tpu.memory_space<vmem>>
      %dma_wait3A_1615 = arith.constant 0 : i32
      %dma_wait3A_1616 = tpu.memref_slice %arg5[%dma_wait3A_1615] : memref<6400xi32, #tpu.memory_space<vmem>> -> memref<128xi32, #tpu.memory_space<vmem>>
      %dma_wait3A_1617 = arith.constant 0 : i32
      %dma_wait3A_1618 = arith.constant 0 : i32
      %dma_wait3A_1619 = tpu.memref_slice %arg2[%dma_wait3A_1617, %dma_wait3A_1618] : memref<100000x64xf32, #tpu.memory_space<hbm>> -> memref<100000x64xf32, #tpu.memory_space<hbm>>
      tpu.wait_indirect_dma semaphore(%arg17 : memref<!tpu.dma_semaphore, #tpu.memory_space<semaphore_mem>>) src(%dma_wait3A_1619 : memref<100000x64xf32, #tpu.memory_space<hbm>>) dst(%dma_wait3A_1614 : memref<128x64xf32, #tpu.memory_space<vmem>>)
      %add3A_1620 = arith.addi %mul3A_4, %add3A_1587 : i32
      %jit3A_1621 = arith.constant 32 : i32
      %div3A_1622 = arith.divsi %add3A_1620, %jit3A_1621 : i32
      %sign3A_1623 = arith.constant 0 : i32
      %sign3A_1624 = arith.cmpi sgt, %add3A_1620, %sign3A_1623 : i32
      %sign3A_1625 = arith.extui %sign3A_1624 : i1 to i32
      %sign3A_1626 = arith.constant 0 : i32
      %sign3A_1627 = arith.cmpi slt, %add3A_1620, %sign3A_1626 : i32
      %sign3A_1628 = arith.extui %sign3A_1627 : i1 to i32
      %sign3A_1629 = arith.subi %sign3A_1625, %sign3A_1628 : i32
      %sign3A_1630 = arith.constant 0 : i32
      %sign3A_1631 = arith.cmpi sgt, %jit3A_1621, %sign3A_1630 : i32
      %sign3A_1632 = arith.extui %sign3A_1631 : i1 to i32
      %sign3A_1633 = arith.constant 0 : i32
      %sign3A_1634 = arith.cmpi slt, %jit3A_1621, %sign3A_1633 : i32
      %sign3A_1635 = arith.extui %sign3A_1634 : i1 to i32
      %sign3A_1636 = arith.subi %sign3A_1632, %sign3A_1635 : i32
      %ne3A_1637 = arith.cmpi ne, %sign3A_1629, %sign3A_1636 : i32
      %rem3A_1638 = arith.remsi %add3A_1620, %jit3A_1621 : i32
      %ne3A_1639 = arith.constant 0 : i32
      %ne3A_1640 = arith.cmpi ne, %rem3A_1638, %ne3A_1639 : i32
      %and3A_1641 = arith.andi %ne3A_1637, %ne3A_1640 : i1
      %sub3A_1642 = arith.constant 1 : i32
      %sub3A_1643 = arith.subi %div3A_1622, %sub3A_1642 : i32
      %select_n3A_1644 = arith.select %and3A_1641, %sub3A_1643, %div3A_1622 : i32
      %jit3A_1645 = arith.constant 32 : i32
      %eq3A_1646 = arith.constant 0 : i32
      %eq3A_1647 = arith.cmpi eq, %jit3A_1645, %eq3A_1646 : i32
      %jit3A_1648 = arith.constant 1 : i32
      %select_n3A_1649 = arith.select %eq3A_1647, %jit3A_1648, %jit3A_1645 : i32
      %rem3A_1650 = arith.remsi %add3A_1620, %select_n3A_1649 : i32
      %ne3A_1651 = arith.constant 0 : i32
      %ne3A_1652 = arith.cmpi ne, %rem3A_1650, %ne3A_1651 : i32
      %lt3A_1653 = arith.constant 0 : i32
      %lt3A_1654 = arith.cmpi slt, %rem3A_1650, %lt3A_1653 : i32
      %lt3A_1655 = arith.constant 0 : i32
      %lt3A_1656 = arith.cmpi slt, %select_n3A_1649, %lt3A_1655 : i32
      %ne3A_1657 = arith.xori %lt3A_1654, %lt3A_1656 : i1
      %and3A_1658 = arith.andi %ne3A_1657, %ne3A_1652 : i1
      %add3A_1659 = arith.addi %rem3A_1650, %select_n3A_1649 : i32
      %select_n3A_1660 = arith.select %and3A_1658, %add3A_1659, %rem3A_1650 : i32
      %mul3A_1661 = arith.constant 128 : i32
      %mul3A_1662 = arith.muli %select_n3A_1660, %mul3A_1661 : i32
      %dma_start3A_1663 = arith.constant 0 : i32
      %dma_start3A_1664 = tpu.memref_slice %arg4[%select_n3A_1644, %mul3A_1662, %dma_start3A_1663] : memref<50x4096x64xf32, #tpu.memory_space<hbm>> -> memref<1x128x64xf32, #tpu.memory_space<hbm>>
      %dma_start3A_1665 = tpu.memref_squeeze %dma_start3A_1664 : memref<1x128x64xf32, #tpu.memory_space<hbm>> -> memref<128x64xf32, #tpu.memory_space<hbm>>
      %dma_start3A_1666 = arith.constant 0 : i32
      %dma_start3A_1667 = tpu.memref_slice %arg4[%select_n3A_1644, %mul3A_1662, %dma_start3A_1666] : memref<50x4096x64xf32, #tpu.memory_space<hbm>> -> memref<1x128x64xf32, #tpu.memory_space<hbm>>
      %dma_start3A_1668 = tpu.memref_squeeze %dma_start3A_1667 : memref<1x128x64xf32, #tpu.memory_space<hbm>> -> memref<128x64xf32, #tpu.memory_space<hbm>>
      tpu.enqueue_dma source(%arg7 : memref<128x64xf32, #tpu.memory_space<vmem>>) target(%dma_start3A_1668 : memref<128x64xf32, #tpu.memory_space<hbm>>) target_semaphore(%arg27 : memref<!tpu.dma_semaphore, #tpu.memory_space<semaphore_mem>>)
      %mul3A_1669 = arith.constant 10 : i32
      %mul3A_1670 = arith.muli %scan3A_1498, %mul3A_1669 : i32
      %add3A_1671 = arith.constant 2 : i32
      %add3A_1672 = arith.addi %mul3A_1670, %add3A_1671 : i32
      %dma_wait3A_1673 = arith.constant 0 : i32
      %dma_wait3A_1674 = arith.constant 0 : i32
      %dma_wait3A_1675 = arith.constant 0 : i32
      %dma_wait3A_1676 = tpu.memref_slice %arg4[%dma_wait3A_1673, %dma_wait3A_1674, %dma_wait3A_1675] : memref<50x4096x64xf32, #tpu.memory_space<hbm>> -> memref<1x128x64xf32, #tpu.memory_space<hbm>>
      %dma_wait3A_1677 = tpu.memref_squeeze %dma_wait3A_1676 : memref<1x128x64xf32, #tpu.memory_space<hbm>> -> memref<128x64xf32, #tpu.memory_space<hbm>>
      %dma_wait3A_1678 = arith.constant 0 : i32
      %dma_wait3A_1679 = arith.constant 0 : i32
      %dma_wait3A_1680 = tpu.memref_slice %arg4[%dma_wait3A_1673, %dma_wait3A_1678, %dma_wait3A_1679] : memref<50x4096x64xf32, #tpu.memory_space<hbm>> -> memref<1x128x64xf32, #tpu.memory_space<hbm>>
      %dma_wait3A_1681 = tpu.memref_squeeze %dma_wait3A_1680 : memref<1x128x64xf32, #tpu.memory_space<hbm>> -> memref<128x64xf32, #tpu.memory_space<hbm>>
      tpu.wait_dma2 semaphore(%arg26 : memref<!tpu.dma_semaphore, #tpu.memory_space<semaphore_mem>>) src(%arg6 : memref<128x64xf32, #tpu.memory_space<vmem>>) dst(%dma_wait3A_1681 : memref<128x64xf32, #tpu.memory_space<hbm>>)
      %add3A_1682 = arith.constant 8 : i32
      %add3A_1683 = arith.addi %add3A_1672, %add3A_1682 : i32
      %mul3A_1684 = arith.constant 1 : i32
      %mul3A_1685 = arith.muli %add3A_1683, %mul3A_1684 : i32
      %add3A_1686 = arith.constant 0 : i32
      %add3A_1687 = arith.addi %mul3A_1685, %add3A_1686 : i32
      %mul3A_1688 = arith.constant 128 : i32
      %mul3A_1689 = arith.muli %add3A_1687, %mul3A_1688 : i32
      %dma_start3A_1690 = arith.constant 0 : i32
      %dma_start3A_1691 = arith.constant 0 : i32
      %dma_start3A_1692 = tpu.memref_slice %arg6[%dma_start3A_1690, %dma_start3A_1691] : memref<128x64xf32, #tpu.memory_space<vmem>> -> memref<128x64xf32, #tpu.memory_space<vmem>>
      %dma_start3A_1693 = tpu.memref_slice %arg5[%mul3A_1689] : memref<6400xi32, #tpu.memory_space<vmem>> -> memref<128xi32, #tpu.memory_space<vmem>>
      %dma_start3A_1694 = arith.constant 0 : i32
      %dma_start3A_1695 = arith.constant 0 : i32
      %dma_start3A_1696 = tpu.memref_slice %arg2[%dma_start3A_1694, %dma_start3A_1695] : memref<100000x64xf32, #tpu.memory_space<hbm>> -> memref<100000x64xf32, #tpu.memory_space<hbm>>
      tpu.enqueue_indirect_dma source(%dma_start3A_1696 : memref<100000x64xf32, #tpu.memory_space<hbm>>) target(%dma_start3A_1692 : memref<128x64xf32, #tpu.memory_space<vmem>>) offsets(%dma_start3A_1693 : memref<128xi32, #tpu.memory_space<vmem>>) semaphore(%arg16 : memref<!tpu.dma_semaphore, #tpu.memory_space<semaphore_mem>>)
      %dma_wait3A_1697 = arith.constant 0 : i32
      %dma_wait3A_1698 = arith.constant 0 : i32
      %dma_wait3A_1699 = tpu.memref_slice %arg8[%dma_wait3A_1697, %dma_wait3A_1698] : memref<128x64xf32, #tpu.memory_space<vmem>> -> memref<128x64xf32, #tpu.memory_space<vmem>>
      %dma_wait3A_1700 = arith.constant 0 : i32
      %dma_wait3A_1701 = tpu.memref_slice %arg5[%dma_wait3A_1700] : memref<6400xi32, #tpu.memory_space<vmem>> -> memref<128xi32, #tpu.memory_space<vmem>>
      %dma_wait3A_1702 = arith.constant 0 : i32
      %dma_wait3A_1703 = arith.constant 0 : i32
      %dma_wait3A_1704 = tpu.memref_slice %arg2[%dma_wait3A_1702, %dma_wait3A_1703] : memref<100000x64xf32, #tpu.memory_space<hbm>> -> memref<100000x64xf32, #tpu.memory_space<hbm>>
      tpu.wait_indirect_dma semaphore(%arg18 : memref<!tpu.dma_semaphore, #tpu.memory_space<semaphore_mem>>) src(%dma_wait3A_1704 : memref<100000x64xf32, #tpu.memory_space<hbm>>) dst(%dma_wait3A_1699 : memref<128x64xf32, #tpu.memory_space<vmem>>)
      %add3A_1705 = arith.addi %mul3A_4, %add3A_1672 : i32
      %jit3A_1706 = arith.constant 32 : i32
      %div3A_1707 = arith.divsi %add3A_1705, %jit3A_1706 : i32
      %sign3A_1708 = arith.constant 0 : i32
      %sign3A_1709 = arith.cmpi sgt, %add3A_1705, %sign3A_1708 : i32
      %sign3A_1710 = arith.extui %sign3A_1709 : i1 to i32
      %sign3A_1711 = arith.constant 0 : i32
      %sign3A_1712 = arith.cmpi slt, %add3A_1705, %sign3A_1711 : i32
      %sign3A_1713 = arith.extui %sign3A_1712 : i1 to i32
      %sign3A_1714 = arith.subi %sign3A_1710, %sign3A_1713 : i32
      %sign3A_1715 = arith.constant 0 : i32
      %sign3A_1716 = arith.cmpi sgt, %jit3A_1706, %sign3A_1715 : i32
      %sign3A_1717 = arith.extui %sign3A_1716 : i1 to i32
      %sign3A_1718 = arith.constant 0 : i32
      %sign3A_1719 = arith.cmpi slt, %jit3A_1706, %sign3A_1718 : i32
      %sign3A_1720 = arith.extui %sign3A_1719 : i1 to i32
      %sign3A_1721 = arith.subi %sign3A_1717, %sign3A_1720 : i32
      %ne3A_1722 = arith.cmpi ne, %sign3A_1714, %sign3A_1721 : i32
      %rem3A_1723 = arith.remsi %add3A_1705, %jit3A_1706 : i32
      %ne3A_1724 = arith.constant 0 : i32
      %ne3A_1725 = arith.cmpi ne, %rem3A_1723, %ne3A_1724 : i32
      %and3A_1726 = arith.andi %ne3A_1722, %ne3A_1725 : i1
      %sub3A_1727 = arith.constant 1 : i32
      %sub3A_1728 = arith.subi %div3A_1707, %sub3A_1727 : i32
      %select_n3A_1729 = arith.select %and3A_1726, %sub3A_1728, %div3A_1707 : i32
      %jit3A_1730 = arith.constant 32 : i32
      %eq3A_1731 = arith.constant 0 : i32
      %eq3A_1732 = arith.cmpi eq, %jit3A_1730, %eq3A_1731 : i32
      %jit3A_1733 = arith.constant 1 : i32
      %select_n3A_1734 = arith.select %eq3A_1732, %jit3A_1733, %jit3A_1730 : i32
      %rem3A_1735 = arith.remsi %add3A_1705, %select_n3A_1734 : i32
      %ne3A_1736 = arith.constant 0 : i32
      %ne3A_1737 = arith.cmpi ne, %rem3A_1735, %ne3A_1736 : i32
      %lt3A_1738 = arith.constant 0 : i32
      %lt3A_1739 = arith.cmpi slt, %rem3A_1735, %lt3A_1738 : i32
      %lt3A_1740 = arith.constant 0 : i32
      %lt3A_1741 = arith.cmpi slt, %select_n3A_1734, %lt3A_1740 : i32
      %ne3A_1742 = arith.xori %lt3A_1739, %lt3A_1741 : i1
      %and3A_1743 = arith.andi %ne3A_1742, %ne3A_1737 : i1
      %add3A_1744 = arith.addi %rem3A_1735, %select_n3A_1734 : i32
      %select_n3A_1745 = arith.select %and3A_1743, %add3A_1744, %rem3A_1735 : i32
      %mul3A_1746 = arith.constant 128 : i32
      %mul3A_1747 = arith.muli %select_n3A_1745, %mul3A_1746 : i32
      %dma_start3A_1748 = arith.constant 0 : i32
      %dma_start3A_1749 = tpu.memref_slice %arg4[%select_n3A_1729, %mul3A_1747, %dma_start3A_1748] : memref<50x4096x64xf32, #tpu.memory_space<hbm>> -> memref<1x128x64xf32, #tpu.memory_space<hbm>>
      %dma_start3A_1750 = tpu.memref_squeeze %dma_start3A_1749 : memref<1x128x64xf32, #tpu.memory_space<hbm>> -> memref<128x64xf32, #tpu.memory_space<hbm>>
      %dma_start3A_1751 = arith.constant 0 : i32
      %dma_start3A_1752 = tpu.memref_slice %arg4[%select_n3A_1729, %mul3A_1747, %dma_start3A_1751] : memref<50x4096x64xf32, #tpu.memory_space<hbm>> -> memref<1x128x64xf32, #tpu.memory_space<hbm>>
      %dma_start3A_1753 = tpu.memref_squeeze %dma_start3A_1752 : memref<1x128x64xf32, #tpu.memory_space<hbm>> -> memref<128x64xf32, #tpu.memory_space<hbm>>
      tpu.enqueue_dma source(%arg8 : memref<128x64xf32, #tpu.memory_space<vmem>>) target(%dma_start3A_1753 : memref<128x64xf32, #tpu.memory_space<hbm>>) target_semaphore(%arg28 : memref<!tpu.dma_semaphore, #tpu.memory_space<semaphore_mem>>)
      %mul3A_1754 = arith.constant 10 : i32
      %mul3A_1755 = arith.muli %scan3A_1498, %mul3A_1754 : i32
      %add3A_1756 = arith.constant 3 : i32
      %add3A_1757 = arith.addi %mul3A_1755, %add3A_1756 : i32
      %dma_wait3A_1758 = arith.constant 0 : i32
      %dma_wait3A_1759 = arith.constant 0 : i32
      %dma_wait3A_1760 = arith.constant 0 : i32
      %dma_wait3A_1761 = tpu.memref_slice %arg4[%dma_wait3A_1758, %dma_wait3A_1759, %dma_wait3A_1760] : memref<50x4096x64xf32, #tpu.memory_space<hbm>> -> memref<1x128x64xf32, #tpu.memory_space<hbm>>
      %dma_wait3A_1762 = tpu.memref_squeeze %dma_wait3A_1761 : memref<1x128x64xf32, #tpu.memory_space<hbm>> -> memref<128x64xf32, #tpu.memory_space<hbm>>
      %dma_wait3A_1763 = arith.constant 0 : i32
      %dma_wait3A_1764 = arith.constant 0 : i32
      %dma_wait3A_1765 = tpu.memref_slice %arg4[%dma_wait3A_1758, %dma_wait3A_1763, %dma_wait3A_1764] : memref<50x4096x64xf32, #tpu.memory_space<hbm>> -> memref<1x128x64xf32, #tpu.memory_space<hbm>>
      %dma_wait3A_1766 = tpu.memref_squeeze %dma_wait3A_1765 : memref<1x128x64xf32, #tpu.memory_space<hbm>> -> memref<128x64xf32, #tpu.memory_space<hbm>>
      tpu.wait_dma2 semaphore(%arg27 : memref<!tpu.dma_semaphore, #tpu.memory_space<semaphore_mem>>) src(%arg7 : memref<128x64xf32, #tpu.memory_space<vmem>>) dst(%dma_wait3A_1766 : memref<128x64xf32, #tpu.memory_space<hbm>>)
      %add3A_1767 = arith.constant 8 : i32
      %add3A_1768 = arith.addi %add3A_1757, %add3A_1767 : i32
      %mul3A_1769 = arith.constant 1 : i32
      %mul3A_1770 = arith.muli %add3A_1768, %mul3A_1769 : i32
      %add3A_1771 = arith.constant 0 : i32
      %add3A_1772 = arith.addi %mul3A_1770, %add3A_1771 : i32
      %mul3A_1773 = arith.constant 128 : i32
      %mul3A_1774 = arith.muli %add3A_1772, %mul3A_1773 : i32
      %dma_start3A_1775 = arith.constant 0 : i32
      %dma_start3A_1776 = arith.constant 0 : i32
      %dma_start3A_1777 = tpu.memref_slice %arg7[%dma_start3A_1775, %dma_start3A_1776] : memref<128x64xf32, #tpu.memory_space<vmem>> -> memref<128x64xf32, #tpu.memory_space<vmem>>
      %dma_start3A_1778 = tpu.memref_slice %arg5[%mul3A_1774] : memref<6400xi32, #tpu.memory_space<vmem>> -> memref<128xi32, #tpu.memory_space<vmem>>
      %dma_start3A_1779 = arith.constant 0 : i32
      %dma_start3A_1780 = arith.constant 0 : i32
      %dma_start3A_1781 = tpu.memref_slice %arg2[%dma_start3A_1779, %dma_start3A_1780] : memref<100000x64xf32, #tpu.memory_space<hbm>> -> memref<100000x64xf32, #tpu.memory_space<hbm>>
      tpu.enqueue_indirect_dma source(%dma_start3A_1781 : memref<100000x64xf32, #tpu.memory_space<hbm>>) target(%dma_start3A_1777 : memref<128x64xf32, #tpu.memory_space<vmem>>) offsets(%dma_start3A_1778 : memref<128xi32, #tpu.memory_space<vmem>>) semaphore(%arg17 : memref<!tpu.dma_semaphore, #tpu.memory_space<semaphore_mem>>)
      %dma_wait3A_1782 = arith.constant 0 : i32
      %dma_wait3A_1783 = arith.constant 0 : i32
      %dma_wait3A_1784 = tpu.memref_slice %arg9[%dma_wait3A_1782, %dma_wait3A_1783] : memref<128x64xf32, #tpu.memory_space<vmem>> -> memref<128x64xf32, #tpu.memory_space<vmem>>
      %dma_wait3A_1785 = arith.constant 0 : i32
      %dma_wait3A_1786 = tpu.memref_slice %arg5[%dma_wait3A_1785] : memref<6400xi32, #tpu.memory_space<vmem>> -> memref<128xi32, #tpu.memory_space<vmem>>
      %dma_wait3A_1787 = arith.constant 0 : i32
      %dma_wait3A_1788 = arith.constant 0 : i32
      %dma_wait3A_1789 = tpu.memref_slice %arg2[%dma_wait3A_1787, %dma_wait3A_1788] : memref<100000x64xf32, #tpu.memory_space<hbm>> -> memref<100000x64xf32, #tpu.memory_space<hbm>>
      tpu.wait_indirect_dma semaphore(%arg19 : memref<!tpu.dma_semaphore, #tpu.memory_space<semaphore_mem>>) src(%dma_wait3A_1789 : memref<100000x64xf32, #tpu.memory_space<hbm>>) dst(%dma_wait3A_1784 : memref<128x64xf32, #tpu.memory_space<vmem>>)
      %add3A_1790 = arith.addi %mul3A_4, %add3A_1757 : i32
      %jit3A_1791 = arith.constant 32 : i32
      %div3A_1792 = arith.divsi %add3A_1790, %jit3A_1791 : i32
      %sign3A_1793 = arith.constant 0 : i32
      %sign3A_1794 = arith.cmpi sgt, %add3A_1790, %sign3A_1793 : i32
      %sign3A_1795 = arith.extui %sign3A_1794 : i1 to i32
      %sign3A_1796 = arith.constant 0 : i32
      %sign3A_1797 = arith.cmpi slt, %add3A_1790, %sign3A_1796 : i32
      %sign3A_1798 = arith.extui %sign3A_1797 : i1 to i32
      %sign3A_1799 = arith.subi %sign3A_1795, %sign3A_1798 : i32
      %sign3A_1800 = arith.constant 0 : i32
      %sign3A_1801 = arith.cmpi sgt, %jit3A_1791, %sign3A_1800 : i32
      %sign3A_1802 = arith.extui %sign3A_1801 : i1 to i32
      %sign3A_1803 = arith.constant 0 : i32
      %sign3A_1804 = arith.cmpi slt, %jit3A_1791, %sign3A_1803 : i32
      %sign3A_1805 = arith.extui %sign3A_1804 : i1 to i32
      %sign3A_1806 = arith.subi %sign3A_1802, %sign3A_1805 : i32
      %ne3A_1807 = arith.cmpi ne, %sign3A_1799, %sign3A_1806 : i32
      %rem3A_1808 = arith.remsi %add3A_1790, %jit3A_1791 : i32
      %ne3A_1809 = arith.constant 0 : i32
      %ne3A_1810 = arith.cmpi ne, %rem3A_1808, %ne3A_1809 : i32
      %and3A_1811 = arith.andi %ne3A_1807, %ne3A_1810 : i1
      %sub3A_1812 = arith.constant 1 : i32
      %sub3A_1813 = arith.subi %div3A_1792, %sub3A_1812 : i32
      %select_n3A_1814 = arith.select %and3A_1811, %sub3A_1813, %div3A_1792 : i32
      %jit3A_1815 = arith.constant 32 : i32
      %eq3A_1816 = arith.constant 0 : i32
      %eq3A_1817 = arith.cmpi eq, %jit3A_1815, %eq3A_1816 : i32
      %jit3A_1818 = arith.constant 1 : i32
      %select_n3A_1819 = arith.select %eq3A_1817, %jit3A_1818, %jit3A_1815 : i32
      %rem3A_1820 = arith.remsi %add3A_1790, %select_n3A_1819 : i32
      %ne3A_1821 = arith.constant 0 : i32
      %ne3A_1822 = arith.cmpi ne, %rem3A_1820, %ne3A_1821 : i32
      %lt3A_1823 = arith.constant 0 : i32
      %lt3A_1824 = arith.cmpi slt, %rem3A_1820, %lt3A_1823 : i32
      %lt3A_1825 = arith.constant 0 : i32
      %lt3A_1826 = arith.cmpi slt, %select_n3A_1819, %lt3A_1825 : i32
      %ne3A_1827 = arith.xori %lt3A_1824, %lt3A_1826 : i1
      %and3A_1828 = arith.andi %ne3A_1827, %ne3A_1822 : i1
      %add3A_1829 = arith.addi %rem3A_1820, %select_n3A_1819 : i32
      %select_n3A_1830 = arith.select %and3A_1828, %add3A_1829, %rem3A_1820 : i32
      %mul3A_1831 = arith.constant 128 : i32
      %mul3A_1832 = arith.muli %select_n3A_1830, %mul3A_1831 : i32
      %dma_start3A_1833 = arith.constant 0 : i32
      %dma_start3A_1834 = tpu.memref_slice %arg4[%select_n3A_1814, %mul3A_1832, %dma_start3A_1833] : memref<50x4096x64xf32, #tpu.memory_space<hbm>> -> memref<1x128x64xf32, #tpu.memory_space<hbm>>
      %dma_start3A_1835 = tpu.memref_squeeze %dma_start3A_1834 : memref<1x128x64xf32, #tpu.memory_space<hbm>> -> memref<128x64xf32, #tpu.memory_space<hbm>>
      %dma_start3A_1836 = arith.constant 0 : i32
      %dma_start3A_1837 = tpu.memref_slice %arg4[%select_n3A_1814, %mul3A_1832, %dma_start3A_1836] : memref<50x4096x64xf32, #tpu.memory_space<hbm>> -> memref<1x128x64xf32, #tpu.memory_space<hbm>>
      %dma_start3A_1838 = tpu.memref_squeeze %dma_start3A_1837 : memref<1x128x64xf32, #tpu.memory_space<hbm>> -> memref<128x64xf32, #tpu.memory_space<hbm>>
      tpu.enqueue_dma source(%arg9 : memref<128x64xf32, #tpu.memory_space<vmem>>) target(%dma_start3A_1838 : memref<128x64xf32, #tpu.memory_space<hbm>>) target_semaphore(%arg29 : memref<!tpu.dma_semaphore, #tpu.memory_space<semaphore_mem>>)
      %mul3A_1839 = arith.constant 10 : i32
      %mul3A_1840 = arith.muli %scan3A_1498, %mul3A_1839 : i32
      %add3A_1841 = arith.constant 4 : i32
      %add3A_1842 = arith.addi %mul3A_1840, %add3A_1841 : i32
      %dma_wait3A_1843 = arith.constant 0 : i32
      %dma_wait3A_1844 = arith.constant 0 : i32
      %dma_wait3A_1845 = arith.constant 0 : i32
      %dma_wait3A_1846 = tpu.memref_slice %arg4[%dma_wait3A_1843, %dma_wait3A_1844, %dma_wait3A_1845] : memref<50x4096x64xf32, #tpu.memory_space<hbm>> -> memref<1x128x64xf32, #tpu.memory_space<hbm>>
      %dma_wait3A_1847 = tpu.memref_squeeze %dma_wait3A_1846 : memref<1x128x64xf32, #tpu.memory_space<hbm>> -> memref<128x64xf32, #tpu.memory_space<hbm>>
      %dma_wait3A_1848 = arith.constant 0 : i32
      %dma_wait3A_1849 = arith.constant 0 : i32
      %dma_wait3A_1850 = tpu.memref_slice %arg4[%dma_wait3A_1843, %dma_wait3A_1848, %dma_wait3A_1849] : memref<50x4096x64xf32, #tpu.memory_space<hbm>> -> memref<1x128x64xf32, #tpu.memory_space<hbm>>
      %dma_wait3A_1851 = tpu.memref_squeeze %dma_wait3A_1850 : memref<1x128x64xf32, #tpu.memory_space<hbm>> -> memref<128x64xf32, #tpu.memory_space<hbm>>
      tpu.wait_dma2 semaphore(%arg28 : memref<!tpu.dma_semaphore, #tpu.memory_space<semaphore_mem>>) src(%arg8 : memref<128x64xf32, #tpu.memory_space<vmem>>) dst(%dma_wait3A_1851 : memref<128x64xf32, #tpu.memory_space<hbm>>)
      %add3A_1852 = arith.constant 8 : i32
      %add3A_1853 = arith.addi %add3A_1842, %add3A_1852 : i32
      %mul3A_1854 = arith.constant 1 : i32
      %mul3A_1855 = arith.muli %add3A_1853, %mul3A_1854 : i32
      %add3A_1856 = arith.constant 0 : i32
      %add3A_1857 = arith.addi %mul3A_1855, %add3A_1856 : i32
      %mul3A_1858 = arith.constant 128 : i32
      %mul3A_1859 = arith.muli %add3A_1857, %mul3A_1858 : i32
      %dma_start3A_1860 = arith.constant 0 : i32
      %dma_start3A_1861 = arith.constant 0 : i32
      %dma_start3A_1862 = tpu.memref_slice %arg8[%dma_start3A_1860, %dma_start3A_1861] : memref<128x64xf32, #tpu.memory_space<vmem>> -> memref<128x64xf32, #tpu.memory_space<vmem>>
      %dma_start3A_1863 = tpu.memref_slice %arg5[%mul3A_1859] : memref<6400xi32, #tpu.memory_space<vmem>> -> memref<128xi32, #tpu.memory_space<vmem>>
      %dma_start3A_1864 = arith.constant 0 : i32
      %dma_start3A_1865 = arith.constant 0 : i32
      %dma_start3A_1866 = tpu.memref_slice %arg2[%dma_start3A_1864, %dma_start3A_1865] : memref<100000x64xf32, #tpu.memory_space<hbm>> -> memref<100000x64xf32, #tpu.memory_space<hbm>>
      tpu.enqueue_indirect_dma source(%dma_start3A_1866 : memref<100000x64xf32, #tpu.memory_space<hbm>>) target(%dma_start3A_1862 : memref<128x64xf32, #tpu.memory_space<vmem>>) offsets(%dma_start3A_1863 : memref<128xi32, #tpu.memory_space<vmem>>) semaphore(%arg18 : memref<!tpu.dma_semaphore, #tpu.memory_space<semaphore_mem>>)
      %dma_wait3A_1867 = arith.constant 0 : i32
      %dma_wait3A_1868 = arith.constant 0 : i32
      %dma_wait3A_1869 = tpu.memref_slice %arg10[%dma_wait3A_1867, %dma_wait3A_1868] : memref<128x64xf32, #tpu.memory_space<vmem>> -> memref<128x64xf32, #tpu.memory_space<vmem>>
      %dma_wait3A_1870 = arith.constant 0 : i32
      %dma_wait3A_1871 = tpu.memref_slice %arg5[%dma_wait3A_1870] : memref<6400xi32, #tpu.memory_space<vmem>> -> memref<128xi32, #tpu.memory_space<vmem>>
      %dma_wait3A_1872 = arith.constant 0 : i32
      %dma_wait3A_1873 = arith.constant 0 : i32
      %dma_wait3A_1874 = tpu.memref_slice %arg2[%dma_wait3A_1872, %dma_wait3A_1873] : memref<100000x64xf32, #tpu.memory_space<hbm>> -> memref<100000x64xf32, #tpu.memory_space<hbm>>
      tpu.wait_indirect_dma semaphore(%arg20 : memref<!tpu.dma_semaphore, #tpu.memory_space<semaphore_mem>>) src(%dma_wait3A_1874 : memref<100000x64xf32, #tpu.memory_space<hbm>>) dst(%dma_wait3A_1869 : memref<128x64xf32, #tpu.memory_space<vmem>>)
      %add3A_1875 = arith.addi %mul3A_4, %add3A_1842 : i32
      %jit3A_1876 = arith.constant 32 : i32
      %div3A_1877 = arith.divsi %add3A_1875, %jit3A_1876 : i32
      %sign3A_1878 = arith.constant 0 : i32
      %sign3A_1879 = arith.cmpi sgt, %add3A_1875, %sign3A_1878 : i32
      %sign3A_1880 = arith.extui %sign3A_1879 : i1 to i32
      %sign3A_1881 = arith.constant 0 : i32
      %sign3A_1882 = arith.cmpi slt, %add3A_1875, %sign3A_1881 : i32
      %sign3A_1883 = arith.extui %sign3A_1882 : i1 to i32
      %sign3A_1884 = arith.subi %sign3A_1880, %sign3A_1883 : i32
      %sign3A_1885 = arith.constant 0 : i32
      %sign3A_1886 = arith.cmpi sgt, %jit3A_1876, %sign3A_1885 : i32
      %sign3A_1887 = arith.extui %sign3A_1886 : i1 to i32
      %sign3A_1888 = arith.constant 0 : i32
      %sign3A_1889 = arith.cmpi slt, %jit3A_1876, %sign3A_1888 : i32
      %sign3A_1890 = arith.extui %sign3A_1889 : i1 to i32
      %sign3A_1891 = arith.subi %sign3A_1887, %sign3A_1890 : i32
      %ne3A_1892 = arith.cmpi ne, %sign3A_1884, %sign3A_1891 : i32
      %rem3A_1893 = arith.remsi %add3A_1875, %jit3A_1876 : i32
      %ne3A_1894 = arith.constant 0 : i32
      %ne3A_1895 = arith.cmpi ne, %rem3A_1893, %ne3A_1894 : i32
      %and3A_1896 = arith.andi %ne3A_1892, %ne3A_1895 : i1
      %sub3A_1897 = arith.constant 1 : i32
      %sub3A_1898 = arith.subi %div3A_1877, %sub3A_1897 : i32
      %select_n3A_1899 = arith.select %and3A_1896, %sub3A_1898, %div3A_1877 : i32
      %jit3A_1900 = arith.constant 32 : i32
      %eq3A_1901 = arith.constant 0 : i32
      %eq3A_1902 = arith.cmpi eq, %jit3A_1900, %eq3A_1901 : i32
      %jit3A_1903 = arith.constant 1 : i32
      %select_n3A_1904 = arith.select %eq3A_1902, %jit3A_1903, %jit3A_1900 : i32
      %rem3A_1905 = arith.remsi %add3A_1875, %select_n3A_1904 : i32
      %ne3A_1906 = arith.constant 0 : i32
      %ne3A_1907 = arith.cmpi ne, %rem3A_1905, %ne3A_1906 : i32
      %lt3A_1908 = arith.constant 0 : i32
      %lt3A_1909 = arith.cmpi slt, %rem3A_1905, %lt3A_1908 : i32
      %lt3A_1910 = arith.constant 0 : i32
      %lt3A_1911 = arith.cmpi slt, %select_n3A_1904, %lt3A_1910 : i32
      %ne3A_1912 = arith.xori %lt3A_1909, %lt3A_1911 : i1
      %and3A_1913 = arith.andi %ne3A_1912, %ne3A_1907 : i1
      %add3A_1914 = arith.addi %rem3A_1905, %select_n3A_1904 : i32
      %select_n3A_1915 = arith.select %and3A_1913, %add3A_1914, %rem3A_1905 : i32
      %mul3A_1916 = arith.constant 128 : i32
      %mul3A_1917 = arith.muli %select_n3A_1915, %mul3A_1916 : i32
      %dma_start3A_1918 = arith.constant 0 : i32
      %dma_start3A_1919 = tpu.memref_slice %arg4[%select_n3A_1899, %mul3A_1917, %dma_start3A_1918] : memref<50x4096x64xf32, #tpu.memory_space<hbm>> -> memref<1x128x64xf32, #tpu.memory_space<hbm>>
      %dma_start3A_1920 = tpu.memref_squeeze %dma_start3A_1919 : memref<1x128x64xf32, #tpu.memory_space<hbm>> -> memref<128x64xf32, #tpu.memory_space<hbm>>
      %dma_start3A_1921 = arith.constant 0 : i32
      %dma_start3A_1922 = tpu.memref_slice %arg4[%select_n3A_1899, %mul3A_1917, %dma_start3A_1921] : memref<50x4096x64xf32, #tpu.memory_space<hbm>> -> memref<1x128x64xf32, #tpu.memory_space<hbm>>
      %dma_start3A_1923 = tpu.memref_squeeze %dma_start3A_1922 : memref<1x128x64xf32, #tpu.memory_space<hbm>> -> memref<128x64xf32, #tpu.memory_space<hbm>>
      tpu.enqueue_dma source(%arg10 : memref<128x64xf32, #tpu.memory_space<vmem>>) target(%dma_start3A_1923 : memref<128x64xf32, #tpu.memory_space<hbm>>) target_semaphore(%arg30 : memref<!tpu.dma_semaphore, #tpu.memory_space<semaphore_mem>>)
      %mul3A_1924 = arith.constant 10 : i32
      %mul3A_1925 = arith.muli %scan3A_1498, %mul3A_1924 : i32
      %add3A_1926 = arith.constant 5 : i32
      %add3A_1927 = arith.addi %mul3A_1925, %add3A_1926 : i32
      %dma_wait3A_1928 = arith.constant 0 : i32
      %dma_wait3A_1929 = arith.constant 0 : i32
      %dma_wait3A_1930 = arith.constant 0 : i32
      %dma_wait3A_1931 = tpu.memref_slice %arg4[%dma_wait3A_1928, %dma_wait3A_1929, %dma_wait3A_1930] : memref<50x4096x64xf32, #tpu.memory_space<hbm>> -> memref<1x128x64xf32, #tpu.memory_space<hbm>>
      %dma_wait3A_1932 = tpu.memref_squeeze %dma_wait3A_1931 : memref<1x128x64xf32, #tpu.memory_space<hbm>> -> memref<128x64xf32, #tpu.memory_space<hbm>>
      %dma_wait3A_1933 = arith.constant 0 : i32
      %dma_wait3A_1934 = arith.constant 0 : i32
      %dma_wait3A_1935 = tpu.memref_slice %arg4[%dma_wait3A_1928, %dma_wait3A_1933, %dma_wait3A_1934] : memref<50x4096x64xf32, #tpu.memory_space<hbm>> -> memref<1x128x64xf32, #tpu.memory_space<hbm>>
      %dma_wait3A_1936 = tpu.memref_squeeze %dma_wait3A_1935 : memref<1x128x64xf32, #tpu.memory_space<hbm>> -> memref<128x64xf32, #tpu.memory_space<hbm>>
      tpu.wait_dma2 semaphore(%arg29 : memref<!tpu.dma_semaphore, #tpu.memory_space<semaphore_mem>>) src(%arg9 : memref<128x64xf32, #tpu.memory_space<vmem>>) dst(%dma_wait3A_1936 : memref<128x64xf32, #tpu.memory_space<hbm>>)
      %add3A_1937 = arith.constant 8 : i32
      %add3A_1938 = arith.addi %add3A_1927, %add3A_1937 : i32
      %mul3A_1939 = arith.constant 1 : i32
      %mul3A_1940 = arith.muli %add3A_1938, %mul3A_1939 : i32
      %add3A_1941 = arith.constant 0 : i32
      %add3A_1942 = arith.addi %mul3A_1940, %add3A_1941 : i32
      %mul3A_1943 = arith.constant 128 : i32
      %mul3A_1944 = arith.muli %add3A_1942, %mul3A_1943 : i32
      %dma_start3A_1945 = arith.constant 0 : i32
      %dma_start3A_1946 = arith.constant 0 : i32
      %dma_start3A_1947 = tpu.memref_slice %arg9[%dma_start3A_1945, %dma_start3A_1946] : memref<128x64xf32, #tpu.memory_space<vmem>> -> memref<128x64xf32, #tpu.memory_space<vmem>>
      %dma_start3A_1948 = tpu.memref_slice %arg5[%mul3A_1944] : memref<6400xi32, #tpu.memory_space<vmem>> -> memref<128xi32, #tpu.memory_space<vmem>>
      %dma_start3A_1949 = arith.constant 0 : i32
      %dma_start3A_1950 = arith.constant 0 : i32
      %dma_start3A_1951 = tpu.memref_slice %arg2[%dma_start3A_1949, %dma_start3A_1950] : memref<100000x64xf32, #tpu.memory_space<hbm>> -> memref<100000x64xf32, #tpu.memory_space<hbm>>
      tpu.enqueue_indirect_dma source(%dma_start3A_1951 : memref<100000x64xf32, #tpu.memory_space<hbm>>) target(%dma_start3A_1947 : memref<128x64xf32, #tpu.memory_space<vmem>>) offsets(%dma_start3A_1948 : memref<128xi32, #tpu.memory_space<vmem>>) semaphore(%arg19 : memref<!tpu.dma_semaphore, #tpu.memory_space<semaphore_mem>>)
      %dma_wait3A_1952 = arith.constant 0 : i32
      %dma_wait3A_1953 = arith.constant 0 : i32
      %dma_wait3A_1954 = tpu.memref_slice %arg11[%dma_wait3A_1952, %dma_wait3A_1953] : memref<128x64xf32, #tpu.memory_space<vmem>> -> memref<128x64xf32, #tpu.memory_space<vmem>>
      %dma_wait3A_1955 = arith.constant 0 : i32
      %dma_wait3A_1956 = tpu.memref_slice %arg5[%dma_wait3A_1955] : memref<6400xi32, #tpu.memory_space<vmem>> -> memref<128xi32, #tpu.memory_space<vmem>>
      %dma_wait3A_1957 = arith.constant 0 : i32
      %dma_wait3A_1958 = arith.constant 0 : i32
      %dma_wait3A_1959 = tpu.memref_slice %arg2[%dma_wait3A_1957, %dma_wait3A_1958] : memref<100000x64xf32, #tpu.memory_space<hbm>> -> memref<100000x64xf32, #tpu.memory_space<hbm>>
      tpu.wait_indirect_dma semaphore(%arg21 : memref<!tpu.dma_semaphore, #tpu.memory_space<semaphore_mem>>) src(%dma_wait3A_1959 : memref<100000x64xf32, #tpu.memory_space<hbm>>) dst(%dma_wait3A_1954 : memref<128x64xf32, #tpu.memory_space<vmem>>)
      %add3A_1960 = arith.addi %mul3A_4, %add3A_1927 : i32
      %jit3A_1961 = arith.constant 32 : i32
      %div3A_1962 = arith.divsi %add3A_1960, %jit3A_1961 : i32
      %sign3A_1963 = arith.constant 0 : i32
      %sign3A_1964 = arith.cmpi sgt, %add3A_1960, %sign3A_1963 : i32
      %sign3A_1965 = arith.extui %sign3A_1964 : i1 to i32
      %sign3A_1966 = arith.constant 0 : i32
      %sign3A_1967 = arith.cmpi slt, %add3A_1960, %sign3A_1966 : i32
      %sign3A_1968 = arith.extui %sign3A_1967 : i1 to i32
      %sign3A_1969 = arith.subi %sign3A_1965, %sign3A_1968 : i32
      %sign3A_1970 = arith.constant 0 : i32
      %sign3A_1971 = arith.cmpi sgt, %jit3A_1961, %sign3A_1970 : i32
      %sign3A_1972 = arith.extui %sign3A_1971 : i1 to i32
      %sign3A_1973 = arith.constant 0 : i32
      %sign3A_1974 = arith.cmpi slt, %jit3A_1961, %sign3A_1973 : i32
      %sign3A_1975 = arith.extui %sign3A_1974 : i1 to i32
      %sign3A_1976 = arith.subi %sign3A_1972, %sign3A_1975 : i32
      %ne3A_1977 = arith.cmpi ne, %sign3A_1969, %sign3A_1976 : i32
      %rem3A_1978 = arith.remsi %add3A_1960, %jit3A_1961 : i32
      %ne3A_1979 = arith.constant 0 : i32
      %ne3A_1980 = arith.cmpi ne, %rem3A_1978, %ne3A_1979 : i32
      %and3A_1981 = arith.andi %ne3A_1977, %ne3A_1980 : i1
      %sub3A_1982 = arith.constant 1 : i32
      %sub3A_1983 = arith.subi %div3A_1962, %sub3A_1982 : i32
      %select_n3A_1984 = arith.select %and3A_1981, %sub3A_1983, %div3A_1962 : i32
      %jit3A_1985 = arith.constant 32 : i32
      %eq3A_1986 = arith.constant 0 : i32
      %eq3A_1987 = arith.cmpi eq, %jit3A_1985, %eq3A_1986 : i32
      %jit3A_1988 = arith.constant 1 : i32
      %select_n3A_1989 = arith.select %eq3A_1987, %jit3A_1988, %jit3A_1985 : i32
      %rem3A_1990 = arith.remsi %add3A_1960, %select_n3A_1989 : i32
      %ne3A_1991 = arith.constant 0 : i32
      %ne3A_1992 = arith.cmpi ne, %rem3A_1990, %ne3A_1991 : i32
      %lt3A_1993 = arith.constant 0 : i32
      %lt3A_1994 = arith.cmpi slt, %rem3A_1990, %lt3A_1993 : i32
      %lt3A_1995 = arith.constant 0 : i32
      %lt3A_1996 = arith.cmpi slt, %select_n3A_1989, %lt3A_1995 : i32
      %ne3A_1997 = arith.xori %lt3A_1994, %lt3A_1996 : i1
      %and3A_1998 = arith.andi %ne3A_1997, %ne3A_1992 : i1
      %add3A_1999 = arith.addi %rem3A_1990, %select_n3A_1989 : i32
      %select_n3A_2000 = arith.select %and3A_1998, %add3A_1999, %rem3A_1990 : i32
      %mul3A_2001 = arith.constant 128 : i32
      %mul3A_2002 = arith.muli %select_n3A_2000, %mul3A_2001 : i32
      %dma_start3A_2003 = arith.constant 0 : i32
      %dma_start3A_2004 = tpu.memref_slice %arg4[%select_n3A_1984, %mul3A_2002, %dma_start3A_2003] : memref<50x4096x64xf32, #tpu.memory_space<hbm>> -> memref<1x128x64xf32, #tpu.memory_space<hbm>>
      %dma_start3A_2005 = tpu.memref_squeeze %dma_start3A_2004 : memref<1x128x64xf32, #tpu.memory_space<hbm>> -> memref<128x64xf32, #tpu.memory_space<hbm>>
      %dma_start3A_2006 = arith.constant 0 : i32
      %dma_start3A_2007 = tpu.memref_slice %arg4[%select_n3A_1984, %mul3A_2002, %dma_start3A_2006] : memref<50x4096x64xf32, #tpu.memory_space<hbm>> -> memref<1x128x64xf32, #tpu.memory_space<hbm>>
      %dma_start3A_2008 = tpu.memref_squeeze %dma_start3A_2007 : memref<1x128x64xf32, #tpu.memory_space<hbm>> -> memref<128x64xf32, #tpu.memory_space<hbm>>
      tpu.enqueue_dma source(%arg11 : memref<128x64xf32, #tpu.memory_space<vmem>>) target(%dma_start3A_2008 : memref<128x64xf32, #tpu.memory_space<hbm>>) target_semaphore(%arg31 : memref<!tpu.dma_semaphore, #tpu.memory_space<semaphore_mem>>)
      %mul3A_2009 = arith.constant 10 : i32
      %mul3A_2010 = arith.muli %scan3A_1498, %mul3A_2009 : i32
      %add3A_2011 = arith.constant 6 : i32
      %add3A_2012 = arith.addi %mul3A_2010, %add3A_2011 : i32
      %dma_wait3A_2013 = arith.constant 0 : i32
      %dma_wait3A_2014 = arith.constant 0 : i32
      %dma_wait3A_2015 = arith.constant 0 : i32
      %dma_wait3A_2016 = tpu.memref_slice %arg4[%dma_wait3A_2013, %dma_wait3A_2014, %dma_wait3A_2015] : memref<50x4096x64xf32, #tpu.memory_space<hbm>> -> memref<1x128x64xf32, #tpu.memory_space<hbm>>
      %dma_wait3A_2017 = tpu.memref_squeeze %dma_wait3A_2016 : memref<1x128x64xf32, #tpu.memory_space<hbm>> -> memref<128x64xf32, #tpu.memory_space<hbm>>
      %dma_wait3A_2018 = arith.constant 0 : i32
      %dma_wait3A_2019 = arith.constant 0 : i32
      %dma_wait3A_2020 = tpu.memref_slice %arg4[%dma_wait3A_2013, %dma_wait3A_2018, %dma_wait3A_2019] : memref<50x4096x64xf32, #tpu.memory_space<hbm>> -> memref<1x128x64xf32, #tpu.memory_space<hbm>>
      %dma_wait3A_2021 = tpu.memref_squeeze %dma_wait3A_2020 : memref<1x128x64xf32, #tpu.memory_space<hbm>> -> memref<128x64xf32, #tpu.memory_space<hbm>>
      tpu.wait_dma2 semaphore(%arg30 : memref<!tpu.dma_semaphore, #tpu.memory_space<semaphore_mem>>) src(%arg10 : memref<128x64xf32, #tpu.memory_space<vmem>>) dst(%dma_wait3A_2021 : memref<128x64xf32, #tpu.memory_space<hbm>>)
      %add3A_2022 = arith.constant 8 : i32
      %add3A_2023 = arith.addi %add3A_2012, %add3A_2022 : i32
      %mul3A_2024 = arith.constant 1 : i32
      %mul3A_2025 = arith.muli %add3A_2023, %mul3A_2024 : i32
      %add3A_2026 = arith.constant 0 : i32
      %add3A_2027 = arith.addi %mul3A_2025, %add3A_2026 : i32
      %mul3A_2028 = arith.constant 128 : i32
      %mul3A_2029 = arith.muli %add3A_2027, %mul3A_2028 : i32
      %dma_start3A_2030 = arith.constant 0 : i32
      %dma_start3A_2031 = arith.constant 0 : i32
      %dma_start3A_2032 = tpu.memref_slice %arg10[%dma_start3A_2030, %dma_start3A_2031] : memref<128x64xf32, #tpu.memory_space<vmem>> -> memref<128x64xf32, #tpu.memory_space<vmem>>
      %dma_start3A_2033 = tpu.memref_slice %arg5[%mul3A_2029] : memref<6400xi32, #tpu.memory_space<vmem>> -> memref<128xi32, #tpu.memory_space<vmem>>
      %dma_start3A_2034 = arith.constant 0 : i32
      %dma_start3A_2035 = arith.constant 0 : i32
      %dma_start3A_2036 = tpu.memref_slice %arg2[%dma_start3A_2034, %dma_start3A_2035] : memref<100000x64xf32, #tpu.memory_space<hbm>> -> memref<100000x64xf32, #tpu.memory_space<hbm>>
      tpu.enqueue_indirect_dma source(%dma_start3A_2036 : memref<100000x64xf32, #tpu.memory_space<hbm>>) target(%dma_start3A_2032 : memref<128x64xf32, #tpu.memory_space<vmem>>) offsets(%dma_start3A_2033 : memref<128xi32, #tpu.memory_space<vmem>>) semaphore(%arg20 : memref<!tpu.dma_semaphore, #tpu.memory_space<semaphore_mem>>)
      %dma_wait3A_2037 = arith.constant 0 : i32
      %dma_wait3A_2038 = arith.constant 0 : i32
      %dma_wait3A_2039 = tpu.memref_slice %arg12[%dma_wait3A_2037, %dma_wait3A_2038] : memref<128x64xf32, #tpu.memory_space<vmem>> -> memref<128x64xf32, #tpu.memory_space<vmem>>
      %dma_wait3A_2040 = arith.constant 0 : i32
      %dma_wait3A_2041 = tpu.memref_slice %arg5[%dma_wait3A_2040] : memref<6400xi32, #tpu.memory_space<vmem>> -> memref<128xi32, #tpu.memory_space<vmem>>
      %dma_wait3A_2042 = arith.constant 0 : i32
      %dma_wait3A_2043 = arith.constant 0 : i32
      %dma_wait3A_2044 = tpu.memref_slice %arg2[%dma_wait3A_2042, %dma_wait3A_2043] : memref<100000x64xf32, #tpu.memory_space<hbm>> -> memref<100000x64xf32, #tpu.memory_space<hbm>>
      tpu.wait_indirect_dma semaphore(%arg22 : memref<!tpu.dma_semaphore, #tpu.memory_space<semaphore_mem>>) src(%dma_wait3A_2044 : memref<100000x64xf32, #tpu.memory_space<hbm>>) dst(%dma_wait3A_2039 : memref<128x64xf32, #tpu.memory_space<vmem>>)
      %add3A_2045 = arith.addi %mul3A_4, %add3A_2012 : i32
      %jit3A_2046 = arith.constant 32 : i32
      %div3A_2047 = arith.divsi %add3A_2045, %jit3A_2046 : i32
      %sign3A_2048 = arith.constant 0 : i32
      %sign3A_2049 = arith.cmpi sgt, %add3A_2045, %sign3A_2048 : i32
      %sign3A_2050 = arith.extui %sign3A_2049 : i1 to i32
      %sign3A_2051 = arith.constant 0 : i32
      %sign3A_2052 = arith.cmpi slt, %add3A_2045, %sign3A_2051 : i32
      %sign3A_2053 = arith.extui %sign3A_2052 : i1 to i32
      %sign3A_2054 = arith.subi %sign3A_2050, %sign3A_2053 : i32
      %sign3A_2055 = arith.constant 0 : i32
      %sign3A_2056 = arith.cmpi sgt, %jit3A_2046, %sign3A_2055 : i32
      %sign3A_2057 = arith.extui %sign3A_2056 : i1 to i32
      %sign3A_2058 = arith.constant 0 : i32
      %sign3A_2059 = arith.cmpi slt, %jit3A_2046, %sign3A_2058 : i32
      %sign3A_2060 = arith.extui %sign3A_2059 : i1 to i32
      %sign3A_2061 = arith.subi %sign3A_2057, %sign3A_2060 : i32
      %ne3A_2062 = arith.cmpi ne, %sign3A_2054, %sign3A_2061 : i32
      %rem3A_2063 = arith.remsi %add3A_2045, %jit3A_2046 : i32
      %ne3A_2064 = arith.constant 0 : i32
      %ne3A_2065 = arith.cmpi ne, %rem3A_2063, %ne3A_2064 : i32
      %and3A_2066 = arith.andi %ne3A_2062, %ne3A_2065 : i1
      %sub3A_2067 = arith.constant 1 : i32
      %sub3A_2068 = arith.subi %div3A_2047, %sub3A_2067 : i32
      %select_n3A_2069 = arith.select %and3A_2066, %sub3A_2068, %div3A_2047 : i32
      %jit3A_2070 = arith.constant 32 : i32
      %eq3A_2071 = arith.constant 0 : i32
      %eq3A_2072 = arith.cmpi eq, %jit3A_2070, %eq3A_2071 : i32
      %jit3A_2073 = arith.constant 1 : i32
      %select_n3A_2074 = arith.select %eq3A_2072, %jit3A_2073, %jit3A_2070 : i32
      %rem3A_2075 = arith.remsi %add3A_2045, %select_n3A_2074 : i32
      %ne3A_2076 = arith.constant 0 : i32
      %ne3A_2077 = arith.cmpi ne, %rem3A_2075, %ne3A_2076 : i32
      %lt3A_2078 = arith.constant 0 : i32
      %lt3A_2079 = arith.cmpi slt, %rem3A_2075, %lt3A_2078 : i32
      %lt3A_2080 = arith.constant 0 : i32
      %lt3A_2081 = arith.cmpi slt, %select_n3A_2074, %lt3A_2080 : i32
      %ne3A_2082 = arith.xori %lt3A_2079, %lt3A_2081 : i1
      %and3A_2083 = arith.andi %ne3A_2082, %ne3A_2077 : i1
      %add3A_2084 = arith.addi %rem3A_2075, %select_n3A_2074 : i32
      %select_n3A_2085 = arith.select %and3A_2083, %add3A_2084, %rem3A_2075 : i32
      %mul3A_2086 = arith.constant 128 : i32
      %mul3A_2087 = arith.muli %select_n3A_2085, %mul3A_2086 : i32
      %dma_start3A_2088 = arith.constant 0 : i32
      %dma_start3A_2089 = tpu.memref_slice %arg4[%select_n3A_2069, %mul3A_2087, %dma_start3A_2088] : memref<50x4096x64xf32, #tpu.memory_space<hbm>> -> memref<1x128x64xf32, #tpu.memory_space<hbm>>
      %dma_start3A_2090 = tpu.memref_squeeze %dma_start3A_2089 : memref<1x128x64xf32, #tpu.memory_space<hbm>> -> memref<128x64xf32, #tpu.memory_space<hbm>>
      %dma_start3A_2091 = arith.constant 0 : i32
      %dma_start3A_2092 = tpu.memref_slice %arg4[%select_n3A_2069, %mul3A_2087, %dma_start3A_2091] : memref<50x4096x64xf32, #tpu.memory_space<hbm>> -> memref<1x128x64xf32, #tpu.memory_space<hbm>>
      %dma_start3A_2093 = tpu.memref_squeeze %dma_start3A_2092 : memref<1x128x64xf32, #tpu.memory_space<hbm>> -> memref<128x64xf32, #tpu.memory_space<hbm>>
      tpu.enqueue_dma source(%arg12 : memref<128x64xf32, #tpu.memory_space<vmem>>) target(%dma_start3A_2093 : memref<128x64xf32, #tpu.memory_space<hbm>>) target_semaphore(%arg32 : memref<!tpu.dma_semaphore, #tpu.memory_space<semaphore_mem>>)
      %mul3A_2094 = arith.constant 10 : i32
      %mul3A_2095 = arith.muli %scan3A_1498, %mul3A_2094 : i32
      %add3A_2096 = arith.constant 7 : i32
      %add3A_2097 = arith.addi %mul3A_2095, %add3A_2096 : i32
      %dma_wait3A_2098 = arith.constant 0 : i32
      %dma_wait3A_2099 = arith.constant 0 : i32
      %dma_wait3A_2100 = arith.constant 0 : i32
      %dma_wait3A_2101 = tpu.memref_slice %arg4[%dma_wait3A_2098, %dma_wait3A_2099, %dma_wait3A_2100] : memref<50x4096x64xf32, #tpu.memory_space<hbm>> -> memref<1x128x64xf32, #tpu.memory_space<hbm>>
      %dma_wait3A_2102 = tpu.memref_squeeze %dma_wait3A_2101 : memref<1x128x64xf32, #tpu.memory_space<hbm>> -> memref<128x64xf32, #tpu.memory_space<hbm>>
      %dma_wait3A_2103 = arith.constant 0 : i32
      %dma_wait3A_2104 = arith.constant 0 : i32
      %dma_wait3A_2105 = tpu.memref_slice %arg4[%dma_wait3A_2098, %dma_wait3A_2103, %dma_wait3A_2104] : memref<50x4096x64xf32, #tpu.memory_space<hbm>> -> memref<1x128x64xf32, #tpu.memory_space<hbm>>
      %dma_wait3A_2106 = tpu.memref_squeeze %dma_wait3A_2105 : memref<1x128x64xf32, #tpu.memory_space<hbm>> -> memref<128x64xf32, #tpu.memory_space<hbm>>
      tpu.wait_dma2 semaphore(%arg31 : memref<!tpu.dma_semaphore, #tpu.memory_space<semaphore_mem>>) src(%arg11 : memref<128x64xf32, #tpu.memory_space<vmem>>) dst(%dma_wait3A_2106 : memref<128x64xf32, #tpu.memory_space<hbm>>)
      %add3A_2107 = arith.constant 8 : i32
      %add3A_2108 = arith.addi %add3A_2097, %add3A_2107 : i32
      %mul3A_2109 = arith.constant 1 : i32
      %mul3A_2110 = arith.muli %add3A_2108, %mul3A_2109 : i32
      %add3A_2111 = arith.constant 0 : i32
      %add3A_2112 = arith.addi %mul3A_2110, %add3A_2111 : i32
      %mul3A_2113 = arith.constant 128 : i32
      %mul3A_2114 = arith.muli %add3A_2112, %mul3A_2113 : i32
      %dma_start3A_2115 = arith.constant 0 : i32
      %dma_start3A_2116 = arith.constant 0 : i32
      %dma_start3A_2117 = tpu.memref_slice %arg11[%dma_start3A_2115, %dma_start3A_2116] : memref<128x64xf32, #tpu.memory_space<vmem>> -> memref<128x64xf32, #tpu.memory_space<vmem>>
      %dma_start3A_2118 = tpu.memref_slice %arg5[%mul3A_2114] : memref<6400xi32, #tpu.memory_space<vmem>> -> memref<128xi32, #tpu.memory_space<vmem>>
      %dma_start3A_2119 = arith.constant 0 : i32
      %dma_start3A_2120 = arith.constant 0 : i32
      %dma_start3A_2121 = tpu.memref_slice %arg2[%dma_start3A_2119, %dma_start3A_2120] : memref<100000x64xf32, #tpu.memory_space<hbm>> -> memref<100000x64xf32, #tpu.memory_space<hbm>>
      tpu.enqueue_indirect_dma source(%dma_start3A_2121 : memref<100000x64xf32, #tpu.memory_space<hbm>>) target(%dma_start3A_2117 : memref<128x64xf32, #tpu.memory_space<vmem>>) offsets(%dma_start3A_2118 : memref<128xi32, #tpu.memory_space<vmem>>) semaphore(%arg21 : memref<!tpu.dma_semaphore, #tpu.memory_space<semaphore_mem>>)
      %dma_wait3A_2122 = arith.constant 0 : i32
      %dma_wait3A_2123 = arith.constant 0 : i32
      %dma_wait3A_2124 = tpu.memref_slice %arg13[%dma_wait3A_2122, %dma_wait3A_2123] : memref<128x64xf32, #tpu.memory_space<vmem>> -> memref<128x64xf32, #tpu.memory_space<vmem>>
      %dma_wait3A_2125 = arith.constant 0 : i32
      %dma_wait3A_2126 = tpu.memref_slice %arg5[%dma_wait3A_2125] : memref<6400xi32, #tpu.memory_space<vmem>> -> memref<128xi32, #tpu.memory_space<vmem>>
      %dma_wait3A_2127 = arith.constant 0 : i32
      %dma_wait3A_2128 = arith.constant 0 : i32
      %dma_wait3A_2129 = tpu.memref_slice %arg2[%dma_wait3A_2127, %dma_wait3A_2128] : memref<100000x64xf32, #tpu.memory_space<hbm>> -> memref<100000x64xf32, #tpu.memory_space<hbm>>
      tpu.wait_indirect_dma semaphore(%arg23 : memref<!tpu.dma_semaphore, #tpu.memory_space<semaphore_mem>>) src(%dma_wait3A_2129 : memref<100000x64xf32, #tpu.memory_space<hbm>>) dst(%dma_wait3A_2124 : memref<128x64xf32, #tpu.memory_space<vmem>>)
      %add3A_2130 = arith.addi %mul3A_4, %add3A_2097 : i32
      %jit3A_2131 = arith.constant 32 : i32
      %div3A_2132 = arith.divsi %add3A_2130, %jit3A_2131 : i32
      %sign3A_2133 = arith.constant 0 : i32
      %sign3A_2134 = arith.cmpi sgt, %add3A_2130, %sign3A_2133 : i32
      %sign3A_2135 = arith.extui %sign3A_2134 : i1 to i32
      %sign3A_2136 = arith.constant 0 : i32
      %sign3A_2137 = arith.cmpi slt, %add3A_2130, %sign3A_2136 : i32
      %sign3A_2138 = arith.extui %sign3A_2137 : i1 to i32
      %sign3A_2139 = arith.subi %sign3A_2135, %sign3A_2138 : i32
      %sign3A_2140 = arith.constant 0 : i32
      %sign3A_2141 = arith.cmpi sgt, %jit3A_2131, %sign3A_2140 : i32
      %sign3A_2142 = arith.extui %sign3A_2141 : i1 to i32
      %sign3A_2143 = arith.constant 0 : i32
      %sign3A_2144 = arith.cmpi slt, %jit3A_2131, %sign3A_2143 : i32
      %sign3A_2145 = arith.extui %sign3A_2144 : i1 to i32
      %sign3A_2146 = arith.subi %sign3A_2142, %sign3A_2145 : i32
      %ne3A_2147 = arith.cmpi ne, %sign3A_2139, %sign3A_2146 : i32
      %rem3A_2148 = arith.remsi %add3A_2130, %jit3A_2131 : i32
      %ne3A_2149 = arith.constant 0 : i32
      %ne3A_2150 = arith.cmpi ne, %rem3A_2148, %ne3A_2149 : i32
      %and3A_2151 = arith.andi %ne3A_2147, %ne3A_2150 : i1
      %sub3A_2152 = arith.constant 1 : i32
      %sub3A_2153 = arith.subi %div3A_2132, %sub3A_2152 : i32
      %select_n3A_2154 = arith.select %and3A_2151, %sub3A_2153, %div3A_2132 : i32
      %jit3A_2155 = arith.constant 32 : i32
      %eq3A_2156 = arith.constant 0 : i32
      %eq3A_2157 = arith.cmpi eq, %jit3A_2155, %eq3A_2156 : i32
      %jit3A_2158 = arith.constant 1 : i32
      %select_n3A_2159 = arith.select %eq3A_2157, %jit3A_2158, %jit3A_2155 : i32
      %rem3A_2160 = arith.remsi %add3A_2130, %select_n3A_2159 : i32
      %ne3A_2161 = arith.constant 0 : i32
      %ne3A_2162 = arith.cmpi ne, %rem3A_2160, %ne3A_2161 : i32
      %lt3A_2163 = arith.constant 0 : i32
      %lt3A_2164 = arith.cmpi slt, %rem3A_2160, %lt3A_2163 : i32
      %lt3A_2165 = arith.constant 0 : i32
      %lt3A_2166 = arith.cmpi slt, %select_n3A_2159, %lt3A_2165 : i32
      %ne3A_2167 = arith.xori %lt3A_2164, %lt3A_2166 : i1
      %and3A_2168 = arith.andi %ne3A_2167, %ne3A_2162 : i1
      %add3A_2169 = arith.addi %rem3A_2160, %select_n3A_2159 : i32
      %select_n3A_2170 = arith.select %and3A_2168, %add3A_2169, %rem3A_2160 : i32
      %mul3A_2171 = arith.constant 128 : i32
      %mul3A_2172 = arith.muli %select_n3A_2170, %mul3A_2171 : i32
      %dma_start3A_2173 = arith.constant 0 : i32
      %dma_start3A_2174 = tpu.memref_slice %arg4[%select_n3A_2154, %mul3A_2172, %dma_start3A_2173] : memref<50x4096x64xf32, #tpu.memory_space<hbm>> -> memref<1x128x64xf32, #tpu.memory_space<hbm>>
      %dma_start3A_2175 = tpu.memref_squeeze %dma_start3A_2174 : memref<1x128x64xf32, #tpu.memory_space<hbm>> -> memref<128x64xf32, #tpu.memory_space<hbm>>
      %dma_start3A_2176 = arith.constant 0 : i32
      %dma_start3A_2177 = tpu.memref_slice %arg4[%select_n3A_2154, %mul3A_2172, %dma_start3A_2176] : memref<50x4096x64xf32, #tpu.memory_space<hbm>> -> memref<1x128x64xf32, #tpu.memory_space<hbm>>
      %dma_start3A_2178 = tpu.memref_squeeze %dma_start3A_2177 : memref<1x128x64xf32, #tpu.memory_space<hbm>> -> memref<128x64xf32, #tpu.memory_space<hbm>>
      tpu.enqueue_dma source(%arg13 : memref<128x64xf32, #tpu.memory_space<vmem>>) target(%dma_start3A_2178 : memref<128x64xf32, #tpu.memory_space<hbm>>) target_semaphore(%arg33 : memref<!tpu.dma_semaphore, #tpu.memory_space<semaphore_mem>>)
      %mul3A_2179 = arith.constant 10 : i32
      %mul3A_2180 = arith.muli %scan3A_1498, %mul3A_2179 : i32
      %add3A_2181 = arith.constant 8 : i32
      %add3A_2182 = arith.addi %mul3A_2180, %add3A_2181 : i32
      %dma_wait3A_2183 = arith.constant 0 : i32
      %dma_wait3A_2184 = arith.constant 0 : i32
      %dma_wait3A_2185 = arith.constant 0 : i32
      %dma_wait3A_2186 = tpu.memref_slice %arg4[%dma_wait3A_2183, %dma_wait3A_2184, %dma_wait3A_2185] : memref<50x4096x64xf32, #tpu.memory_space<hbm>> -> memref<1x128x64xf32, #tpu.memory_space<hbm>>
      %dma_wait3A_2187 = tpu.memref_squeeze %dma_wait3A_2186 : memref<1x128x64xf32, #tpu.memory_space<hbm>> -> memref<128x64xf32, #tpu.memory_space<hbm>>
      %dma_wait3A_2188 = arith.constant 0 : i32
      %dma_wait3A_2189 = arith.constant 0 : i32
      %dma_wait3A_2190 = tpu.memref_slice %arg4[%dma_wait3A_2183, %dma_wait3A_2188, %dma_wait3A_2189] : memref<50x4096x64xf32, #tpu.memory_space<hbm>> -> memref<1x128x64xf32, #tpu.memory_space<hbm>>
      %dma_wait3A_2191 = tpu.memref_squeeze %dma_wait3A_2190 : memref<1x128x64xf32, #tpu.memory_space<hbm>> -> memref<128x64xf32, #tpu.memory_space<hbm>>
      tpu.wait_dma2 semaphore(%arg32 : memref<!tpu.dma_semaphore, #tpu.memory_space<semaphore_mem>>) src(%arg12 : memref<128x64xf32, #tpu.memory_space<vmem>>) dst(%dma_wait3A_2191 : memref<128x64xf32, #tpu.memory_space<hbm>>)
      %add3A_2192 = arith.constant 8 : i32
      %add3A_2193 = arith.addi %add3A_2182, %add3A_2192 : i32
      %mul3A_2194 = arith.constant 1 : i32
      %mul3A_2195 = arith.muli %add3A_2193, %mul3A_2194 : i32
      %add3A_2196 = arith.constant 0 : i32
      %add3A_2197 = arith.addi %mul3A_2195, %add3A_2196 : i32
      %mul3A_2198 = arith.constant 128 : i32
      %mul3A_2199 = arith.muli %add3A_2197, %mul3A_2198 : i32
      %dma_start3A_2200 = arith.constant 0 : i32
      %dma_start3A_2201 = arith.constant 0 : i32
      %dma_start3A_2202 = tpu.memref_slice %arg12[%dma_start3A_2200, %dma_start3A_2201] : memref<128x64xf32, #tpu.memory_space<vmem>> -> memref<128x64xf32, #tpu.memory_space<vmem>>
      %dma_start3A_2203 = tpu.memref_slice %arg5[%mul3A_2199] : memref<6400xi32, #tpu.memory_space<vmem>> -> memref<128xi32, #tpu.memory_space<vmem>>
      %dma_start3A_2204 = arith.constant 0 : i32
      %dma_start3A_2205 = arith.constant 0 : i32
      %dma_start3A_2206 = tpu.memref_slice %arg2[%dma_start3A_2204, %dma_start3A_2205] : memref<100000x64xf32, #tpu.memory_space<hbm>> -> memref<100000x64xf32, #tpu.memory_space<hbm>>
      tpu.enqueue_indirect_dma source(%dma_start3A_2206 : memref<100000x64xf32, #tpu.memory_space<hbm>>) target(%dma_start3A_2202 : memref<128x64xf32, #tpu.memory_space<vmem>>) offsets(%dma_start3A_2203 : memref<128xi32, #tpu.memory_space<vmem>>) semaphore(%arg22 : memref<!tpu.dma_semaphore, #tpu.memory_space<semaphore_mem>>)
      %dma_wait3A_2207 = arith.constant 0 : i32
      %dma_wait3A_2208 = arith.constant 0 : i32
      %dma_wait3A_2209 = tpu.memref_slice %arg14[%dma_wait3A_2207, %dma_wait3A_2208] : memref<128x64xf32, #tpu.memory_space<vmem>> -> memref<128x64xf32, #tpu.memory_space<vmem>>
      %dma_wait3A_2210 = arith.constant 0 : i32
      %dma_wait3A_2211 = tpu.memref_slice %arg5[%dma_wait3A_2210] : memref<6400xi32, #tpu.memory_space<vmem>> -> memref<128xi32, #tpu.memory_space<vmem>>
      %dma_wait3A_2212 = arith.constant 0 : i32
      %dma_wait3A_2213 = arith.constant 0 : i32
      %dma_wait3A_2214 = tpu.memref_slice %arg2[%dma_wait3A_2212, %dma_wait3A_2213] : memref<100000x64xf32, #tpu.memory_space<hbm>> -> memref<100000x64xf32, #tpu.memory_space<hbm>>
      tpu.wait_indirect_dma semaphore(%arg24 : memref<!tpu.dma_semaphore, #tpu.memory_space<semaphore_mem>>) src(%dma_wait3A_2214 : memref<100000x64xf32, #tpu.memory_space<hbm>>) dst(%dma_wait3A_2209 : memref<128x64xf32, #tpu.memory_space<vmem>>)
      %add3A_2215 = arith.addi %mul3A_4, %add3A_2182 : i32
      %jit3A_2216 = arith.constant 32 : i32
      %div3A_2217 = arith.divsi %add3A_2215, %jit3A_2216 : i32
      %sign3A_2218 = arith.constant 0 : i32
      %sign3A_2219 = arith.cmpi sgt, %add3A_2215, %sign3A_2218 : i32
      %sign3A_2220 = arith.extui %sign3A_2219 : i1 to i32
      %sign3A_2221 = arith.constant 0 : i32
      %sign3A_2222 = arith.cmpi slt, %add3A_2215, %sign3A_2221 : i32
      %sign3A_2223 = arith.extui %sign3A_2222 : i1 to i32
      %sign3A_2224 = arith.subi %sign3A_2220, %sign3A_2223 : i32
      %sign3A_2225 = arith.constant 0 : i32
      %sign3A_2226 = arith.cmpi sgt, %jit3A_2216, %sign3A_2225 : i32
      %sign3A_2227 = arith.extui %sign3A_2226 : i1 to i32
      %sign3A_2228 = arith.constant 0 : i32
      %sign3A_2229 = arith.cmpi slt, %jit3A_2216, %sign3A_2228 : i32
      %sign3A_2230 = arith.extui %sign3A_2229 : i1 to i32
      %sign3A_2231 = arith.subi %sign3A_2227, %sign3A_2230 : i32
      %ne3A_2232 = arith.cmpi ne, %sign3A_2224, %sign3A_2231 : i32
      %rem3A_2233 = arith.remsi %add3A_2215, %jit3A_2216 : i32
      %ne3A_2234 = arith.constant 0 : i32
      %ne3A_2235 = arith.cmpi ne, %rem3A_2233, %ne3A_2234 : i32
      %and3A_2236 = arith.andi %ne3A_2232, %ne3A_2235 : i1
      %sub3A_2237 = arith.constant 1 : i32
      %sub3A_2238 = arith.subi %div3A_2217, %sub3A_2237 : i32
      %select_n3A_2239 = arith.select %and3A_2236, %sub3A_2238, %div3A_2217 : i32
      %jit3A_2240 = arith.constant 32 : i32
      %eq3A_2241 = arith.constant 0 : i32
      %eq3A_2242 = arith.cmpi eq, %jit3A_2240, %eq3A_2241 : i32
      %jit3A_2243 = arith.constant 1 : i32
      %select_n3A_2244 = arith.select %eq3A_2242, %jit3A_2243, %jit3A_2240 : i32
      %rem3A_2245 = arith.remsi %add3A_2215, %select_n3A_2244 : i32
      %ne3A_2246 = arith.constant 0 : i32
      %ne3A_2247 = arith.cmpi ne, %rem3A_2245, %ne3A_2246 : i32
      %lt3A_2248 = arith.constant 0 : i32
      %lt3A_2249 = arith.cmpi slt, %rem3A_2245, %lt3A_2248 : i32
      %lt3A_2250 = arith.constant 0 : i32
      %lt3A_2251 = arith.cmpi slt, %select_n3A_2244, %lt3A_2250 : i32
      %ne3A_2252 = arith.xori %lt3A_2249, %lt3A_2251 : i1
      %and3A_2253 = arith.andi %ne3A_2252, %ne3A_2247 : i1
      %add3A_2254 = arith.addi %rem3A_2245, %select_n3A_2244 : i32
      %select_n3A_2255 = arith.select %and3A_2253, %add3A_2254, %rem3A_2245 : i32
      %mul3A_2256 = arith.constant 128 : i32
      %mul3A_2257 = arith.muli %select_n3A_2255, %mul3A_2256 : i32
      %dma_start3A_2258 = arith.constant 0 : i32
      %dma_start3A_2259 = tpu.memref_slice %arg4[%select_n3A_2239, %mul3A_2257, %dma_start3A_2258] : memref<50x4096x64xf32, #tpu.memory_space<hbm>> -> memref<1x128x64xf32, #tpu.memory_space<hbm>>
      %dma_start3A_2260 = tpu.memref_squeeze %dma_start3A_2259 : memref<1x128x64xf32, #tpu.memory_space<hbm>> -> memref<128x64xf32, #tpu.memory_space<hbm>>
      %dma_start3A_2261 = arith.constant 0 : i32
      %dma_start3A_2262 = tpu.memref_slice %arg4[%select_n3A_2239, %mul3A_2257, %dma_start3A_2261] : memref<50x4096x64xf32, #tpu.memory_space<hbm>> -> memref<1x128x64xf32, #tpu.memory_space<hbm>>
      %dma_start3A_2263 = tpu.memref_squeeze %dma_start3A_2262 : memref<1x128x64xf32, #tpu.memory_space<hbm>> -> memref<128x64xf32, #tpu.memory_space<hbm>>
      tpu.enqueue_dma source(%arg14 : memref<128x64xf32, #tpu.memory_space<vmem>>) target(%dma_start3A_2263 : memref<128x64xf32, #tpu.memory_space<hbm>>) target_semaphore(%arg34 : memref<!tpu.dma_semaphore, #tpu.memory_space<semaphore_mem>>)
      %mul3A_2264 = arith.constant 10 : i32
      %mul3A_2265 = arith.muli %scan3A_1498, %mul3A_2264 : i32
      %add3A_2266 = arith.constant 9 : i32
      %add3A_2267 = arith.addi %mul3A_2265, %add3A_2266 : i32
      %dma_wait3A_2268 = arith.constant 0 : i32
      %dma_wait3A_2269 = arith.constant 0 : i32
      %dma_wait3A_2270 = arith.constant 0 : i32
      %dma_wait3A_2271 = tpu.memref_slice %arg4[%dma_wait3A_2268, %dma_wait3A_2269, %dma_wait3A_2270] : memref<50x4096x64xf32, #tpu.memory_space<hbm>> -> memref<1x128x64xf32, #tpu.memory_space<hbm>>
      %dma_wait3A_2272 = tpu.memref_squeeze %dma_wait3A_2271 : memref<1x128x64xf32, #tpu.memory_space<hbm>> -> memref<128x64xf32, #tpu.memory_space<hbm>>
      %dma_wait3A_2273 = arith.constant 0 : i32
      %dma_wait3A_2274 = arith.constant 0 : i32
      %dma_wait3A_2275 = tpu.memref_slice %arg4[%dma_wait3A_2268, %dma_wait3A_2273, %dma_wait3A_2274] : memref<50x4096x64xf32, #tpu.memory_space<hbm>> -> memref<1x128x64xf32, #tpu.memory_space<hbm>>
      %dma_wait3A_2276 = tpu.memref_squeeze %dma_wait3A_2275 : memref<1x128x64xf32, #tpu.memory_space<hbm>> -> memref<128x64xf32, #tpu.memory_space<hbm>>
      tpu.wait_dma2 semaphore(%arg33 : memref<!tpu.dma_semaphore, #tpu.memory_space<semaphore_mem>>) src(%arg13 : memref<128x64xf32, #tpu.memory_space<vmem>>) dst(%dma_wait3A_2276 : memref<128x64xf32, #tpu.memory_space<hbm>>)
      %add3A_2277 = arith.constant 8 : i32
      %add3A_2278 = arith.addi %add3A_2267, %add3A_2277 : i32
      %mul3A_2279 = arith.constant 1 : i32
      %mul3A_2280 = arith.muli %add3A_2278, %mul3A_2279 : i32
      %add3A_2281 = arith.constant 0 : i32
      %add3A_2282 = arith.addi %mul3A_2280, %add3A_2281 : i32
      %mul3A_2283 = arith.constant 128 : i32
      %mul3A_2284 = arith.muli %add3A_2282, %mul3A_2283 : i32
      %dma_start3A_2285 = arith.constant 0 : i32
      %dma_start3A_2286 = arith.constant 0 : i32
      %dma_start3A_2287 = tpu.memref_slice %arg13[%dma_start3A_2285, %dma_start3A_2286] : memref<128x64xf32, #tpu.memory_space<vmem>> -> memref<128x64xf32, #tpu.memory_space<vmem>>
      %dma_start3A_2288 = tpu.memref_slice %arg5[%mul3A_2284] : memref<6400xi32, #tpu.memory_space<vmem>> -> memref<128xi32, #tpu.memory_space<vmem>>
      %dma_start3A_2289 = arith.constant 0 : i32
      %dma_start3A_2290 = arith.constant 0 : i32
      %dma_start3A_2291 = tpu.memref_slice %arg2[%dma_start3A_2289, %dma_start3A_2290] : memref<100000x64xf32, #tpu.memory_space<hbm>> -> memref<100000x64xf32, #tpu.memory_space<hbm>>
      tpu.enqueue_indirect_dma source(%dma_start3A_2291 : memref<100000x64xf32, #tpu.memory_space<hbm>>) target(%dma_start3A_2287 : memref<128x64xf32, #tpu.memory_space<vmem>>) offsets(%dma_start3A_2288 : memref<128xi32, #tpu.memory_space<vmem>>) semaphore(%arg23 : memref<!tpu.dma_semaphore, #tpu.memory_space<semaphore_mem>>)
      %dma_wait3A_2292 = arith.constant 0 : i32
      %dma_wait3A_2293 = arith.constant 0 : i32
      %dma_wait3A_2294 = tpu.memref_slice %arg15[%dma_wait3A_2292, %dma_wait3A_2293] : memref<128x64xf32, #tpu.memory_space<vmem>> -> memref<128x64xf32, #tpu.memory_space<vmem>>
      %dma_wait3A_2295 = arith.constant 0 : i32
      %dma_wait3A_2296 = tpu.memref_slice %arg5[%dma_wait3A_2295] : memref<6400xi32, #tpu.memory_space<vmem>> -> memref<128xi32, #tpu.memory_space<vmem>>
      %dma_wait3A_2297 = arith.constant 0 : i32
      %dma_wait3A_2298 = arith.constant 0 : i32
      %dma_wait3A_2299 = tpu.memref_slice %arg2[%dma_wait3A_2297, %dma_wait3A_2298] : memref<100000x64xf32, #tpu.memory_space<hbm>> -> memref<100000x64xf32, #tpu.memory_space<hbm>>
      tpu.wait_indirect_dma semaphore(%arg25 : memref<!tpu.dma_semaphore, #tpu.memory_space<semaphore_mem>>) src(%dma_wait3A_2299 : memref<100000x64xf32, #tpu.memory_space<hbm>>) dst(%dma_wait3A_2294 : memref<128x64xf32, #tpu.memory_space<vmem>>)
      %add3A_2300 = arith.addi %mul3A_4, %add3A_2267 : i32
      %jit3A_2301 = arith.constant 32 : i32
      %div3A_2302 = arith.divsi %add3A_2300, %jit3A_2301 : i32
      %sign3A_2303 = arith.constant 0 : i32
      %sign3A_2304 = arith.cmpi sgt, %add3A_2300, %sign3A_2303 : i32
      %sign3A_2305 = arith.extui %sign3A_2304 : i1 to i32
      %sign3A_2306 = arith.constant 0 : i32
      %sign3A_2307 = arith.cmpi slt, %add3A_2300, %sign3A_2306 : i32
      %sign3A_2308 = arith.extui %sign3A_2307 : i1 to i32
      %sign3A_2309 = arith.subi %sign3A_2305, %sign3A_2308 : i32
      %sign3A_2310 = arith.constant 0 : i32
      %sign3A_2311 = arith.cmpi sgt, %jit3A_2301, %sign3A_2310 : i32
      %sign3A_2312 = arith.extui %sign3A_2311 : i1 to i32
      %sign3A_2313 = arith.constant 0 : i32
      %sign3A_2314 = arith.cmpi slt, %jit3A_2301, %sign3A_2313 : i32
      %sign3A_2315 = arith.extui %sign3A_2314 : i1 to i32
      %sign3A_2316 = arith.subi %sign3A_2312, %sign3A_2315 : i32
      %ne3A_2317 = arith.cmpi ne, %sign3A_2309, %sign3A_2316 : i32
      %rem3A_2318 = arith.remsi %add3A_2300, %jit3A_2301 : i32
      %ne3A_2319 = arith.constant 0 : i32
      %ne3A_2320 = arith.cmpi ne, %rem3A_2318, %ne3A_2319 : i32
      %and3A_2321 = arith.andi %ne3A_2317, %ne3A_2320 : i1
      %sub3A_2322 = arith.constant 1 : i32
      %sub3A_2323 = arith.subi %div3A_2302, %sub3A_2322 : i32
      %select_n3A_2324 = arith.select %and3A_2321, %sub3A_2323, %div3A_2302 : i32
      %jit3A_2325 = arith.constant 32 : i32
      %eq3A_2326 = arith.constant 0 : i32
      %eq3A_2327 = arith.cmpi eq, %jit3A_2325, %eq3A_2326 : i32
      %jit3A_2328 = arith.constant 1 : i32
      %select_n3A_2329 = arith.select %eq3A_2327, %jit3A_2328, %jit3A_2325 : i32
      %rem3A_2330 = arith.remsi %add3A_2300, %select_n3A_2329 : i32
      %ne3A_2331 = arith.constant 0 : i32
      %ne3A_2332 = arith.cmpi ne, %rem3A_2330, %ne3A_2331 : i32
      %lt3A_2333 = arith.constant 0 : i32
      %lt3A_2334 = arith.cmpi slt, %rem3A_2330, %lt3A_2333 : i32
      %lt3A_2335 = arith.constant 0 : i32
      %lt3A_2336 = arith.cmpi slt, %select_n3A_2329, %lt3A_2335 : i32
      %ne3A_2337 = arith.xori %lt3A_2334, %lt3A_2336 : i1
      %and3A_2338 = arith.andi %ne3A_2337, %ne3A_2332 : i1
      %add3A_2339 = arith.addi %rem3A_2330, %select_n3A_2329 : i32
      %select_n3A_2340 = arith.select %and3A_2338, %add3A_2339, %rem3A_2330 : i32
      %mul3A_2341 = arith.constant 128 : i32
      %mul3A_2342 = arith.muli %select_n3A_2340, %mul3A_2341 : i32
      %dma_start3A_2343 = arith.constant 0 : i32
      %dma_start3A_2344 = tpu.memref_slice %arg4[%select_n3A_2324, %mul3A_2342, %dma_start3A_2343] : memref<50x4096x64xf32, #tpu.memory_space<hbm>> -> memref<1x128x64xf32, #tpu.memory_space<hbm>>
      %dma_start3A_2345 = tpu.memref_squeeze %dma_start3A_2344 : memref<1x128x64xf32, #tpu.memory_space<hbm>> -> memref<128x64xf32, #tpu.memory_space<hbm>>
      %dma_start3A_2346 = arith.constant 0 : i32
      %dma_start3A_2347 = tpu.memref_slice %arg4[%select_n3A_2324, %mul3A_2342, %dma_start3A_2346] : memref<50x4096x64xf32, #tpu.memory_space<hbm>> -> memref<1x128x64xf32, #tpu.memory_space<hbm>>
      %dma_start3A_2348 = tpu.memref_squeeze %dma_start3A_2347 : memref<1x128x64xf32, #tpu.memory_space<hbm>> -> memref<128x64xf32, #tpu.memory_space<hbm>>
      tpu.enqueue_dma source(%arg15 : memref<128x64xf32, #tpu.memory_space<vmem>>) target(%dma_start3A_2348 : memref<128x64xf32, #tpu.memory_space<hbm>>) target_semaphore(%arg35 : memref<!tpu.dma_semaphore, #tpu.memory_space<semaphore_mem>>)
    }
    %scan3A_793 = arith.constant 3 : i32
    %dma_wait3A_794 = arith.constant 0 : i32
    %dma_wait3A_795 = arith.constant 0 : i32
    %dma_wait3A_796 = arith.constant 0 : i32
    %dma_wait3A_797 = tpu.memref_slice %arg4[%dma_wait3A_794, %dma_wait3A_795, %dma_wait3A_796] : memref<50x4096x64xf32, #tpu.memory_space<hbm>> -> memref<1x128x64xf32, #tpu.memory_space<hbm>>
    %dma_wait3A_798 = tpu.memref_squeeze %dma_wait3A_797 : memref<1x128x64xf32, #tpu.memory_space<hbm>> -> memref<128x64xf32, #tpu.memory_space<hbm>>
    %dma_wait3A_799 = arith.constant 0 : i32
    %dma_wait3A_800 = arith.constant 0 : i32
    %dma_wait3A_801 = tpu.memref_slice %arg4[%dma_wait3A_794, %dma_wait3A_799, %dma_wait3A_800] : memref<50x4096x64xf32, #tpu.memory_space<hbm>> -> memref<1x128x64xf32, #tpu.memory_space<hbm>>
    %dma_wait3A_802 = tpu.memref_squeeze %dma_wait3A_801 : memref<1x128x64xf32, #tpu.memory_space<hbm>> -> memref<128x64xf32, #tpu.memory_space<hbm>>
    tpu.wait_dma2 semaphore(%arg34 : memref<!tpu.dma_semaphore, #tpu.memory_space<semaphore_mem>>) src(%arg14 : memref<128x64xf32, #tpu.memory_space<vmem>>) dst(%dma_wait3A_802 : memref<128x64xf32, #tpu.memory_space<hbm>>)
    %dma_start3A_803 = arith.constant 0 : i32
    %dma_start3A_804 = arith.constant 0 : i32
    %dma_start3A_805 = tpu.memref_slice %arg14[%dma_start3A_803, %dma_start3A_804] : memref<128x64xf32, #tpu.memory_space<vmem>> -> memref<128x64xf32, #tpu.memory_space<vmem>>
    %dma_start3A_806 = arith.constant 6144 : i32
    %dma_start3A_807 = tpu.memref_slice %arg5[%dma_start3A_806] : memref<6400xi32, #tpu.memory_space<vmem>> -> memref<128xi32, #tpu.memory_space<vmem>>
    %dma_start3A_808 = arith.constant 0 : i32
    %dma_start3A_809 = arith.constant 0 : i32
    %dma_start3A_810 = tpu.memref_slice %arg2[%dma_start3A_808, %dma_start3A_809] : memref<100000x64xf32, #tpu.memory_space<hbm>> -> memref<100000x64xf32, #tpu.memory_space<hbm>>
    tpu.enqueue_indirect_dma source(%dma_start3A_810 : memref<100000x64xf32, #tpu.memory_space<hbm>>) target(%dma_start3A_805 : memref<128x64xf32, #tpu.memory_space<vmem>>) offsets(%dma_start3A_807 : memref<128xi32, #tpu.memory_space<vmem>>) semaphore(%arg24 : memref<!tpu.dma_semaphore, #tpu.memory_space<semaphore_mem>>)
    %dma_wait3A_811 = arith.constant 0 : i32
    %dma_wait3A_812 = arith.constant 0 : i32
    %dma_wait3A_813 = tpu.memref_slice %arg6[%dma_wait3A_811, %dma_wait3A_812] : memref<128x64xf32, #tpu.memory_space<vmem>> -> memref<128x64xf32, #tpu.memory_space<vmem>>
    %dma_wait3A_814 = arith.constant 0 : i32
    %dma_wait3A_815 = tpu.memref_slice %arg5[%dma_wait3A_814] : memref<6400xi32, #tpu.memory_space<vmem>> -> memref<128xi32, #tpu.memory_space<vmem>>
    %dma_wait3A_816 = arith.constant 0 : i32
    %dma_wait3A_817 = arith.constant 0 : i32
    %dma_wait3A_818 = tpu.memref_slice %arg2[%dma_wait3A_816, %dma_wait3A_817] : memref<100000x64xf32, #tpu.memory_space<hbm>> -> memref<100000x64xf32, #tpu.memory_space<hbm>>
    tpu.wait_indirect_dma semaphore(%arg16 : memref<!tpu.dma_semaphore, #tpu.memory_space<semaphore_mem>>) src(%dma_wait3A_818 : memref<100000x64xf32, #tpu.memory_space<hbm>>) dst(%dma_wait3A_813 : memref<128x64xf32, #tpu.memory_space<vmem>>)
    %add3A_819 = arith.constant 40 : i32
    %add3A_820 = arith.addi %mul3A_4, %add3A_819 : i32
    %jit3A_821 = arith.constant 32 : i32
    %div3A_822 = arith.divsi %add3A_820, %jit3A_821 : i32
    %sign3A_823 = arith.constant 0 : i32
    %sign3A_824 = arith.cmpi sgt, %add3A_820, %sign3A_823 : i32
    %sign3A_825 = arith.extui %sign3A_824 : i1 to i32
    %sign3A_826 = arith.constant 0 : i32
    %sign3A_827 = arith.cmpi slt, %add3A_820, %sign3A_826 : i32
    %sign3A_828 = arith.extui %sign3A_827 : i1 to i32
    %sign3A_829 = arith.subi %sign3A_825, %sign3A_828 : i32
    %sign3A_830 = arith.constant 0 : i32
    %sign3A_831 = arith.cmpi sgt, %jit3A_821, %sign3A_830 : i32
    %sign3A_832 = arith.extui %sign3A_831 : i1 to i32
    %sign3A_833 = arith.constant 0 : i32
    %sign3A_834 = arith.cmpi slt, %jit3A_821, %sign3A_833 : i32
    %sign3A_835 = arith.extui %sign3A_834 : i1 to i32
    %sign3A_836 = arith.subi %sign3A_832, %sign3A_835 : i32
    %ne3A_837 = arith.cmpi ne, %sign3A_829, %sign3A_836 : i32
    %rem3A_838 = arith.remsi %add3A_820, %jit3A_821 : i32
    %ne3A_839 = arith.constant 0 : i32
    %ne3A_840 = arith.cmpi ne, %rem3A_838, %ne3A_839 : i32
    %and3A_841 = arith.andi %ne3A_837, %ne3A_840 : i1
    %sub3A_842 = arith.constant 1 : i32
    %sub3A_843 = arith.subi %div3A_822, %sub3A_842 : i32
    %select_n3A_844 = arith.select %and3A_841, %sub3A_843, %div3A_822 : i32
    %jit3A_845 = arith.constant 32 : i32
    %eq3A_846 = arith.constant 0 : i32
    %eq3A_847 = arith.cmpi eq, %jit3A_845, %eq3A_846 : i32
    %jit3A_848 = arith.constant 1 : i32
    %select_n3A_849 = arith.select %eq3A_847, %jit3A_848, %jit3A_845 : i32
    %rem3A_850 = arith.remsi %add3A_820, %select_n3A_849 : i32
    %ne3A_851 = arith.constant 0 : i32
    %ne3A_852 = arith.cmpi ne, %rem3A_850, %ne3A_851 : i32
    %lt3A_853 = arith.constant 0 : i32
    %lt3A_854 = arith.cmpi slt, %rem3A_850, %lt3A_853 : i32
    %lt3A_855 = arith.constant 0 : i32
    %lt3A_856 = arith.cmpi slt, %select_n3A_849, %lt3A_855 : i32
    %ne3A_857 = arith.xori %lt3A_854, %lt3A_856 : i1
    %and3A_858 = arith.andi %ne3A_857, %ne3A_852 : i1
    %add3A_859 = arith.addi %rem3A_850, %select_n3A_849 : i32
    %select_n3A_860 = arith.select %and3A_858, %add3A_859, %rem3A_850 : i32
    %mul3A_861 = arith.constant 128 : i32
    %mul3A_862 = arith.muli %select_n3A_860, %mul3A_861 : i32
    %dma_start3A_863 = arith.constant 0 : i32
    %dma_start3A_864 = tpu.memref_slice %arg4[%select_n3A_844, %mul3A_862, %dma_start3A_863] : memref<50x4096x64xf32, #tpu.memory_space<hbm>> -> memref<1x128x64xf32, #tpu.memory_space<hbm>>
    %dma_start3A_865 = tpu.memref_squeeze %dma_start3A_864 : memref<1x128x64xf32, #tpu.memory_space<hbm>> -> memref<128x64xf32, #tpu.memory_space<hbm>>
    %dma_start3A_866 = arith.constant 0 : i32
    %dma_start3A_867 = tpu.memref_slice %arg4[%select_n3A_844, %mul3A_862, %dma_start3A_866] : memref<50x4096x64xf32, #tpu.memory_space<hbm>> -> memref<1x128x64xf32, #tpu.memory_space<hbm>>
    %dma_start3A_868 = tpu.memref_squeeze %dma_start3A_867 : memref<1x128x64xf32, #tpu.memory_space<hbm>> -> memref<128x64xf32, #tpu.memory_space<hbm>>
    tpu.enqueue_dma source(%arg6 : memref<128x64xf32, #tpu.memory_space<vmem>>) target(%dma_start3A_868 : memref<128x64xf32, #tpu.memory_space<hbm>>) target_semaphore(%arg26 : memref<!tpu.dma_semaphore, #tpu.memory_space<semaphore_mem>>)
    %dma_wait3A_869 = arith.constant 0 : i32
    %dma_wait3A_870 = arith.constant 0 : i32
    %dma_wait3A_871 = arith.constant 0 : i32
    %dma_wait3A_872 = tpu.memref_slice %arg4[%dma_wait3A_869, %dma_wait3A_870, %dma_wait3A_871] : memref<50x4096x64xf32, #tpu.memory_space<hbm>> -> memref<1x128x64xf32, #tpu.memory_space<hbm>>
    %dma_wait3A_873 = tpu.memref_squeeze %dma_wait3A_872 : memref<1x128x64xf32, #tpu.memory_space<hbm>> -> memref<128x64xf32, #tpu.memory_space<hbm>>
    %dma_wait3A_874 = arith.constant 0 : i32
    %dma_wait3A_875 = arith.constant 0 : i32
    %dma_wait3A_876 = tpu.memref_slice %arg4[%dma_wait3A_869, %dma_wait3A_874, %dma_wait3A_875] : memref<50x4096x64xf32, #tpu.memory_space<hbm>> -> memref<1x128x64xf32, #tpu.memory_space<hbm>>
    %dma_wait3A_877 = tpu.memref_squeeze %dma_wait3A_876 : memref<1x128x64xf32, #tpu.memory_space<hbm>> -> memref<128x64xf32, #tpu.memory_space<hbm>>
    tpu.wait_dma2 semaphore(%arg35 : memref<!tpu.dma_semaphore, #tpu.memory_space<semaphore_mem>>) src(%arg15 : memref<128x64xf32, #tpu.memory_space<vmem>>) dst(%dma_wait3A_877 : memref<128x64xf32, #tpu.memory_space<hbm>>)
    %dma_start3A_878 = arith.constant 0 : i32
    %dma_start3A_879 = arith.constant 0 : i32
    %dma_start3A_880 = tpu.memref_slice %arg15[%dma_start3A_878, %dma_start3A_879] : memref<128x64xf32, #tpu.memory_space<vmem>> -> memref<128x64xf32, #tpu.memory_space<vmem>>
    %dma_start3A_881 = arith.constant 6272 : i32
    %dma_start3A_882 = tpu.memref_slice %arg5[%dma_start3A_881] : memref<6400xi32, #tpu.memory_space<vmem>> -> memref<128xi32, #tpu.memory_space<vmem>>
    %dma_start3A_883 = arith.constant 0 : i32
    %dma_start3A_884 = arith.constant 0 : i32
    %dma_start3A_885 = tpu.memref_slice %arg2[%dma_start3A_883, %dma_start3A_884] : memref<100000x64xf32, #tpu.memory_space<hbm>> -> memref<100000x64xf32, #tpu.memory_space<hbm>>
    tpu.enqueue_indirect_dma source(%dma_start3A_885 : memref<100000x64xf32, #tpu.memory_space<hbm>>) target(%dma_start3A_880 : memref<128x64xf32, #tpu.memory_space<vmem>>) offsets(%dma_start3A_882 : memref<128xi32, #tpu.memory_space<vmem>>) semaphore(%arg25 : memref<!tpu.dma_semaphore, #tpu.memory_space<semaphore_mem>>)
    %dma_wait3A_886 = arith.constant 0 : i32
    %dma_wait3A_887 = arith.constant 0 : i32
    %dma_wait3A_888 = tpu.memref_slice %arg7[%dma_wait3A_886, %dma_wait3A_887] : memref<128x64xf32, #tpu.memory_space<vmem>> -> memref<128x64xf32, #tpu.memory_space<vmem>>
    %dma_wait3A_889 = arith.constant 0 : i32
    %dma_wait3A_890 = tpu.memref_slice %arg5[%dma_wait3A_889] : memref<6400xi32, #tpu.memory_space<vmem>> -> memref<128xi32, #tpu.memory_space<vmem>>
    %dma_wait3A_891 = arith.constant 0 : i32
    %dma_wait3A_892 = arith.constant 0 : i32
    %dma_wait3A_893 = tpu.memref_slice %arg2[%dma_wait3A_891, %dma_wait3A_892] : memref<100000x64xf32, #tpu.memory_space<hbm>> -> memref<100000x64xf32, #tpu.memory_space<hbm>>
    tpu.wait_indirect_dma semaphore(%arg17 : memref<!tpu.dma_semaphore, #tpu.memory_space<semaphore_mem>>) src(%dma_wait3A_893 : memref<100000x64xf32, #tpu.memory_space<hbm>>) dst(%dma_wait3A_888 : memref<128x64xf32, #tpu.memory_space<vmem>>)
    %add3A_894 = arith.constant 41 : i32
    %add3A_895 = arith.addi %mul3A_4, %add3A_894 : i32
    %jit3A_896 = arith.constant 32 : i32
    %div3A_897 = arith.divsi %add3A_895, %jit3A_896 : i32
    %sign3A_898 = arith.constant 0 : i32
    %sign3A_899 = arith.cmpi sgt, %add3A_895, %sign3A_898 : i32
    %sign3A_900 = arith.extui %sign3A_899 : i1 to i32
    %sign3A_901 = arith.constant 0 : i32
    %sign3A_902 = arith.cmpi slt, %add3A_895, %sign3A_901 : i32
    %sign3A_903 = arith.extui %sign3A_902 : i1 to i32
    %sign3A_904 = arith.subi %sign3A_900, %sign3A_903 : i32
    %sign3A_905 = arith.constant 0 : i32
    %sign3A_906 = arith.cmpi sgt, %jit3A_896, %sign3A_905 : i32
    %sign3A_907 = arith.extui %sign3A_906 : i1 to i32
    %sign3A_908 = arith.constant 0 : i32
    %sign3A_909 = arith.cmpi slt, %jit3A_896, %sign3A_908 : i32
    %sign3A_910 = arith.extui %sign3A_909 : i1 to i32
    %sign3A_911 = arith.subi %sign3A_907, %sign3A_910 : i32
    %ne3A_912 = arith.cmpi ne, %sign3A_904, %sign3A_911 : i32
    %rem3A_913 = arith.remsi %add3A_895, %jit3A_896 : i32
    %ne3A_914 = arith.constant 0 : i32
    %ne3A_915 = arith.cmpi ne, %rem3A_913, %ne3A_914 : i32
    %and3A_916 = arith.andi %ne3A_912, %ne3A_915 : i1
    %sub3A_917 = arith.constant 1 : i32
    %sub3A_918 = arith.subi %div3A_897, %sub3A_917 : i32
    %select_n3A_919 = arith.select %and3A_916, %sub3A_918, %div3A_897 : i32
    %jit3A_920 = arith.constant 32 : i32
    %eq3A_921 = arith.constant 0 : i32
    %eq3A_922 = arith.cmpi eq, %jit3A_920, %eq3A_921 : i32
    %jit3A_923 = arith.constant 1 : i32
    %select_n3A_924 = arith.select %eq3A_922, %jit3A_923, %jit3A_920 : i32
    %rem3A_925 = arith.remsi %add3A_895, %select_n3A_924 : i32
    %ne3A_926 = arith.constant 0 : i32
    %ne3A_927 = arith.cmpi ne, %rem3A_925, %ne3A_926 : i32
    %lt3A_928 = arith.constant 0 : i32
    %lt3A_929 = arith.cmpi slt, %rem3A_925, %lt3A_928 : i32
    %lt3A_930 = arith.constant 0 : i32
    %lt3A_931 = arith.cmpi slt, %select_n3A_924, %lt3A_930 : i32
    %ne3A_932 = arith.xori %lt3A_929, %lt3A_931 : i1
    %and3A_933 = arith.andi %ne3A_932, %ne3A_927 : i1
    %add3A_934 = arith.addi %rem3A_925, %select_n3A_924 : i32
    %select_n3A_935 = arith.select %and3A_933, %add3A_934, %rem3A_925 : i32
    %mul3A_936 = arith.constant 128 : i32
    %mul3A_937 = arith.muli %select_n3A_935, %mul3A_936 : i32
    %dma_start3A_938 = arith.constant 0 : i32
    %dma_start3A_939 = tpu.memref_slice %arg4[%select_n3A_919, %mul3A_937, %dma_start3A_938] : memref<50x4096x64xf32, #tpu.memory_space<hbm>> -> memref<1x128x64xf32, #tpu.memory_space<hbm>>
    %dma_start3A_940 = tpu.memref_squeeze %dma_start3A_939 : memref<1x128x64xf32, #tpu.memory_space<hbm>> -> memref<128x64xf32, #tpu.memory_space<hbm>>
    %dma_start3A_941 = arith.constant 0 : i32
    %dma_start3A_942 = tpu.memref_slice %arg4[%select_n3A_919, %mul3A_937, %dma_start3A_941] : memref<50x4096x64xf32, #tpu.memory_space<hbm>> -> memref<1x128x64xf32, #tpu.memory_space<hbm>>
    %dma_start3A_943 = tpu.memref_squeeze %dma_start3A_942 : memref<1x128x64xf32, #tpu.memory_space<hbm>> -> memref<128x64xf32, #tpu.memory_space<hbm>>
    tpu.enqueue_dma source(%arg7 : memref<128x64xf32, #tpu.memory_space<vmem>>) target(%dma_start3A_943 : memref<128x64xf32, #tpu.memory_space<hbm>>) target_semaphore(%arg27 : memref<!tpu.dma_semaphore, #tpu.memory_space<semaphore_mem>>)
    %dma_wait3A_944 = arith.constant 0 : i32
    %dma_wait3A_945 = arith.constant 0 : i32
    %dma_wait3A_946 = tpu.memref_slice %arg8[%dma_wait3A_944, %dma_wait3A_945] : memref<128x64xf32, #tpu.memory_space<vmem>> -> memref<128x64xf32, #tpu.memory_space<vmem>>
    %dma_wait3A_947 = arith.constant 0 : i32
    %dma_wait3A_948 = tpu.memref_slice %arg5[%dma_wait3A_947] : memref<6400xi32, #tpu.memory_space<vmem>> -> memref<128xi32, #tpu.memory_space<vmem>>
    %dma_wait3A_949 = arith.constant 0 : i32
    %dma_wait3A_950 = arith.constant 0 : i32
    %dma_wait3A_951 = tpu.memref_slice %arg2[%dma_wait3A_949, %dma_wait3A_950] : memref<100000x64xf32, #tpu.memory_space<hbm>> -> memref<100000x64xf32, #tpu.memory_space<hbm>>
    tpu.wait_indirect_dma semaphore(%arg18 : memref<!tpu.dma_semaphore, #tpu.memory_space<semaphore_mem>>) src(%dma_wait3A_951 : memref<100000x64xf32, #tpu.memory_space<hbm>>) dst(%dma_wait3A_946 : memref<128x64xf32, #tpu.memory_space<vmem>>)
    %add3A_952 = arith.constant 42 : i32
    %add3A_953 = arith.addi %mul3A_4, %add3A_952 : i32
    %jit3A_954 = arith.constant 32 : i32
    %div3A_955 = arith.divsi %add3A_953, %jit3A_954 : i32
    %sign3A_956 = arith.constant 0 : i32
    %sign3A_957 = arith.cmpi sgt, %add3A_953, %sign3A_956 : i32
    %sign3A_958 = arith.extui %sign3A_957 : i1 to i32
    %sign3A_959 = arith.constant 0 : i32
    %sign3A_960 = arith.cmpi slt, %add3A_953, %sign3A_959 : i32
    %sign3A_961 = arith.extui %sign3A_960 : i1 to i32
    %sign3A_962 = arith.subi %sign3A_958, %sign3A_961 : i32
    %sign3A_963 = arith.constant 0 : i32
    %sign3A_964 = arith.cmpi sgt, %jit3A_954, %sign3A_963 : i32
    %sign3A_965 = arith.extui %sign3A_964 : i1 to i32
    %sign3A_966 = arith.constant 0 : i32
    %sign3A_967 = arith.cmpi slt, %jit3A_954, %sign3A_966 : i32
    %sign3A_968 = arith.extui %sign3A_967 : i1 to i32
    %sign3A_969 = arith.subi %sign3A_965, %sign3A_968 : i32
    %ne3A_970 = arith.cmpi ne, %sign3A_962, %sign3A_969 : i32
    %rem3A_971 = arith.remsi %add3A_953, %jit3A_954 : i32
    %ne3A_972 = arith.constant 0 : i32
    %ne3A_973 = arith.cmpi ne, %rem3A_971, %ne3A_972 : i32
    %and3A_974 = arith.andi %ne3A_970, %ne3A_973 : i1
    %sub3A_975 = arith.constant 1 : i32
    %sub3A_976 = arith.subi %div3A_955, %sub3A_975 : i32
    %select_n3A_977 = arith.select %and3A_974, %sub3A_976, %div3A_955 : i32
    %jit3A_978 = arith.constant 32 : i32
    %eq3A_979 = arith.constant 0 : i32
    %eq3A_980 = arith.cmpi eq, %jit3A_978, %eq3A_979 : i32
    %jit3A_981 = arith.constant 1 : i32
    %select_n3A_982 = arith.select %eq3A_980, %jit3A_981, %jit3A_978 : i32
    %rem3A_983 = arith.remsi %add3A_953, %select_n3A_982 : i32
    %ne3A_984 = arith.constant 0 : i32
    %ne3A_985 = arith.cmpi ne, %rem3A_983, %ne3A_984 : i32
    %lt3A_986 = arith.constant 0 : i32
    %lt3A_987 = arith.cmpi slt, %rem3A_983, %lt3A_986 : i32
    %lt3A_988 = arith.constant 0 : i32
    %lt3A_989 = arith.cmpi slt, %select_n3A_982, %lt3A_988 : i32
    %ne3A_990 = arith.xori %lt3A_987, %lt3A_989 : i1
    %and3A_991 = arith.andi %ne3A_990, %ne3A_985 : i1
    %add3A_992 = arith.addi %rem3A_983, %select_n3A_982 : i32
    %select_n3A_993 = arith.select %and3A_991, %add3A_992, %rem3A_983 : i32
    %mul3A_994 = arith.constant 128 : i32
    %mul3A_995 = arith.muli %select_n3A_993, %mul3A_994 : i32
    %dma_start3A_996 = arith.constant 0 : i32
    %dma_start3A_997 = tpu.memref_slice %arg4[%select_n3A_977, %mul3A_995, %dma_start3A_996] : memref<50x4096x64xf32, #tpu.memory_space<hbm>> -> memref<1x128x64xf32, #tpu.memory_space<hbm>>
    %dma_start3A_998 = tpu.memref_squeeze %dma_start3A_997 : memref<1x128x64xf32, #tpu.memory_space<hbm>> -> memref<128x64xf32, #tpu.memory_space<hbm>>
    %dma_start3A_999 = arith.constant 0 : i32
    %dma_start3A_1000 = tpu.memref_slice %arg4[%select_n3A_977, %mul3A_995, %dma_start3A_999] : memref<50x4096x64xf32, #tpu.memory_space<hbm>> -> memref<1x128x64xf32, #tpu.memory_space<hbm>>
    %dma_start3A_1001 = tpu.memref_squeeze %dma_start3A_1000 : memref<1x128x64xf32, #tpu.memory_space<hbm>> -> memref<128x64xf32, #tpu.memory_space<hbm>>
    tpu.enqueue_dma source(%arg8 : memref<128x64xf32, #tpu.memory_space<vmem>>) target(%dma_start3A_1001 : memref<128x64xf32, #tpu.memory_space<hbm>>) target_semaphore(%arg28 : memref<!tpu.dma_semaphore, #tpu.memory_space<semaphore_mem>>)
    %dma_wait3A_1002 = arith.constant 0 : i32
    %dma_wait3A_1003 = arith.constant 0 : i32
    %dma_wait3A_1004 = tpu.memref_slice %arg9[%dma_wait3A_1002, %dma_wait3A_1003] : memref<128x64xf32, #tpu.memory_space<vmem>> -> memref<128x64xf32, #tpu.memory_space<vmem>>
    %dma_wait3A_1005 = arith.constant 0 : i32
    %dma_wait3A_1006 = tpu.memref_slice %arg5[%dma_wait3A_1005] : memref<6400xi32, #tpu.memory_space<vmem>> -> memref<128xi32, #tpu.memory_space<vmem>>
    %dma_wait3A_1007 = arith.constant 0 : i32
    %dma_wait3A_1008 = arith.constant 0 : i32
    %dma_wait3A_1009 = tpu.memref_slice %arg2[%dma_wait3A_1007, %dma_wait3A_1008] : memref<100000x64xf32, #tpu.memory_space<hbm>> -> memref<100000x64xf32, #tpu.memory_space<hbm>>
    tpu.wait_indirect_dma semaphore(%arg19 : memref<!tpu.dma_semaphore, #tpu.memory_space<semaphore_mem>>) src(%dma_wait3A_1009 : memref<100000x64xf32, #tpu.memory_space<hbm>>) dst(%dma_wait3A_1004 : memref<128x64xf32, #tpu.memory_space<vmem>>)
    %add3A_1010 = arith.constant 43 : i32
    %add3A_1011 = arith.addi %mul3A_4, %add3A_1010 : i32
    %jit3A_1012 = arith.constant 32 : i32
    %div3A_1013 = arith.divsi %add3A_1011, %jit3A_1012 : i32
    %sign3A_1014 = arith.constant 0 : i32
    %sign3A_1015 = arith.cmpi sgt, %add3A_1011, %sign3A_1014 : i32
    %sign3A_1016 = arith.extui %sign3A_1015 : i1 to i32
    %sign3A_1017 = arith.constant 0 : i32
    %sign3A_1018 = arith.cmpi slt, %add3A_1011, %sign3A_1017 : i32
    %sign3A_1019 = arith.extui %sign3A_1018 : i1 to i32
    %sign3A_1020 = arith.subi %sign3A_1016, %sign3A_1019 : i32
    %sign3A_1021 = arith.constant 0 : i32
    %sign3A_1022 = arith.cmpi sgt, %jit3A_1012, %sign3A_1021 : i32
    %sign3A_1023 = arith.extui %sign3A_1022 : i1 to i32
    %sign3A_1024 = arith.constant 0 : i32
    %sign3A_1025 = arith.cmpi slt, %jit3A_1012, %sign3A_1024 : i32
    %sign3A_1026 = arith.extui %sign3A_1025 : i1 to i32
    %sign3A_1027 = arith.subi %sign3A_1023, %sign3A_1026 : i32
    %ne3A_1028 = arith.cmpi ne, %sign3A_1020, %sign3A_1027 : i32
    %rem3A_1029 = arith.remsi %add3A_1011, %jit3A_1012 : i32
    %ne3A_1030 = arith.constant 0 : i32
    %ne3A_1031 = arith.cmpi ne, %rem3A_1029, %ne3A_1030 : i32
    %and3A_1032 = arith.andi %ne3A_1028, %ne3A_1031 : i1
    %sub3A_1033 = arith.constant 1 : i32
    %sub3A_1034 = arith.subi %div3A_1013, %sub3A_1033 : i32
    %select_n3A_1035 = arith.select %and3A_1032, %sub3A_1034, %div3A_1013 : i32
    %jit3A_1036 = arith.constant 32 : i32
    %eq3A_1037 = arith.constant 0 : i32
    %eq3A_1038 = arith.cmpi eq, %jit3A_1036, %eq3A_1037 : i32
    %jit3A_1039 = arith.constant 1 : i32
    %select_n3A_1040 = arith.select %eq3A_1038, %jit3A_1039, %jit3A_1036 : i32
    %rem3A_1041 = arith.remsi %add3A_1011, %select_n3A_1040 : i32
    %ne3A_1042 = arith.constant 0 : i32
    %ne3A_1043 = arith.cmpi ne, %rem3A_1041, %ne3A_1042 : i32
    %lt3A_1044 = arith.constant 0 : i32
    %lt3A_1045 = arith.cmpi slt, %rem3A_1041, %lt3A_1044 : i32
    %lt3A_1046 = arith.constant 0 : i32
    %lt3A_1047 = arith.cmpi slt, %select_n3A_1040, %lt3A_1046 : i32
    %ne3A_1048 = arith.xori %lt3A_1045, %lt3A_1047 : i1
    %and3A_1049 = arith.andi %ne3A_1048, %ne3A_1043 : i1
    %add3A_1050 = arith.addi %rem3A_1041, %select_n3A_1040 : i32
    %select_n3A_1051 = arith.select %and3A_1049, %add3A_1050, %rem3A_1041 : i32
    %mul3A_1052 = arith.constant 128 : i32
    %mul3A_1053 = arith.muli %select_n3A_1051, %mul3A_1052 : i32
    %dma_start3A_1054 = arith.constant 0 : i32
    %dma_start3A_1055 = tpu.memref_slice %arg4[%select_n3A_1035, %mul3A_1053, %dma_start3A_1054] : memref<50x4096x64xf32, #tpu.memory_space<hbm>> -> memref<1x128x64xf32, #tpu.memory_space<hbm>>
    %dma_start3A_1056 = tpu.memref_squeeze %dma_start3A_1055 : memref<1x128x64xf32, #tpu.memory_space<hbm>> -> memref<128x64xf32, #tpu.memory_space<hbm>>
    %dma_start3A_1057 = arith.constant 0 : i32
    %dma_start3A_1058 = tpu.memref_slice %arg4[%select_n3A_1035, %mul3A_1053, %dma_start3A_1057] : memref<50x4096x64xf32, #tpu.memory_space<hbm>> -> memref<1x128x64xf32, #tpu.memory_space<hbm>>
    %dma_start3A_1059 = tpu.memref_squeeze %dma_start3A_1058 : memref<1x128x64xf32, #tpu.memory_space<hbm>> -> memref<128x64xf32, #tpu.memory_space<hbm>>
    tpu.enqueue_dma source(%arg9 : memref<128x64xf32, #tpu.memory_space<vmem>>) target(%dma_start3A_1059 : memref<128x64xf32, #tpu.memory_space<hbm>>) target_semaphore(%arg29 : memref<!tpu.dma_semaphore, #tpu.memory_space<semaphore_mem>>)
    %dma_wait3A_1060 = arith.constant 0 : i32
    %dma_wait3A_1061 = arith.constant 0 : i32
    %dma_wait3A_1062 = tpu.memref_slice %arg10[%dma_wait3A_1060, %dma_wait3A_1061] : memref<128x64xf32, #tpu.memory_space<vmem>> -> memref<128x64xf32, #tpu.memory_space<vmem>>
    %dma_wait3A_1063 = arith.constant 0 : i32
    %dma_wait3A_1064 = tpu.memref_slice %arg5[%dma_wait3A_1063] : memref<6400xi32, #tpu.memory_space<vmem>> -> memref<128xi32, #tpu.memory_space<vmem>>
    %dma_wait3A_1065 = arith.constant 0 : i32
    %dma_wait3A_1066 = arith.constant 0 : i32
    %dma_wait3A_1067 = tpu.memref_slice %arg2[%dma_wait3A_1065, %dma_wait3A_1066] : memref<100000x64xf32, #tpu.memory_space<hbm>> -> memref<100000x64xf32, #tpu.memory_space<hbm>>
    tpu.wait_indirect_dma semaphore(%arg20 : memref<!tpu.dma_semaphore, #tpu.memory_space<semaphore_mem>>) src(%dma_wait3A_1067 : memref<100000x64xf32, #tpu.memory_space<hbm>>) dst(%dma_wait3A_1062 : memref<128x64xf32, #tpu.memory_space<vmem>>)
    %add3A_1068 = arith.constant 44 : i32
    %add3A_1069 = arith.addi %mul3A_4, %add3A_1068 : i32
    %jit3A_1070 = arith.constant 32 : i32
    %div3A_1071 = arith.divsi %add3A_1069, %jit3A_1070 : i32
    %sign3A_1072 = arith.constant 0 : i32
    %sign3A_1073 = arith.cmpi sgt, %add3A_1069, %sign3A_1072 : i32
    %sign3A_1074 = arith.extui %sign3A_1073 : i1 to i32
    %sign3A_1075 = arith.constant 0 : i32
    %sign3A_1076 = arith.cmpi slt, %add3A_1069, %sign3A_1075 : i32
    %sign3A_1077 = arith.extui %sign3A_1076 : i1 to i32
    %sign3A_1078 = arith.subi %sign3A_1074, %sign3A_1077 : i32
    %sign3A_1079 = arith.constant 0 : i32
    %sign3A_1080 = arith.cmpi sgt, %jit3A_1070, %sign3A_1079 : i32
    %sign3A_1081 = arith.extui %sign3A_1080 : i1 to i32
    %sign3A_1082 = arith.constant 0 : i32
    %sign3A_1083 = arith.cmpi slt, %jit3A_1070, %sign3A_1082 : i32
    %sign3A_1084 = arith.extui %sign3A_1083 : i1 to i32
    %sign3A_1085 = arith.subi %sign3A_1081, %sign3A_1084 : i32
    %ne3A_1086 = arith.cmpi ne, %sign3A_1078, %sign3A_1085 : i32
    %rem3A_1087 = arith.remsi %add3A_1069, %jit3A_1070 : i32
    %ne3A_1088 = arith.constant 0 : i32
    %ne3A_1089 = arith.cmpi ne, %rem3A_1087, %ne3A_1088 : i32
    %and3A_1090 = arith.andi %ne3A_1086, %ne3A_1089 : i1
    %sub3A_1091 = arith.constant 1 : i32
    %sub3A_1092 = arith.subi %div3A_1071, %sub3A_1091 : i32
    %select_n3A_1093 = arith.select %and3A_1090, %sub3A_1092, %div3A_1071 : i32
    %jit3A_1094 = arith.constant 32 : i32
    %eq3A_1095 = arith.constant 0 : i32
    %eq3A_1096 = arith.cmpi eq, %jit3A_1094, %eq3A_1095 : i32
    %jit3A_1097 = arith.constant 1 : i32
    %select_n3A_1098 = arith.select %eq3A_1096, %jit3A_1097, %jit3A_1094 : i32
    %rem3A_1099 = arith.remsi %add3A_1069, %select_n3A_1098 : i32
    %ne3A_1100 = arith.constant 0 : i32
    %ne3A_1101 = arith.cmpi ne, %rem3A_1099, %ne3A_1100 : i32
    %lt3A_1102 = arith.constant 0 : i32
    %lt3A_1103 = arith.cmpi slt, %rem3A_1099, %lt3A_1102 : i32
    %lt3A_1104 = arith.constant 0 : i32
    %lt3A_1105 = arith.cmpi slt, %select_n3A_1098, %lt3A_1104 : i32
    %ne3A_1106 = arith.xori %lt3A_1103, %lt3A_1105 : i1
    %and3A_1107 = arith.andi %ne3A_1106, %ne3A_1101 : i1
    %add3A_1108 = arith.addi %rem3A_1099, %select_n3A_1098 : i32
    %select_n3A_1109 = arith.select %and3A_1107, %add3A_1108, %rem3A_1099 : i32
    %mul3A_1110 = arith.constant 128 : i32
    %mul3A_1111 = arith.muli %select_n3A_1109, %mul3A_1110 : i32
    %dma_start3A_1112 = arith.constant 0 : i32
    %dma_start3A_1113 = tpu.memref_slice %arg4[%select_n3A_1093, %mul3A_1111, %dma_start3A_1112] : memref<50x4096x64xf32, #tpu.memory_space<hbm>> -> memref<1x128x64xf32, #tpu.memory_space<hbm>>
    %dma_start3A_1114 = tpu.memref_squeeze %dma_start3A_1113 : memref<1x128x64xf32, #tpu.memory_space<hbm>> -> memref<128x64xf32, #tpu.memory_space<hbm>>
    %dma_start3A_1115 = arith.constant 0 : i32
    %dma_start3A_1116 = tpu.memref_slice %arg4[%select_n3A_1093, %mul3A_1111, %dma_start3A_1115] : memref<50x4096x64xf32, #tpu.memory_space<hbm>> -> memref<1x128x64xf32, #tpu.memory_space<hbm>>
    %dma_start3A_1117 = tpu.memref_squeeze %dma_start3A_1116 : memref<1x128x64xf32, #tpu.memory_space<hbm>> -> memref<128x64xf32, #tpu.memory_space<hbm>>
    tpu.enqueue_dma source(%arg10 : memref<128x64xf32, #tpu.memory_space<vmem>>) target(%dma_start3A_1117 : memref<128x64xf32, #tpu.memory_space<hbm>>) target_semaphore(%arg30 : memref<!tpu.dma_semaphore, #tpu.memory_space<semaphore_mem>>)
    %dma_wait3A_1118 = arith.constant 0 : i32
    %dma_wait3A_1119 = arith.constant 0 : i32
    %dma_wait3A_1120 = tpu.memref_slice %arg11[%dma_wait3A_1118, %dma_wait3A_1119] : memref<128x64xf32, #tpu.memory_space<vmem>> -> memref<128x64xf32, #tpu.memory_space<vmem>>
    %dma_wait3A_1121 = arith.constant 0 : i32
    %dma_wait3A_1122 = tpu.memref_slice %arg5[%dma_wait3A_1121] : memref<6400xi32, #tpu.memory_space<vmem>> -> memref<128xi32, #tpu.memory_space<vmem>>
    %dma_wait3A_1123 = arith.constant 0 : i32
    %dma_wait3A_1124 = arith.constant 0 : i32
    %dma_wait3A_1125 = tpu.memref_slice %arg2[%dma_wait3A_1123, %dma_wait3A_1124] : memref<100000x64xf32, #tpu.memory_space<hbm>> -> memref<100000x64xf32, #tpu.memory_space<hbm>>
    tpu.wait_indirect_dma semaphore(%arg21 : memref<!tpu.dma_semaphore, #tpu.memory_space<semaphore_mem>>) src(%dma_wait3A_1125 : memref<100000x64xf32, #tpu.memory_space<hbm>>) dst(%dma_wait3A_1120 : memref<128x64xf32, #tpu.memory_space<vmem>>)
    %add3A_1126 = arith.constant 45 : i32
    %add3A_1127 = arith.addi %mul3A_4, %add3A_1126 : i32
    %jit3A_1128 = arith.constant 32 : i32
    %div3A_1129 = arith.divsi %add3A_1127, %jit3A_1128 : i32
    %sign3A_1130 = arith.constant 0 : i32
    %sign3A_1131 = arith.cmpi sgt, %add3A_1127, %sign3A_1130 : i32
    %sign3A_1132 = arith.extui %sign3A_1131 : i1 to i32
    %sign3A_1133 = arith.constant 0 : i32
    %sign3A_1134 = arith.cmpi slt, %add3A_1127, %sign3A_1133 : i32
    %sign3A_1135 = arith.extui %sign3A_1134 : i1 to i32
    %sign3A_1136 = arith.subi %sign3A_1132, %sign3A_1135 : i32
    %sign3A_1137 = arith.constant 0 : i32
    %sign3A_1138 = arith.cmpi sgt, %jit3A_1128, %sign3A_1137 : i32
    %sign3A_1139 = arith.extui %sign3A_1138 : i1 to i32
    %sign3A_1140 = arith.constant 0 : i32
    %sign3A_1141 = arith.cmpi slt, %jit3A_1128, %sign3A_1140 : i32
    %sign3A_1142 = arith.extui %sign3A_1141 : i1 to i32
    %sign3A_1143 = arith.subi %sign3A_1139, %sign3A_1142 : i32
    %ne3A_1144 = arith.cmpi ne, %sign3A_1136, %sign3A_1143 : i32
    %rem3A_1145 = arith.remsi %add3A_1127, %jit3A_1128 : i32
    %ne3A_1146 = arith.constant 0 : i32
    %ne3A_1147 = arith.cmpi ne, %rem3A_1145, %ne3A_1146 : i32
    %and3A_1148 = arith.andi %ne3A_1144, %ne3A_1147 : i1
    %sub3A_1149 = arith.constant 1 : i32
    %sub3A_1150 = arith.subi %div3A_1129, %sub3A_1149 : i32
    %select_n3A_1151 = arith.select %and3A_1148, %sub3A_1150, %div3A_1129 : i32
    %jit3A_1152 = arith.constant 32 : i32
    %eq3A_1153 = arith.constant 0 : i32
    %eq3A_1154 = arith.cmpi eq, %jit3A_1152, %eq3A_1153 : i32
    %jit3A_1155 = arith.constant 1 : i32
    %select_n3A_1156 = arith.select %eq3A_1154, %jit3A_1155, %jit3A_1152 : i32
    %rem3A_1157 = arith.remsi %add3A_1127, %select_n3A_1156 : i32
    %ne3A_1158 = arith.constant 0 : i32
    %ne3A_1159 = arith.cmpi ne, %rem3A_1157, %ne3A_1158 : i32
    %lt3A_1160 = arith.constant 0 : i32
    %lt3A_1161 = arith.cmpi slt, %rem3A_1157, %lt3A_1160 : i32
    %lt3A_1162 = arith.constant 0 : i32
    %lt3A_1163 = arith.cmpi slt, %select_n3A_1156, %lt3A_1162 : i32
    %ne3A_1164 = arith.xori %lt3A_1161, %lt3A_1163 : i1
    %and3A_1165 = arith.andi %ne3A_1164, %ne3A_1159 : i1
    %add3A_1166 = arith.addi %rem3A_1157, %select_n3A_1156 : i32
    %select_n3A_1167 = arith.select %and3A_1165, %add3A_1166, %rem3A_1157 : i32
    %mul3A_1168 = arith.constant 128 : i32
    %mul3A_1169 = arith.muli %select_n3A_1167, %mul3A_1168 : i32
    %dma_start3A_1170 = arith.constant 0 : i32
    %dma_start3A_1171 = tpu.memref_slice %arg4[%select_n3A_1151, %mul3A_1169, %dma_start3A_1170] : memref<50x4096x64xf32, #tpu.memory_space<hbm>> -> memref<1x128x64xf32, #tpu.memory_space<hbm>>
    %dma_start3A_1172 = tpu.memref_squeeze %dma_start3A_1171 : memref<1x128x64xf32, #tpu.memory_space<hbm>> -> memref<128x64xf32, #tpu.memory_space<hbm>>
    %dma_start3A_1173 = arith.constant 0 : i32
    %dma_start3A_1174 = tpu.memref_slice %arg4[%select_n3A_1151, %mul3A_1169, %dma_start3A_1173] : memref<50x4096x64xf32, #tpu.memory_space<hbm>> -> memref<1x128x64xf32, #tpu.memory_space<hbm>>
    %dma_start3A_1175 = tpu.memref_squeeze %dma_start3A_1174 : memref<1x128x64xf32, #tpu.memory_space<hbm>> -> memref<128x64xf32, #tpu.memory_space<hbm>>
    tpu.enqueue_dma source(%arg11 : memref<128x64xf32, #tpu.memory_space<vmem>>) target(%dma_start3A_1175 : memref<128x64xf32, #tpu.memory_space<hbm>>) target_semaphore(%arg31 : memref<!tpu.dma_semaphore, #tpu.memory_space<semaphore_mem>>)
    %dma_wait3A_1176 = arith.constant 0 : i32
    %dma_wait3A_1177 = arith.constant 0 : i32
    %dma_wait3A_1178 = tpu.memref_slice %arg12[%dma_wait3A_1176, %dma_wait3A_1177] : memref<128x64xf32, #tpu.memory_space<vmem>> -> memref<128x64xf32, #tpu.memory_space<vmem>>
    %dma_wait3A_1179 = arith.constant 0 : i32
    %dma_wait3A_1180 = tpu.memref_slice %arg5[%dma_wait3A_1179] : memref<6400xi32, #tpu.memory_space<vmem>> -> memref<128xi32, #tpu.memory_space<vmem>>
    %dma_wait3A_1181 = arith.constant 0 : i32
    %dma_wait3A_1182 = arith.constant 0 : i32
    %dma_wait3A_1183 = tpu.memref_slice %arg2[%dma_wait3A_1181, %dma_wait3A_1182] : memref<100000x64xf32, #tpu.memory_space<hbm>> -> memref<100000x64xf32, #tpu.memory_space<hbm>>
    tpu.wait_indirect_dma semaphore(%arg22 : memref<!tpu.dma_semaphore, #tpu.memory_space<semaphore_mem>>) src(%dma_wait3A_1183 : memref<100000x64xf32, #tpu.memory_space<hbm>>) dst(%dma_wait3A_1178 : memref<128x64xf32, #tpu.memory_space<vmem>>)
    %add3A_1184 = arith.constant 46 : i32
    %add3A_1185 = arith.addi %mul3A_4, %add3A_1184 : i32
    %jit3A_1186 = arith.constant 32 : i32
    %div3A_1187 = arith.divsi %add3A_1185, %jit3A_1186 : i32
    %sign3A_1188 = arith.constant 0 : i32
    %sign3A_1189 = arith.cmpi sgt, %add3A_1185, %sign3A_1188 : i32
    %sign3A_1190 = arith.extui %sign3A_1189 : i1 to i32
    %sign3A_1191 = arith.constant 0 : i32
    %sign3A_1192 = arith.cmpi slt, %add3A_1185, %sign3A_1191 : i32
    %sign3A_1193 = arith.extui %sign3A_1192 : i1 to i32
    %sign3A_1194 = arith.subi %sign3A_1190, %sign3A_1193 : i32
    %sign3A_1195 = arith.constant 0 : i32
    %sign3A_1196 = arith.cmpi sgt, %jit3A_1186, %sign3A_1195 : i32
    %sign3A_1197 = arith.extui %sign3A_1196 : i1 to i32
    %sign3A_1198 = arith.constant 0 : i32
    %sign3A_1199 = arith.cmpi slt, %jit3A_1186, %sign3A_1198 : i32
    %sign3A_1200 = arith.extui %sign3A_1199 : i1 to i32
    %sign3A_1201 = arith.subi %sign3A_1197, %sign3A_1200 : i32
    %ne3A_1202 = arith.cmpi ne, %sign3A_1194, %sign3A_1201 : i32
    %rem3A_1203 = arith.remsi %add3A_1185, %jit3A_1186 : i32
    %ne3A_1204 = arith.constant 0 : i32
    %ne3A_1205 = arith.cmpi ne, %rem3A_1203, %ne3A_1204 : i32
    %and3A_1206 = arith.andi %ne3A_1202, %ne3A_1205 : i1
    %sub3A_1207 = arith.constant 1 : i32
    %sub3A_1208 = arith.subi %div3A_1187, %sub3A_1207 : i32
    %select_n3A_1209 = arith.select %and3A_1206, %sub3A_1208, %div3A_1187 : i32
    %jit3A_1210 = arith.constant 32 : i32
    %eq3A_1211 = arith.constant 0 : i32
    %eq3A_1212 = arith.cmpi eq, %jit3A_1210, %eq3A_1211 : i32
    %jit3A_1213 = arith.constant 1 : i32
    %select_n3A_1214 = arith.select %eq3A_1212, %jit3A_1213, %jit3A_1210 : i32
    %rem3A_1215 = arith.remsi %add3A_1185, %select_n3A_1214 : i32
    %ne3A_1216 = arith.constant 0 : i32
    %ne3A_1217 = arith.cmpi ne, %rem3A_1215, %ne3A_1216 : i32
    %lt3A_1218 = arith.constant 0 : i32
    %lt3A_1219 = arith.cmpi slt, %rem3A_1215, %lt3A_1218 : i32
    %lt3A_1220 = arith.constant 0 : i32
    %lt3A_1221 = arith.cmpi slt, %select_n3A_1214, %lt3A_1220 : i32
    %ne3A_1222 = arith.xori %lt3A_1219, %lt3A_1221 : i1
    %and3A_1223 = arith.andi %ne3A_1222, %ne3A_1217 : i1
    %add3A_1224 = arith.addi %rem3A_1215, %select_n3A_1214 : i32
    %select_n3A_1225 = arith.select %and3A_1223, %add3A_1224, %rem3A_1215 : i32
    %mul3A_1226 = arith.constant 128 : i32
    %mul3A_1227 = arith.muli %select_n3A_1225, %mul3A_1226 : i32
    %dma_start3A_1228 = arith.constant 0 : i32
    %dma_start3A_1229 = tpu.memref_slice %arg4[%select_n3A_1209, %mul3A_1227, %dma_start3A_1228] : memref<50x4096x64xf32, #tpu.memory_space<hbm>> -> memref<1x128x64xf32, #tpu.memory_space<hbm>>
    %dma_start3A_1230 = tpu.memref_squeeze %dma_start3A_1229 : memref<1x128x64xf32, #tpu.memory_space<hbm>> -> memref<128x64xf32, #tpu.memory_space<hbm>>
    %dma_start3A_1231 = arith.constant 0 : i32
    %dma_start3A_1232 = tpu.memref_slice %arg4[%select_n3A_1209, %mul3A_1227, %dma_start3A_1231] : memref<50x4096x64xf32, #tpu.memory_space<hbm>> -> memref<1x128x64xf32, #tpu.memory_space<hbm>>
    %dma_start3A_1233 = tpu.memref_squeeze %dma_start3A_1232 : memref<1x128x64xf32, #tpu.memory_space<hbm>> -> memref<128x64xf32, #tpu.memory_space<hbm>>
    tpu.enqueue_dma source(%arg12 : memref<128x64xf32, #tpu.memory_space<vmem>>) target(%dma_start3A_1233 : memref<128x64xf32, #tpu.memory_space<hbm>>) target_semaphore(%arg32 : memref<!tpu.dma_semaphore, #tpu.memory_space<semaphore_mem>>)
    %dma_wait3A_1234 = arith.constant 0 : i32
    %dma_wait3A_1235 = arith.constant 0 : i32
    %dma_wait3A_1236 = tpu.memref_slice %arg13[%dma_wait3A_1234, %dma_wait3A_1235] : memref<128x64xf32, #tpu.memory_space<vmem>> -> memref<128x64xf32, #tpu.memory_space<vmem>>
    %dma_wait3A_1237 = arith.constant 0 : i32
    %dma_wait3A_1238 = tpu.memref_slice %arg5[%dma_wait3A_1237] : memref<6400xi32, #tpu.memory_space<vmem>> -> memref<128xi32, #tpu.memory_space<vmem>>
    %dma_wait3A_1239 = arith.constant 0 : i32
    %dma_wait3A_1240 = arith.constant 0 : i32
    %dma_wait3A_1241 = tpu.memref_slice %arg2[%dma_wait3A_1239, %dma_wait3A_1240] : memref<100000x64xf32, #tpu.memory_space<hbm>> -> memref<100000x64xf32, #tpu.memory_space<hbm>>
    tpu.wait_indirect_dma semaphore(%arg23 : memref<!tpu.dma_semaphore, #tpu.memory_space<semaphore_mem>>) src(%dma_wait3A_1241 : memref<100000x64xf32, #tpu.memory_space<hbm>>) dst(%dma_wait3A_1236 : memref<128x64xf32, #tpu.memory_space<vmem>>)
    %add3A_1242 = arith.constant 47 : i32
    %add3A_1243 = arith.addi %mul3A_4, %add3A_1242 : i32
    %jit3A_1244 = arith.constant 32 : i32
    %div3A_1245 = arith.divsi %add3A_1243, %jit3A_1244 : i32
    %sign3A_1246 = arith.constant 0 : i32
    %sign3A_1247 = arith.cmpi sgt, %add3A_1243, %sign3A_1246 : i32
    %sign3A_1248 = arith.extui %sign3A_1247 : i1 to i32
    %sign3A_1249 = arith.constant 0 : i32
    %sign3A_1250 = arith.cmpi slt, %add3A_1243, %sign3A_1249 : i32
    %sign3A_1251 = arith.extui %sign3A_1250 : i1 to i32
    %sign3A_1252 = arith.subi %sign3A_1248, %sign3A_1251 : i32
    %sign3A_1253 = arith.constant 0 : i32
    %sign3A_1254 = arith.cmpi sgt, %jit3A_1244, %sign3A_1253 : i32
    %sign3A_1255 = arith.extui %sign3A_1254 : i1 to i32
    %sign3A_1256 = arith.constant 0 : i32
    %sign3A_1257 = arith.cmpi slt, %jit3A_1244, %sign3A_1256 : i32
    %sign3A_1258 = arith.extui %sign3A_1257 : i1 to i32
    %sign3A_1259 = arith.subi %sign3A_1255, %sign3A_1258 : i32
    %ne3A_1260 = arith.cmpi ne, %sign3A_1252, %sign3A_1259 : i32
    %rem3A_1261 = arith.remsi %add3A_1243, %jit3A_1244 : i32
    %ne3A_1262 = arith.constant 0 : i32
    %ne3A_1263 = arith.cmpi ne, %rem3A_1261, %ne3A_1262 : i32
    %and3A_1264 = arith.andi %ne3A_1260, %ne3A_1263 : i1
    %sub3A_1265 = arith.constant 1 : i32
    %sub3A_1266 = arith.subi %div3A_1245, %sub3A_1265 : i32
    %select_n3A_1267 = arith.select %and3A_1264, %sub3A_1266, %div3A_1245 : i32
    %jit3A_1268 = arith.constant 32 : i32
    %eq3A_1269 = arith.constant 0 : i32
    %eq3A_1270 = arith.cmpi eq, %jit3A_1268, %eq3A_1269 : i32
    %jit3A_1271 = arith.constant 1 : i32
    %select_n3A_1272 = arith.select %eq3A_1270, %jit3A_1271, %jit3A_1268 : i32
    %rem3A_1273 = arith.remsi %add3A_1243, %select_n3A_1272 : i32
    %ne3A_1274 = arith.constant 0 : i32
    %ne3A_1275 = arith.cmpi ne, %rem3A_1273, %ne3A_1274 : i32
    %lt3A_1276 = arith.constant 0 : i32
    %lt3A_1277 = arith.cmpi slt, %rem3A_1273, %lt3A_1276 : i32
    %lt3A_1278 = arith.constant 0 : i32
    %lt3A_1279 = arith.cmpi slt, %select_n3A_1272, %lt3A_1278 : i32
    %ne3A_1280 = arith.xori %lt3A_1277, %lt3A_1279 : i1
    %and3A_1281 = arith.andi %ne3A_1280, %ne3A_1275 : i1
    %add3A_1282 = arith.addi %rem3A_1273, %select_n3A_1272 : i32
    %select_n3A_1283 = arith.select %and3A_1281, %add3A_1282, %rem3A_1273 : i32
    %mul3A_1284 = arith.constant 128 : i32
    %mul3A_1285 = arith.muli %select_n3A_1283, %mul3A_1284 : i32
    %dma_start3A_1286 = arith.constant 0 : i32
    %dma_start3A_1287 = tpu.memref_slice %arg4[%select_n3A_1267, %mul3A_1285, %dma_start3A_1286] : memref<50x4096x64xf32, #tpu.memory_space<hbm>> -> memref<1x128x64xf32, #tpu.memory_space<hbm>>
    %dma_start3A_1288 = tpu.memref_squeeze %dma_start3A_1287 : memref<1x128x64xf32, #tpu.memory_space<hbm>> -> memref<128x64xf32, #tpu.memory_space<hbm>>
    %dma_start3A_1289 = arith.constant 0 : i32
    %dma_start3A_1290 = tpu.memref_slice %arg4[%select_n3A_1267, %mul3A_1285, %dma_start3A_1289] : memref<50x4096x64xf32, #tpu.memory_space<hbm>> -> memref<1x128x64xf32, #tpu.memory_space<hbm>>
    %dma_start3A_1291 = tpu.memref_squeeze %dma_start3A_1290 : memref<1x128x64xf32, #tpu.memory_space<hbm>> -> memref<128x64xf32, #tpu.memory_space<hbm>>
    tpu.enqueue_dma source(%arg13 : memref<128x64xf32, #tpu.memory_space<vmem>>) target(%dma_start3A_1291 : memref<128x64xf32, #tpu.memory_space<hbm>>) target_semaphore(%arg33 : memref<!tpu.dma_semaphore, #tpu.memory_space<semaphore_mem>>)
    %dma_wait3A_1292 = arith.constant 0 : i32
    %dma_wait3A_1293 = arith.constant 0 : i32
    %dma_wait3A_1294 = tpu.memref_slice %arg14[%dma_wait3A_1292, %dma_wait3A_1293] : memref<128x64xf32, #tpu.memory_space<vmem>> -> memref<128x64xf32, #tpu.memory_space<vmem>>
    %dma_wait3A_1295 = arith.constant 0 : i32
    %dma_wait3A_1296 = tpu.memref_slice %arg5[%dma_wait3A_1295] : memref<6400xi32, #tpu.memory_space<vmem>> -> memref<128xi32, #tpu.memory_space<vmem>>
    %dma_wait3A_1297 = arith.constant 0 : i32
    %dma_wait3A_1298 = arith.constant 0 : i32
    %dma_wait3A_1299 = tpu.memref_slice %arg2[%dma_wait3A_1297, %dma_wait3A_1298] : memref<100000x64xf32, #tpu.memory_space<hbm>> -> memref<100000x64xf32, #tpu.memory_space<hbm>>
    tpu.wait_indirect_dma semaphore(%arg24 : memref<!tpu.dma_semaphore, #tpu.memory_space<semaphore_mem>>) src(%dma_wait3A_1299 : memref<100000x64xf32, #tpu.memory_space<hbm>>) dst(%dma_wait3A_1294 : memref<128x64xf32, #tpu.memory_space<vmem>>)
    %add3A_1300 = arith.constant 48 : i32
    %add3A_1301 = arith.addi %mul3A_4, %add3A_1300 : i32
    %jit3A_1302 = arith.constant 32 : i32
    %div3A_1303 = arith.divsi %add3A_1301, %jit3A_1302 : i32
    %sign3A_1304 = arith.constant 0 : i32
    %sign3A_1305 = arith.cmpi sgt, %add3A_1301, %sign3A_1304 : i32
    %sign3A_1306 = arith.extui %sign3A_1305 : i1 to i32
    %sign3A_1307 = arith.constant 0 : i32
    %sign3A_1308 = arith.cmpi slt, %add3A_1301, %sign3A_1307 : i32
    %sign3A_1309 = arith.extui %sign3A_1308 : i1 to i32
    %sign3A_1310 = arith.subi %sign3A_1306, %sign3A_1309 : i32
    %sign3A_1311 = arith.constant 0 : i32
    %sign3A_1312 = arith.cmpi sgt, %jit3A_1302, %sign3A_1311 : i32
    %sign3A_1313 = arith.extui %sign3A_1312 : i1 to i32
    %sign3A_1314 = arith.constant 0 : i32
    %sign3A_1315 = arith.cmpi slt, %jit3A_1302, %sign3A_1314 : i32
    %sign3A_1316 = arith.extui %sign3A_1315 : i1 to i32
    %sign3A_1317 = arith.subi %sign3A_1313, %sign3A_1316 : i32
    %ne3A_1318 = arith.cmpi ne, %sign3A_1310, %sign3A_1317 : i32
    %rem3A_1319 = arith.remsi %add3A_1301, %jit3A_1302 : i32
    %ne3A_1320 = arith.constant 0 : i32
    %ne3A_1321 = arith.cmpi ne, %rem3A_1319, %ne3A_1320 : i32
    %and3A_1322 = arith.andi %ne3A_1318, %ne3A_1321 : i1
    %sub3A_1323 = arith.constant 1 : i32
    %sub3A_1324 = arith.subi %div3A_1303, %sub3A_1323 : i32
    %select_n3A_1325 = arith.select %and3A_1322, %sub3A_1324, %div3A_1303 : i32
    %jit3A_1326 = arith.constant 32 : i32
    %eq3A_1327 = arith.constant 0 : i32
    %eq3A_1328 = arith.cmpi eq, %jit3A_1326, %eq3A_1327 : i32
    %jit3A_1329 = arith.constant 1 : i32
    %select_n3A_1330 = arith.select %eq3A_1328, %jit3A_1329, %jit3A_1326 : i32
    %rem3A_1331 = arith.remsi %add3A_1301, %select_n3A_1330 : i32
    %ne3A_1332 = arith.constant 0 : i32
    %ne3A_1333 = arith.cmpi ne, %rem3A_1331, %ne3A_1332 : i32
    %lt3A_1334 = arith.constant 0 : i32
    %lt3A_1335 = arith.cmpi slt, %rem3A_1331, %lt3A_1334 : i32
    %lt3A_1336 = arith.constant 0 : i32
    %lt3A_1337 = arith.cmpi slt, %select_n3A_1330, %lt3A_1336 : i32
    %ne3A_1338 = arith.xori %lt3A_1335, %lt3A_1337 : i1
    %and3A_1339 = arith.andi %ne3A_1338, %ne3A_1333 : i1
    %add3A_1340 = arith.addi %rem3A_1331, %select_n3A_1330 : i32
    %select_n3A_1341 = arith.select %and3A_1339, %add3A_1340, %rem3A_1331 : i32
    %mul3A_1342 = arith.constant 128 : i32
    %mul3A_1343 = arith.muli %select_n3A_1341, %mul3A_1342 : i32
    %dma_start3A_1344 = arith.constant 0 : i32
    %dma_start3A_1345 = tpu.memref_slice %arg4[%select_n3A_1325, %mul3A_1343, %dma_start3A_1344] : memref<50x4096x64xf32, #tpu.memory_space<hbm>> -> memref<1x128x64xf32, #tpu.memory_space<hbm>>
    %dma_start3A_1346 = tpu.memref_squeeze %dma_start3A_1345 : memref<1x128x64xf32, #tpu.memory_space<hbm>> -> memref<128x64xf32, #tpu.memory_space<hbm>>
    %dma_start3A_1347 = arith.constant 0 : i32
    %dma_start3A_1348 = tpu.memref_slice %arg4[%select_n3A_1325, %mul3A_1343, %dma_start3A_1347] : memref<50x4096x64xf32, #tpu.memory_space<hbm>> -> memref<1x128x64xf32, #tpu.memory_space<hbm>>
    %dma_start3A_1349 = tpu.memref_squeeze %dma_start3A_1348 : memref<1x128x64xf32, #tpu.memory_space<hbm>> -> memref<128x64xf32, #tpu.memory_space<hbm>>
    tpu.enqueue_dma source(%arg14 : memref<128x64xf32, #tpu.memory_space<vmem>>) target(%dma_start3A_1349 : memref<128x64xf32, #tpu.memory_space<hbm>>) target_semaphore(%arg34 : memref<!tpu.dma_semaphore, #tpu.memory_space<semaphore_mem>>)
    %dma_wait3A_1350 = arith.constant 0 : i32
    %dma_wait3A_1351 = arith.constant 0 : i32
    %dma_wait3A_1352 = tpu.memref_slice %arg15[%dma_wait3A_1350, %dma_wait3A_1351] : memref<128x64xf32, #tpu.memory_space<vmem>> -> memref<128x64xf32, #tpu.memory_space<vmem>>
    %dma_wait3A_1353 = arith.constant 0 : i32
    %dma_wait3A_1354 = tpu.memref_slice %arg5[%dma_wait3A_1353] : memref<6400xi32, #tpu.memory_space<vmem>> -> memref<128xi32, #tpu.memory_space<vmem>>
    %dma_wait3A_1355 = arith.constant 0 : i32
    %dma_wait3A_1356 = arith.constant 0 : i32
    %dma_wait3A_1357 = tpu.memref_slice %arg2[%dma_wait3A_1355, %dma_wait3A_1356] : memref<100000x64xf32, #tpu.memory_space<hbm>> -> memref<100000x64xf32, #tpu.memory_space<hbm>>
    tpu.wait_indirect_dma semaphore(%arg25 : memref<!tpu.dma_semaphore, #tpu.memory_space<semaphore_mem>>) src(%dma_wait3A_1357 : memref<100000x64xf32, #tpu.memory_space<hbm>>) dst(%dma_wait3A_1352 : memref<128x64xf32, #tpu.memory_space<vmem>>)
    %add3A_1358 = arith.constant 49 : i32
    %add3A_1359 = arith.addi %mul3A_4, %add3A_1358 : i32
    %jit3A_1360 = arith.constant 32 : i32
    %div3A_1361 = arith.divsi %add3A_1359, %jit3A_1360 : i32
    %sign3A_1362 = arith.constant 0 : i32
    %sign3A_1363 = arith.cmpi sgt, %add3A_1359, %sign3A_1362 : i32
    %sign3A_1364 = arith.extui %sign3A_1363 : i1 to i32
    %sign3A_1365 = arith.constant 0 : i32
    %sign3A_1366 = arith.cmpi slt, %add3A_1359, %sign3A_1365 : i32
    %sign3A_1367 = arith.extui %sign3A_1366 : i1 to i32
    %sign3A_1368 = arith.subi %sign3A_1364, %sign3A_1367 : i32
    %sign3A_1369 = arith.constant 0 : i32
    %sign3A_1370 = arith.cmpi sgt, %jit3A_1360, %sign3A_1369 : i32
    %sign3A_1371 = arith.extui %sign3A_1370 : i1 to i32
    %sign3A_1372 = arith.constant 0 : i32
    %sign3A_1373 = arith.cmpi slt, %jit3A_1360, %sign3A_1372 : i32
    %sign3A_1374 = arith.extui %sign3A_1373 : i1 to i32
    %sign3A_1375 = arith.subi %sign3A_1371, %sign3A_1374 : i32
    %ne3A_1376 = arith.cmpi ne, %sign3A_1368, %sign3A_1375 : i32
    %rem3A_1377 = arith.remsi %add3A_1359, %jit3A_1360 : i32
    %ne3A_1378 = arith.constant 0 : i32
    %ne3A_1379 = arith.cmpi ne, %rem3A_1377, %ne3A_1378 : i32
    %and3A_1380 = arith.andi %ne3A_1376, %ne3A_1379 : i1
    %sub3A_1381 = arith.constant 1 : i32
    %sub3A_1382 = arith.subi %div3A_1361, %sub3A_1381 : i32
    %select_n3A_1383 = arith.select %and3A_1380, %sub3A_1382, %div3A_1361 : i32
    %jit3A_1384 = arith.constant 32 : i32
    %eq3A_1385 = arith.constant 0 : i32
    %eq3A_1386 = arith.cmpi eq, %jit3A_1384, %eq3A_1385 : i32
    %jit3A_1387 = arith.constant 1 : i32
    %select_n3A_1388 = arith.select %eq3A_1386, %jit3A_1387, %jit3A_1384 : i32
    %rem3A_1389 = arith.remsi %add3A_1359, %select_n3A_1388 : i32
    %ne3A_1390 = arith.constant 0 : i32
    %ne3A_1391 = arith.cmpi ne, %rem3A_1389, %ne3A_1390 : i32
    %lt3A_1392 = arith.constant 0 : i32
    %lt3A_1393 = arith.cmpi slt, %rem3A_1389, %lt3A_1392 : i32
    %lt3A_1394 = arith.constant 0 : i32
    %lt3A_1395 = arith.cmpi slt, %select_n3A_1388, %lt3A_1394 : i32
    %ne3A_1396 = arith.xori %lt3A_1393, %lt3A_1395 : i1
    %and3A_1397 = arith.andi %ne3A_1396, %ne3A_1391 : i1
    %add3A_1398 = arith.addi %rem3A_1389, %select_n3A_1388 : i32
    %select_n3A_1399 = arith.select %and3A_1397, %add3A_1398, %rem3A_1389 : i32
    %mul3A_1400 = arith.constant 128 : i32
    %mul3A_1401 = arith.muli %select_n3A_1399, %mul3A_1400 : i32
    %dma_start3A_1402 = arith.constant 0 : i32
    %dma_start3A_1403 = tpu.memref_slice %arg4[%select_n3A_1383, %mul3A_1401, %dma_start3A_1402] : memref<50x4096x64xf32, #tpu.memory_space<hbm>> -> memref<1x128x64xf32, #tpu.memory_space<hbm>>
    %dma_start3A_1404 = tpu.memref_squeeze %dma_start3A_1403 : memref<1x128x64xf32, #tpu.memory_space<hbm>> -> memref<128x64xf32, #tpu.memory_space<hbm>>
    %dma_start3A_1405 = arith.constant 0 : i32
    %dma_start3A_1406 = tpu.memref_slice %arg4[%select_n3A_1383, %mul3A_1401, %dma_start3A_1405] : memref<50x4096x64xf32, #tpu.memory_space<hbm>> -> memref<1x128x64xf32, #tpu.memory_space<hbm>>
    %dma_start3A_1407 = tpu.memref_squeeze %dma_start3A_1406 : memref<1x128x64xf32, #tpu.memory_space<hbm>> -> memref<128x64xf32, #tpu.memory_space<hbm>>
    tpu.enqueue_dma source(%arg15 : memref<128x64xf32, #tpu.memory_space<vmem>>) target(%dma_start3A_1407 : memref<128x64xf32, #tpu.memory_space<hbm>>) target_semaphore(%arg35 : memref<!tpu.dma_semaphore, #tpu.memory_space<semaphore_mem>>)
    %dma_wait3A_1408 = arith.constant 0 : i32
    %dma_wait3A_1409 = arith.constant 0 : i32
    %dma_wait3A_1410 = arith.constant 0 : i32
    %dma_wait3A_1411 = tpu.memref_slice %arg4[%dma_wait3A_1408, %dma_wait3A_1409, %dma_wait3A_1410] : memref<50x4096x64xf32, #tpu.memory_space<hbm>> -> memref<1x128x64xf32, #tpu.memory_space<hbm>>
    %dma_wait3A_1412 = tpu.memref_squeeze %dma_wait3A_1411 : memref<1x128x64xf32, #tpu.memory_space<hbm>> -> memref<128x64xf32, #tpu.memory_space<hbm>>
    %dma_wait3A_1413 = arith.constant 0 : i32
    %dma_wait3A_1414 = arith.constant 0 : i32
    %dma_wait3A_1415 = tpu.memref_slice %arg4[%dma_wait3A_1408, %dma_wait3A_1413, %dma_wait3A_1414] : memref<50x4096x64xf32, #tpu.memory_space<hbm>> -> memref<1x128x64xf32, #tpu.memory_space<hbm>>
    %dma_wait3A_1416 = tpu.memref_squeeze %dma_wait3A_1415 : memref<1x128x64xf32, #tpu.memory_space<hbm>> -> memref<128x64xf32, #tpu.memory_space<hbm>>
    tpu.wait_dma2 semaphore(%arg26 : memref<!tpu.dma_semaphore, #tpu.memory_space<semaphore_mem>>) src(%arg6 : memref<128x64xf32, #tpu.memory_space<vmem>>) dst(%dma_wait3A_1416 : memref<128x64xf32, #tpu.memory_space<hbm>>)
    %dma_wait3A_1417 = arith.constant 0 : i32
    %dma_wait3A_1418 = arith.constant 0 : i32
    %dma_wait3A_1419 = arith.constant 0 : i32
    %dma_wait3A_1420 = tpu.memref_slice %arg4[%dma_wait3A_1417, %dma_wait3A_1418, %dma_wait3A_1419] : memref<50x4096x64xf32, #tpu.memory_space<hbm>> -> memref<1x128x64xf32, #tpu.memory_space<hbm>>
    %dma_wait3A_1421 = tpu.memref_squeeze %dma_wait3A_1420 : memref<1x128x64xf32, #tpu.memory_space<hbm>> -> memref<128x64xf32, #tpu.memory_space<hbm>>
    %dma_wait3A_1422 = arith.constant 0 : i32
    %dma_wait3A_1423 = arith.constant 0 : i32
    %dma_wait3A_1424 = tpu.memref_slice %arg4[%dma_wait3A_1417, %dma_wait3A_1422, %dma_wait3A_1423] : memref<50x4096x64xf32, #tpu.memory_space<hbm>> -> memref<1x128x64xf32, #tpu.memory_space<hbm>>
    %dma_wait3A_1425 = tpu.memref_squeeze %dma_wait3A_1424 : memref<1x128x64xf32, #tpu.memory_space<hbm>> -> memref<128x64xf32, #tpu.memory_space<hbm>>
    tpu.wait_dma2 semaphore(%arg27 : memref<!tpu.dma_semaphore, #tpu.memory_space<semaphore_mem>>) src(%arg7 : memref<128x64xf32, #tpu.memory_space<vmem>>) dst(%dma_wait3A_1425 : memref<128x64xf32, #tpu.memory_space<hbm>>)
    %dma_wait3A_1426 = arith.constant 0 : i32
    %dma_wait3A_1427 = arith.constant 0 : i32
    %dma_wait3A_1428 = arith.constant 0 : i32
    %dma_wait3A_1429 = tpu.memref_slice %arg4[%dma_wait3A_1426, %dma_wait3A_1427, %dma_wait3A_1428] : memref<50x4096x64xf32, #tpu.memory_space<hbm>> -> memref<1x128x64xf32, #tpu.memory_space<hbm>>
    %dma_wait3A_1430 = tpu.memref_squeeze %dma_wait3A_1429 : memref<1x128x64xf32, #tpu.memory_space<hbm>> -> memref<128x64xf32, #tpu.memory_space<hbm>>
    %dma_wait3A_1431 = arith.constant 0 : i32
    %dma_wait3A_1432 = arith.constant 0 : i32
    %dma_wait3A_1433 = tpu.memref_slice %arg4[%dma_wait3A_1426, %dma_wait3A_1431, %dma_wait3A_1432] : memref<50x4096x64xf32, #tpu.memory_space<hbm>> -> memref<1x128x64xf32, #tpu.memory_space<hbm>>
    %dma_wait3A_1434 = tpu.memref_squeeze %dma_wait3A_1433 : memref<1x128x64xf32, #tpu.memory_space<hbm>> -> memref<128x64xf32, #tpu.memory_space<hbm>>
    tpu.wait_dma2 semaphore(%arg28 : memref<!tpu.dma_semaphore, #tpu.memory_space<semaphore_mem>>) src(%arg8 : memref<128x64xf32, #tpu.memory_space<vmem>>) dst(%dma_wait3A_1434 : memref<128x64xf32, #tpu.memory_space<hbm>>)
    %dma_wait3A_1435 = arith.constant 0 : i32
    %dma_wait3A_1436 = arith.constant 0 : i32
    %dma_wait3A_1437 = arith.constant 0 : i32
    %dma_wait3A_1438 = tpu.memref_slice %arg4[%dma_wait3A_1435, %dma_wait3A_1436, %dma_wait3A_1437] : memref<50x4096x64xf32, #tpu.memory_space<hbm>> -> memref<1x128x64xf32, #tpu.memory_space<hbm>>
    %dma_wait3A_1439 = tpu.memref_squeeze %dma_wait3A_1438 : memref<1x128x64xf32, #tpu.memory_space<hbm>> -> memref<128x64xf32, #tpu.memory_space<hbm>>
    %dma_wait3A_1440 = arith.constant 0 : i32
    %dma_wait3A_1441 = arith.constant 0 : i32
    %dma_wait3A_1442 = tpu.memref_slice %arg4[%dma_wait3A_1435, %dma_wait3A_1440, %dma_wait3A_1441] : memref<50x4096x64xf32, #tpu.memory_space<hbm>> -> memref<1x128x64xf32, #tpu.memory_space<hbm>>
    %dma_wait3A_1443 = tpu.memref_squeeze %dma_wait3A_1442 : memref<1x128x64xf32, #tpu.memory_space<hbm>> -> memref<128x64xf32, #tpu.memory_space<hbm>>
    tpu.wait_dma2 semaphore(%arg29 : memref<!tpu.dma_semaphore, #tpu.memory_space<semaphore_mem>>) src(%arg9 : memref<128x64xf32, #tpu.memory_space<vmem>>) dst(%dma_wait3A_1443 : memref<128x64xf32, #tpu.memory_space<hbm>>)
    %dma_wait3A_1444 = arith.constant 0 : i32
    %dma_wait3A_1445 = arith.constant 0 : i32
    %dma_wait3A_1446 = arith.constant 0 : i32
    %dma_wait3A_1447 = tpu.memref_slice %arg4[%dma_wait3A_1444, %dma_wait3A_1445, %dma_wait3A_1446] : memref<50x4096x64xf32, #tpu.memory_space<hbm>> -> memref<1x128x64xf32, #tpu.memory_space<hbm>>
    %dma_wait3A_1448 = tpu.memref_squeeze %dma_wait3A_1447 : memref<1x128x64xf32, #tpu.memory_space<hbm>> -> memref<128x64xf32, #tpu.memory_space<hbm>>
    %dma_wait3A_1449 = arith.constant 0 : i32
    %dma_wait3A_1450 = arith.constant 0 : i32
    %dma_wait3A_1451 = tpu.memref_slice %arg4[%dma_wait3A_1444, %dma_wait3A_1449, %dma_wait3A_1450] : memref<50x4096x64xf32, #tpu.memory_space<hbm>> -> memref<1x128x64xf32, #tpu.memory_space<hbm>>
    %dma_wait3A_1452 = tpu.memref_squeeze %dma_wait3A_1451 : memref<1x128x64xf32, #tpu.memory_space<hbm>> -> memref<128x64xf32, #tpu.memory_space<hbm>>
    tpu.wait_dma2 semaphore(%arg30 : memref<!tpu.dma_semaphore, #tpu.memory_space<semaphore_mem>>) src(%arg10 : memref<128x64xf32, #tpu.memory_space<vmem>>) dst(%dma_wait3A_1452 : memref<128x64xf32, #tpu.memory_space<hbm>>)
    %dma_wait3A_1453 = arith.constant 0 : i32
    %dma_wait3A_1454 = arith.constant 0 : i32
    %dma_wait3A_1455 = arith.constant 0 : i32
    %dma_wait3A_1456 = tpu.memref_slice %arg4[%dma_wait3A_1453, %dma_wait3A_1454, %dma_wait3A_1455] : memref<50x4096x64xf32, #tpu.memory_space<hbm>> -> memref<1x128x64xf32, #tpu.memory_space<hbm>>
    %dma_wait3A_1457 = tpu.memref_squeeze %dma_wait3A_1456 : memref<1x128x64xf32, #tpu.memory_space<hbm>> -> memref<128x64xf32, #tpu.memory_space<hbm>>
    %dma_wait3A_1458 = arith.constant 0 : i32
    %dma_wait3A_1459 = arith.constant 0 : i32
    %dma_wait3A_1460 = tpu.memref_slice %arg4[%dma_wait3A_1453, %dma_wait3A_1458, %dma_wait3A_1459] : memref<50x4096x64xf32, #tpu.memory_space<hbm>> -> memref<1x128x64xf32, #tpu.memory_space<hbm>>
    %dma_wait3A_1461 = tpu.memref_squeeze %dma_wait3A_1460 : memref<1x128x64xf32, #tpu.memory_space<hbm>> -> memref<128x64xf32, #tpu.memory_space<hbm>>
    tpu.wait_dma2 semaphore(%arg31 : memref<!tpu.dma_semaphore, #tpu.memory_space<semaphore_mem>>) src(%arg11 : memref<128x64xf32, #tpu.memory_space<vmem>>) dst(%dma_wait3A_1461 : memref<128x64xf32, #tpu.memory_space<hbm>>)
    %dma_wait3A_1462 = arith.constant 0 : i32
    %dma_wait3A_1463 = arith.constant 0 : i32
    %dma_wait3A_1464 = arith.constant 0 : i32
    %dma_wait3A_1465 = tpu.memref_slice %arg4[%dma_wait3A_1462, %dma_wait3A_1463, %dma_wait3A_1464] : memref<50x4096x64xf32, #tpu.memory_space<hbm>> -> memref<1x128x64xf32, #tpu.memory_space<hbm>>
    %dma_wait3A_1466 = tpu.memref_squeeze %dma_wait3A_1465 : memref<1x128x64xf32, #tpu.memory_space<hbm>> -> memref<128x64xf32, #tpu.memory_space<hbm>>
    %dma_wait3A_1467 = arith.constant 0 : i32
    %dma_wait3A_1468 = arith.constant 0 : i32
    %dma_wait3A_1469 = tpu.memref_slice %arg4[%dma_wait3A_1462, %dma_wait3A_1467, %dma_wait3A_1468] : memref<50x4096x64xf32, #tpu.memory_space<hbm>> -> memref<1x128x64xf32, #tpu.memory_space<hbm>>
    %dma_wait3A_1470 = tpu.memref_squeeze %dma_wait3A_1469 : memref<1x128x64xf32, #tpu.memory_space<hbm>> -> memref<128x64xf32, #tpu.memory_space<hbm>>
    tpu.wait_dma2 semaphore(%arg32 : memref<!tpu.dma_semaphore, #tpu.memory_space<semaphore_mem>>) src(%arg12 : memref<128x64xf32, #tpu.memory_space<vmem>>) dst(%dma_wait3A_1470 : memref<128x64xf32, #tpu.memory_space<hbm>>)
    %dma_wait3A_1471 = arith.constant 0 : i32
    %dma_wait3A_1472 = arith.constant 0 : i32
    %dma_wait3A_1473 = arith.constant 0 : i32
    %dma_wait3A_1474 = tpu.memref_slice %arg4[%dma_wait3A_1471, %dma_wait3A_1472, %dma_wait3A_1473] : memref<50x4096x64xf32, #tpu.memory_space<hbm>> -> memref<1x128x64xf32, #tpu.memory_space<hbm>>
    %dma_wait3A_1475 = tpu.memref_squeeze %dma_wait3A_1474 : memref<1x128x64xf32, #tpu.memory_space<hbm>> -> memref<128x64xf32, #tpu.memory_space<hbm>>
    %dma_wait3A_1476 = arith.constant 0 : i32
    %dma_wait3A_1477 = arith.constant 0 : i32
    %dma_wait3A_1478 = tpu.memref_slice %arg4[%dma_wait3A_1471, %dma_wait3A_1476, %dma_wait3A_1477] : memref<50x4096x64xf32, #tpu.memory_space<hbm>> -> memref<1x128x64xf32, #tpu.memory_space<hbm>>
    %dma_wait3A_1479 = tpu.memref_squeeze %dma_wait3A_1478 : memref<1x128x64xf32, #tpu.memory_space<hbm>> -> memref<128x64xf32, #tpu.memory_space<hbm>>
    tpu.wait_dma2 semaphore(%arg33 : memref<!tpu.dma_semaphore, #tpu.memory_space<semaphore_mem>>) src(%arg13 : memref<128x64xf32, #tpu.memory_space<vmem>>) dst(%dma_wait3A_1479 : memref<128x64xf32, #tpu.memory_space<hbm>>)
    %dma_wait3A_1480 = arith.constant 0 : i32
    %dma_wait3A_1481 = arith.constant 0 : i32
    %dma_wait3A_1482 = arith.constant 0 : i32
    %dma_wait3A_1483 = tpu.memref_slice %arg4[%dma_wait3A_1480, %dma_wait3A_1481, %dma_wait3A_1482] : memref<50x4096x64xf32, #tpu.memory_space<hbm>> -> memref<1x128x64xf32, #tpu.memory_space<hbm>>
    %dma_wait3A_1484 = tpu.memref_squeeze %dma_wait3A_1483 : memref<1x128x64xf32, #tpu.memory_space<hbm>> -> memref<128x64xf32, #tpu.memory_space<hbm>>
    %dma_wait3A_1485 = arith.constant 0 : i32
    %dma_wait3A_1486 = arith.constant 0 : i32
    %dma_wait3A_1487 = tpu.memref_slice %arg4[%dma_wait3A_1480, %dma_wait3A_1485, %dma_wait3A_1486] : memref<50x4096x64xf32, #tpu.memory_space<hbm>> -> memref<1x128x64xf32, #tpu.memory_space<hbm>>
    %dma_wait3A_1488 = tpu.memref_squeeze %dma_wait3A_1487 : memref<1x128x64xf32, #tpu.memory_space<hbm>> -> memref<128x64xf32, #tpu.memory_space<hbm>>
    tpu.wait_dma2 semaphore(%arg34 : memref<!tpu.dma_semaphore, #tpu.memory_space<semaphore_mem>>) src(%arg14 : memref<128x64xf32, #tpu.memory_space<vmem>>) dst(%dma_wait3A_1488 : memref<128x64xf32, #tpu.memory_space<hbm>>)
    %dma_wait3A_1489 = arith.constant 0 : i32
    %dma_wait3A_1490 = arith.constant 0 : i32
    %dma_wait3A_1491 = arith.constant 0 : i32
    %dma_wait3A_1492 = tpu.memref_slice %arg4[%dma_wait3A_1489, %dma_wait3A_1490, %dma_wait3A_1491] : memref<50x4096x64xf32, #tpu.memory_space<hbm>> -> memref<1x128x64xf32, #tpu.memory_space<hbm>>
    %dma_wait3A_1493 = tpu.memref_squeeze %dma_wait3A_1492 : memref<1x128x64xf32, #tpu.memory_space<hbm>> -> memref<128x64xf32, #tpu.memory_space<hbm>>
    %dma_wait3A_1494 = arith.constant 0 : i32
    %dma_wait3A_1495 = arith.constant 0 : i32
    %dma_wait3A_1496 = tpu.memref_slice %arg4[%dma_wait3A_1489, %dma_wait3A_1494, %dma_wait3A_1495] : memref<50x4096x64xf32, #tpu.memory_space<hbm>> -> memref<1x128x64xf32, #tpu.memory_space<hbm>>
    %dma_wait3A_1497 = tpu.memref_squeeze %dma_wait3A_1496 : memref<1x128x64xf32, #tpu.memory_space<hbm>> -> memref<128x64xf32, #tpu.memory_space<hbm>>
    tpu.wait_dma2 semaphore(%arg35 : memref<!tpu.dma_semaphore, #tpu.memory_space<semaphore_mem>>) src(%arg15 : memref<128x64xf32, #tpu.memory_space<vmem>>) dst(%dma_wait3A_1497 : memref<128x64xf32, #tpu.memory_space<hbm>>)
    return
  }
}

module attributes {stable_mosaic.version = 14 : i64} {
  func.func @mk(%arg0: memref<50x4096xi32, #tpu.memory_space<vmem>>, %arg1: memref<50x4096xf32, #tpu.memory_space<vmem>>) attributes {dimension_semantics = [], scalar_prefetch = 0 : i64, scratch_operands = 0 : i64, tpu.core_type = #tpu.core_type<tc>} {
    %get3A = arith.constant 0 : index
    %get3A_0 = arith.constant 0 : index
    %get3A_1 = vector.load %arg0[%get3A, %get3A_0] : memref<50x4096xi32, #tpu.memory_space<vmem>>, vector<50x4096xi32>
    %eq3A = arith.constant 0 : i32
    %eq3A_2 = vector.broadcast %eq3A : i32 to vector<50x4096xi32>
    %eq3A_3 = arith.cmpi eq, %get3A_1, %eq3A_2 : vector<50x4096xi32>
    %convert_element_type3A = arith.extui %eq3A_3 : vector<50x4096xi1> to vector<50x4096xi32>
    %convert_element_type3A_4 = arith.sitofp %convert_element_type3A : vector<50x4096xi32> to vector<50x4096xf32>
    %swap3A = arith.constant 0 : index
    %swap3A_5 = arith.constant 0 : index
    %swap3A_6 = vector.load %arg1[%swap3A, %swap3A_5] : memref<50x4096xf32, #tpu.memory_space<vmem>>, vector<50x4096xf32>
    tpu.vector_store %arg1[%swap3A, %swap3A_5], %convert_element_type3A_4 {strides = array<i32>} : memref<50x4096xf32, #tpu.memory_space<vmem>>, vector<50x4096xf32>,
    return
  }
}

</mosaic_0001>

<sc_bundles>
// kernel: kernel.4.cloned.1.call-start
scs
__scs_entry_jumppad:
0x0: {  	(pc) =	sbr.rel $0x88, $3  }
0x1: {  	(tag) =	ssettag $0x0;
	lr =	simm.s32 $0x1  }
0x2: {  	[smem:$0x3F9F] =	sst lr;
	_ =	strace $0xD0000000  }
0x3: {  	_ = 	snop  }
0x4: {  	_ = 	snop  }
0x5: {  	_ = 	snop  }
0x6: {  	_ = 	snop  }
0x7: {  	_ = 	snop  }
__scs_overlays_trampoline_lowered:
0x8: {  	[smem:$0x3FAE] =	sst s0  }
0x9: {  	[smem:$0x3FAF] =	sst s1  }
0xa: {  	[smem:$0x3FB0] =	sst s2  }
0xb: {  	[smem:$0x3FB1] =	sst s3  }
0xc: {  	[smem:$0x3FB2] =	sst s4  }
0xd: {  	[smem:$0x3FB3] =	sst s5  }
0xe: {  	[smem:$0x3FB4] =	sst s6  }
0xf: {  	[smem:$0x3FB5] =	sst s7  }
0x10: {  	[smem:$0x3FB6] =	sst s8  }
0x11: {  	[smem:$0x3FB7] =	sst s9;
	s0 =	simm.s32 @!p0 $0x0  }
0x12: {  	s1 =	sld [smem:$0x3F9D];
	s0 =	simm.s32 @p0 $0x1  }
0x13: {  	[smem:$0x3FB8] =	sst s0;
	s0 =	simm.s32 @!p1 $0x0  }
0x14: {  	s2 =	sld [smem:$0x3F9C];
	s0 =	simm.s32 @p1 $0x1  }
0x15: {  	[smem:$0x3FB9] =	sst s0;
	s0 =	simm.s32 @!p2 $0x0  }
0x16: {  	s3 =	sld [smem:$0x3FDB];
	s0 =	simm.s32 @p2 $0x1  }
0x17: {  	s4 =	simm.s32 $0x1BF5;
	[smem:$0x3FBB] =	sst s0  }
0x18: {  	s0 =	sld [smem:$0x3F9E];
	_ =	swait.ge [sflag:s4], $0x0  }
0x19: {  	s7 =	sld [smem:$0x3F9F]  }
0x1a: {  	s8 =	sadd.s32 $0xFFFFE003, lr  }
0x1b: {  	s9 =	sadd.s32 $0xFFFFFEF7, lr;
	s5 =	simm.s32 $0xFFFFFFFF;
	p2 =	slt.u32 s8, $0xFFFFF086  }
0x1c: {  	p1 =	slt.u32 s9, $0xF7A;
	s5 =	simm.s32 @!p2 $0x0  }
0x1d: {  	s5 =	simm.s32 @p1 $0x1;
	p0 =	seq.s32 s7, s2  }
0x1e: {  	s7 =	smul.u32 @!p0 $0xF7A, s2;
	p2 =	seq.s32 @!p0 s5, $0x0  }
0x1f: {  	s9 =	smul.u32 $0xF7A, s1;
	s8 =	simm.s32 @!p0 $0x1BF5;
	p2 =	por !p2, p0  }
0x20: {  	[sflag:s8] =	ssyncset.s32 @!p0 $0xFFFFF086;
	s6 =	sadd.s32 @!p0 s3, s7;
	s7 =	simm.s32 @!p0 $0x108  }
0x21: {  	s3 =	sadd.s32 s3, s9;
	s6 =	sadd.s32 @!p0 $0x88, s6;
	s7 =	simm.s32 @p2 $0x1082  }
0x22: {  	[simem:s7], [sflag:s8] =	dma.local @!p0 [hbm:s6], $0xF7A  }
0x23: {  	s9 =	sor.u32 $0xD0000000, s2;
	s6 =	simm.s32 $0x108;
	_ =	swait.ge @!p0 [sflag:s8], $0x0  }
0x24: {  	s3 =	sadd.s32 $0x88, s3;
	s6 =	simm.s32 @!p1 $0x1082;
	[sflag:s4] =	ssyncset.s32 $0xFFFFF086  }
0x25: {  	[simem:s6], [sflag:s4] =	dma.local [hbm:s3], $0xF7A  }
0x26: {  	[smem:$0x3F9F] =	sst s1;
	(tag) =	ssettag s2;
	_ =	strace s9  }
0x27: {  	s1 =	sld [smem:$0x3FAF]  }
0x28: {  	s2 =	sld [smem:$0x3FB0]  }
0x29: {  	s4 =	sld [smem:$0x3FB2]  }
0x2a: {  	p0 =	seq.s32 s5, $0x0;
	s5 =	sld [smem:$0x3FB3]  }
0x2b: {  	s6 =	sld [smem:$0x3FB4]  }
0x2c: {  	s7 =	sld [smem:$0x3FB5]  }
0x2d: {  	s3 =	simm.s32 $0x108;
	s8 =	sld [smem:$0x3FB6]  }
0x2e: {  	s3 =	simm.s32 @!p0 $0x1082;
	s9 =	sld [smem:$0x3FB7]  }
0x2f: {  	lr =	sadd.s32 s0, s3;
	s0 =	sld [smem:$0x3FAE]  }
0x30: {  	s3 =	sld [smem:$0x3FB1]  }
0x31: {  	[smem:$0x3FBA] =	sst s10  }
0x32: {  	s10 =	sld [smem:$0x3FB8];
	_ =	sdelay $0x3  }
0x33: {  	p0 =	seq.s32 s10, $0x1;
	s10 =	sld [smem:$0x3FBA];
	_ =	sdelay $0x3  }
0x34: {  	[smem:$0x3FBA] =	sst s10  }
0x35: {  	s10 =	sld [smem:$0x3FB9];
	_ =	sdelay $0x3  }
0x36: {  	p1 =	seq.s32 s10, $0x1;
	s10 =	sld [smem:$0x3FBA];
	_ =	sdelay $0x3  }
0x37: {  	[smem:$0x3FBA] =	sst s10  }
0x38: {  	s10 =	sld [smem:$0x3FBB]  }
0x39: {  	_ = 	snop;
	(pc) =	sbr.ind lr, $3  }
0x3a: {  	_ = 	snop  }
0x3b: {  	_ = 	snop  }
0x3c: {  	p2 =	seq.s32 s10, $0x1;
	s10 =	sld [smem:$0x3FBA]  }
0x3d: {  	_ =	shalt  }
0x3e: {  	_ =	shalt  }
0x3f: {  	_ =	shalt  }
0x40: {  	_ =	shalt  }
0x41: {  	_ =	shalt  }
0x42: {  	_ =	shalt  }
0x43: {  	_ =	shalt  }
0x44: {  	_ =	shalt  }
0x45: {  	_ =	shalt  }
0x46: {  	_ =	shalt  }
0x47: {  	_ =	shalt  }
0x48: {  	_ =	shalt  }
0x49: {  	_ =	shalt  }
0x4a: {  	_ =	shalt  }
0x4b: {  	_ =	shalt  }
0x4c: {  	_ =	shalt  }
0x4d: {  	_ =	shalt  }
0x4e: {  	_ =	shalt  }
0x4f: {  	_ =	shalt  }
0x50: {  	_ =	shalt  }
0x51: {  	_ =	shalt  }
0x52: {  	_ =	shalt  }
0x53: {  	_ =	shalt  }
0x54: {  	_ =	shalt  }
0x55: {  	_ =	shalt  }
0x56: {  	_ =	shalt  }
0x57: {  	_ =	shalt  }
0x58: {  	_ =	shalt  }
0x59: {  	_ =	shalt  }
0x5a: {  	_ =	shalt  }
0x5b: {  	_ =	shalt  }
0x5c: {  	_ =	shalt  }
0x5d: {  	_ =	shalt  }
0x5e: {  	_ =	shalt  }
0x5f: {  	_ =	shalt  }
0x60: {  	_ =	shalt  }
0x61: {  	_ =	shalt  }
0x62: {  	_ =	shalt  }
0x63: {  	_ =	shalt  }
0x64: {  	_ =	shalt  }
0x65: {  	_ =	shalt  }
0x66: {  	_ =	shalt  }
0x67: {  	_ =	shalt  }
0x68: {  	_ =	shalt  }
0x69: {  	_ =	shalt  }
0x6a: {  	_ =	shalt  }
0x6b: {  	_ =	shalt  }
0x6c: {  	_ =	shalt  }
0x6d: {  	_ =	shalt  }
0x6e: {  	_ =	shalt  }
0x6f: {  	_ =	shalt  }
0x70: {  	_ =	shalt  }
0x71: {  	_ =	shalt  }
0x72: {  	_ =	shalt  }
0x73: {  	_ =	shalt  }
0x74: {  	_ =	shalt  }
0x75: {  	_ =	shalt  }
0x76: {  	_ =	shalt  }
0x77: {  	_ =	shalt  }
0x78: {  	_ =	shalt  }
0x79: {  	_ =	shalt  }
0x7a: {  	_ =	shalt  }
0x7b: {  	_ =	shalt  }
0x7c: {  	_ =	shalt  }
0x7d: {  	_ =	shalt  }
0x7e: {  	_ =	shalt  }
0x7f: {  	_ =	shalt  }
0x80: {  	_ =	shalt  }
0x81: {  	_ =	shalt  }
0x82: {  	_ =	shalt  }
0x83: {  	_ =	shalt  }
0x84: {  	_ =	shalt  }
0x85: {  	_ =	shalt  }
0x86: {  	_ =	shalt  }
0x87: {  	_ =	shalt  }
.Lfunc_end0:
.L_simem_size_0:
called_computation.1_lowered:
.L_overlay_start_0:
0x88: {  	s2 =	sld [smem:$0x3FD9]  }
0x89: {  	s3 =	sld [smem:$0x3FFE];
	_ =	sdelay $0x1  }
0x8a: {  	s1 =	srdreg.scid  }
0x8b: {  	s0 =	sand.u32 $0x1, s1  }
0x8c: {  	s14 =	sshll.u32 s0, $0xA;
	s2 =	sadd.s32 s3, s2  }
0x8d: {  	s2 =	sadd.s32 s2, s14  }
0x8e: {  	[smem:$0x3FC6] =	sst s2  }
0x8f: {  	_ = 	snop  }
0x90: {  	s2 =	sld [smem:$0x3FD0];
	_ =	sdelay $0x2  }
0x91: {  	s15 =	simm.s32 $0xA;
	s4 =	simm.s32 $0x10  }
0x92: {  	[smem:s4], [sflag:s15] =	dma.local [hbm:s2], $0x1  }
0x93: {  	_ =	swait.eq [sflag:s15], $0x1  }
0x94: {  	[sflag:s15] =	ssyncset.done $0x0  }
0x95: {  	s16 =	sld [smem:$0x10];
	[sflag:s15] =	ssyncadd.s32 $0xFFFFFFFF  }
0x96: {  	s17 =	sld [smem:$0x11];
	(tm) =	ssettm $0x1  }
0x97: {  	s18 =	sld [smem:$0x3FFB];
	_ =	sdelay $0x3  }
0x98: {  	_ =	strace s18  }
0x99: {  	s4 =	sld [smem:$0x3FFC];
	_ =	sdelay $0x3  }
0x9a: {  	_ =	strace s4  }
0x9b: {  	s4 =	sld [smem:$0x3FFD];
	_ =	sdelay $0x3  }
0x9c: {  	_ =	strace s4  }
0x9d: {  	_ =	strace $0x8FFFFFFF  }
0x9e: {  	s19 =	sld [smem:$0x3FDB];
	_ =	sdelay $0x1  }
0x9f: {  	s5 =	simm.s32 $_scs_section_size  }
0xa0: {  	s6 =	simm.s32 $_size__tile_overlayer_lowered;
	s7 =	simm.s32 $_tile_overlayer_lowered  }
0xa1: {  	s22 =	simm.s32 $0x1BFF;
	s21 =	sshll.u32 s7, $0x1;
	s4 =	sadd.s32 s5, s19  }
0xa2: {  	s8 =	simm.s32 $0x0;
	s20 =	sshll.u32 s6, $0x1;
	s6 =	sadd.s32 s21, s4  }
0xa3: {  	[timem:s8], [sflag:s22] =	dma.local [hbm:s6], s20  }
0xa4: {  	_ =	swait.ge [sflag:s22], s20  }
0xa5: {  	s5 =	ssub.s32 $0x0, s20;
	[sflag:s22] =	ssyncset.done $0x0  }
0xa6: {  	[sflag:s22] =	ssyncadd.s32 s5;
	_ =	sdelay $0x1  }
0xa7: {  	s23 =	simm.s32 $0x1B8B  }
0xa8: {  	_ =	swait.ge [sflag:s23], $0x1  }
0xa9: {  	[sflag:s23] =	ssyncset.done $0x0  }
0xaa: {  	s25 =	simm.s32 $0x1B8E;
	s24 =	sld [smem:$0x3FFE];
	[sflag:s23] =	ssyncadd.s32 $0xFFFFFFFF  }
0xab: {  	s26 =	simm.s32 $execute0_lowered;
	[smem:$0x3FD2] =	sst s25  }
0xac: {  	s6 =	sshll.u32 s26, $0x1;
	_ =	strace $0x80000046;
	[dreg:$0x1] =	wrdreg $0xFFFFFFFF  }
0xad: {  	s28 =	simm.s32 $_size_execute0_lowered;
	s4 =	sadd.s32 s4, s6;
	[dreg:$0x0] =	wrdreg $0x0  }
0xae: {  	s6 =	sshll.u32 s28, $0x1;
	[dreg:$0x2] =	wrdreg s4  }
0xaf: {  	[dreg:$0x3] =	wrdreg s6  }
0xb0: {  	[dreg:$0x4] =	wrdreg $0xC0  }
0xb1: {  	_ =	task [dreg:s8], $0x5FFFF  }
0xb2: {  	[dreg:$0x1] =	wrdreg $0xFFFFFFFF  }
0xb3: {  	[dreg:$0x0] =	wrdreg $0x60  }
0xb4: {  	[dreg:$0x2] =	wrdreg s24  }
0xb5: {  	[dreg:$0x3] =	wrdreg s17  }
0xb6: {  	[dreg:$0x4] =	wrdreg s16  }
0xb7: {  	[dreg:$0x5] =	wrdreg $0x9  }
0xb8: {  	_ =	task.clear_ibuf [dreg:s8], $0x6FFFF;
	_ =	strace $0x90000046  }
0xb9: {  	s29 =	simm.s32 $0x9;
	_ =	strace $0x80000048  }
0xba: {  	_ =	swait.ge [sflag:s29], $0x1  }
0xbb: {  	[sflag:s29] =	ssyncadd.s32 $0xFFFFFFFF  }
0xbc: {  	_ =	strace $0x90000048  }
0xbd: {  	_ =	sfence  }
0xbe: {  	s30 =	sld [smem:$0x0];
	_ =	sdelay $0x2  }
0xbf: {  	s31 =	sshll.u32 s1, $0xD;
	s1 =	sshrl.u32 s1, $0x2  }
0xc0: {  	s3 =	sand.u32 $0x4000, s31;
	s1 =	sadd.s32 s1, s30  }
0xc1: {  	s0 =	sor.u32 s3, s0;
	s1 =	sshll.u32 s1, $0x11  }
0xc2: {  	s0 =	sor.u32 s1, s0  }
0xc3: {  	s0 =	sadd.s32 $0x8F2B, s0  }
0xc4: {  	[sflag:s0] =	ssyncadd.remote.s32 $0x1  }
0xc5: {  	_ =	sfence.sel $0xFFFF  }
0xc6: {  	[dreg:$0x0] =	wrdreg $0xFFFFFFFF;
	(pc) =	sbr.abs _section_cstart, $3  }
0xc7: {  	[dreg:$0x1] =	wrdreg $0xFFFFFFFF  }
0xc8: {  	_ =	task.clear_ibuf [dreg:s8], $0x2FFFF;
	_ =	strace $0x9FFFFFFF  }
0xc9: {  	(tm) =	ssettm $0x7FFFFFFF  }
tec
execute0_lowered:
.L_overlay_start_1:
0x0: {  	(tag) =	ssettag $0x1  }
0x1: {  	s0 =	rddreg [dreg:$0x0]  }
0x2: {  	s1 =	srdreg.scid;
	s10 =	stileid.u32  }
0x3: {  	s1 =	sand.u32 $0x1, s1;
	s3 =	sshll.u32 s10, $0x1;
	s18 =	smul.u32 $0x64, s10  }
0x4: {  	s5 =	sor.u32 s1, s3;
	s7 =	ssub.s32 $0x2, s1;
	s1 =	smul.u32 $0x32, s1  }
0x5: {  	s2 =	rddreg [dreg:$0x1];
	s6 =	smul.u32 $0x64000, s5  }
0x6: {  	s11 =	rddreg [dreg:$0x2];
	s3 =	simm.s32 $0x0;
	s8 =	smul.u32 $0x24000, s5  }
0x7: {  	[smem:$0x7FF] =	sst s3;
	s5 =	smul.u32 $0x320, s5  }
0x8: {  	s4 =	sadd.s32 $0xC00, s0;
	s16 =	sshrl.u32 s7, $0x1;
	_ =	strace $0x80000047  }
0x9: {  	s0 =	ssub.s32 s7, s16;
	s1 =	sadd.s32 s1, s18;
	s2 =	sadd.s32 s2, s5  }
0xa: {  	s1 =	sshll.u32 s1, $0xA;
	s0 =	smax.u32 s0, $0x1;
	[dreg:$0xe] =	wrdreg s2  }
0xb: {  	s9 =	sand.u32 $0xFC0000, s6;
	s25 =	sadd.s32 $0x4400, s1;
	[smem:$0x7FC] =	sst s0  }
0xc: {  	s8 =	sand.u32 $0x3C000, s8;
	s26 =	sadd.s32 $0x4000, s1;
	[dreg:$0x4] =	wrdreg s25  }
0xd: {  	s17 =	sor.u32 s8, s9;
	s9 =	sadd.s32 $0x3C00, s1;
	[dreg:$0x5] =	wrdreg s26  }
0xe: {  	s6 =	sshrl.u32 s6, $0x3;
	s13 =	sadd.s32 $0x3400, s1;
	[dreg:$0x6] =	wrdreg s9  }
0xf: {  	s2 =	sadd.s32 s11, s6;
	s15 =	sadd.s32 $0x3000, s1;
	[dreg:$0x8] =	wrdreg s13  }
0x10: {  	s19 =	sadd.s32 $0x800, s2;
	[dreg:$0x9] =	wrdreg s15  }
0x11: {  	s20 =	sadd.s32 $0xC00, s2;
	[dreg:$0x10] =	wrdreg s19  }
0x12: {  	s21 =	sadd.s32 $0x1000, s2;
	[dreg:$0x11] =	wrdreg s20  }
0x13: {  	s22 =	sadd.s32 $0x1400, s2;
	[dreg:$0x12] =	wrdreg s21  }
0x14: {  	s23 =	sadd.s32 $0x1800, s2;
	[dreg:$0x13] =	wrdreg s22  }
0x15: {  	s24 =	sadd.s32 $0x1C00, s2;
	[dreg:$0x14] =	wrdreg s23  }
0x16: {  	s6 =	sadd.s32 $0x2000, s2;
	[dreg:$0x15] =	wrdreg s24  }
0x17: {  	s8 =	sadd.s32 $0x2400, s2;
	[dreg:$0x16] =	wrdreg s6  }
0x18: {  	s10 =	sadd.s32 $0xA000, s2;
	[dreg:$0x17] =	wrdreg s8  }
0x19: {  	s12 =	sadd.s32 $0xA400, s2;
	[dreg:$0x18] =	wrdreg s10  }
0x1a: {  	s14 =	sadd.s32 $0xA800, s2;
	[dreg:$0x19] =	wrdreg s12  }
0x1b: {  	s16 =	sadd.s32 $0xAC00, s2;
	[dreg:$0x1a] =	wrdreg s14  }
0x1c: {  	s18 =	sadd.s32 $0xB000, s2;
	[dreg:$0x1b] =	wrdreg s16  }
0x1d: {  	s7 =	sshrl.u32 s17, $0x3;
	s17 =	sadd.s32 $0x2C00, s1;
	[dreg:$0x1c] =	wrdreg s18  }
0x1e: {  	s25 =	sadd.s32 $0xC400, s2;
	[dreg:$0xa] =	wrdreg s17  }
0x1f: {  	s7 =	sadd.s32 s11, s7;
	s11 =	sadd.s32 $0x3800, s1;
	[smem:$0x7FB] =	sst s25  }
0x20: {  	s20 =	sadd.s32 $0xB400, s2;
	[dreg:$0x7] =	wrdreg s11  }
0x21: {  	s19 =	sadd.s32 $0x4C00, s1;
	[dreg:$0x1d] =	wrdreg s20  }
0x22: {  	s29 =	simm.s32 $0x80;
	s22 =	sadd.s32 $0xB800, s2;
	[dreg:$0xb] =	wrdreg s19  }
0x23: {  	s28 =	simm.s32 $0x12;
	s21 =	sadd.s32 $0x2800, s1;
	[dreg:$0x1e] =	wrdreg s22  }
0x24: {  	s30 =	simm.s32 $0x13;
	s23 =	sadd.s32 $0xBC00, s2;
	[dreg:$0xc] =	wrdreg s21  }
0x25: {  	s31 =	simm.s32 $0x14;
	s1 =	sadd.s32 $0x4800, s1;
	[dreg:$0x1f] =	wrdreg s23  }
0x26: {  	s24 =	sadd.s32 $0xC000, s2;
	s17 =	simm.s32 $0xD;
	[dreg:$0xd] =	wrdreg s1  }
0x27: {  	s18 =	simm.s32 $0x5;
	s25 =	simm.s32 $0x11;
	[smem:$0x7FA] =	sst s24  }
0x28: {  	s2 =	simm.s32 $0xA;
	[dreg:$0xf] =	wrdreg s7;
	s26 =	sadd.s32 $0x400, s7  }
0x29: {  	s19 =	simm.s32 $0xE;
	s20 =	simm.s32 $0x6;
	s21 =	simm.s32 $0xF  }
0x2a: {  	s22 =	simm.s32 $0x7;
	s23 =	simm.s32 $0x10;
	s24 =	simm.s32 $0x8  }
0x2b: {  	s1 =	simm.s32 $0x0;
	[smem:$0x7FD] =	sst s26;
	s26 =	simm.s32 $0x9  }
.LBB2_1:
0x2c: {  	[smem:$0x7F9] =	sst s1  }
0x2d: {  	s0 =	rddreg [dreg:$0xe];
	s6 =	simm.s32 $0x15  }
0x2e: {  	[tilespmem:s3], [sflag:$0x15] =	stream.linear.gather [hbm4b:s0+s3], $0x1900, $0x38;
	[tilespmem:$0x15900] =	vst v63  }
0x2f: {  	_ =	swait.ge [sflag:s6], $0x1900  }
0x30: {  	[sflag:s6] =	ssyncset.done $0x0  }
0x31: {  	s9 =	simm.s32 $0x1900;
	[sflag:s6] =	ssyncadd.s32 $0xFFFFE700  }
0x32: {  	[tilespmem:s9], [sflag:$0x1] =	stream.indirect.gather [hbm4b:s4+s29], $0x40, s3, s29, $0xb8;
	[tilespmem:$0x15900] =	vst v63  }
0x33: {  	s10 =	simm.s32 $0x3900  }
0x34: {  	[tilespmem:s10], [sflag:$0x2] =	stream.indirect.gather [hbm4b:s4+s29], $0x40, s29, s29, $0xb8;
	[tilespmem:$0x15900] =	vst v63  }
0x35: {  	s7 =	simm.s32 $0x100;
	s11 =	simm.s32 $0x5900  }
0x36: {  	[tilespmem:s11], [sflag:$0x3] =	stream.indirect.gather [hbm4b:s4+s29], $0x40, s7, s29, $0xb8;
	[tilespmem:$0x15900] =	vst v63  }
0x37: {  	s8 =	simm.s32 $0x180;
	s12 =	simm.s32 $0x7900  }
0x38: {  	[tilespmem:s12], [sflag:$0x4] =	stream.indirect.gather [hbm4b:s4+s29], $0x40, s8, s29, $0xb8;
	[tilespmem:$0x15900] =	vst v63  }
0x39: {  	s13 =	simm.s32 $0x200;
	s14 =	simm.s32 $0x9900  }
0x3a: {  	[tilespmem:s14], [sflag:$0x5] =	stream.indirect.gather [hbm4b:s4+s29], $0x40, s13, s29, $0xb8;
	[tilespmem:$0x15900] =	vst v63  }
0x3b: {  	s15 =	simm.s32 $0x280;
	s16 =	simm.s32 $0xB900  }
0x3c: {  	[tilespmem:s16], [sflag:$0x6] =	stream.indirect.gather [hbm4b:s4+s29], $0x40, s15, s29, $0xb8;
	[tilespmem:$0x15900] =	vst v63  }
0x3d: {  	s1 =	simm.s32 $0x300;
	s5 =	simm.s32 $0xD900  }
0x3e: {  	[tilespmem:s5], [sflag:$0x7] =	stream.indirect.gather [hbm4b:s4+s29], $0x40, s1, s29, $0xb8;
	[tilespmem:$0x15900] =	vst v63  }
0x3f: {  	s6 =	simm.s32 $0x380;
	s7 =	simm.s32 $0xF900  }
0x40: {  	[tilespmem:s7], [sflag:$0x8] =	stream.indirect.gather [hbm4b:s4+s29], $0x40, s6, s29, $0xb8;
	[tilespmem:$0x15900] =	vst v63  }
0x41: {  	s8 =	simm.s32 $0x400;
	s14 =	simm.s32 $0x11900;
	s7 =	simm.s32 $0x1  }
0x42: {  	[tilespmem:s14], [sflag:$0x9] =	stream.indirect.gather [hbm4b:s4+s29], $0x40, s8, s29, $0xb8;
	[tilespmem:$0x15900] =	vst v63  }
0x43: {  	_ =	swait.ge [sflag:s7], $0x2000  }
0x44: {  	[sflag:s7] =	ssyncset.done $0x0  }
0x45: {  	s15 =	rddreg [dreg:$0xf];
	[sflag:s7] =	ssyncadd.s32 $0xFFFFE000  }
0x46: {  	[hbm4b:s15+s3] =	stream.linear.scatter [tilespmem:s9], [sflag:$0xB], $0x2000, $0x38;
	[tilespmem:$0x15900] =	vst v63  }
0x47: {  	s16 =	simm.s32 $0x480;
	s14 =	simm.s32 $0x13900;
	s15 =	simm.s32 $0x2  }
0x48: {  	[tilespmem:s14], [sflag:$0xA] =	stream.indirect.gather [hbm4b:s4+s29], $0x40, s16, s29, $0xb8;
	[tilespmem:$0x15900] =	vst v63  }
0x49: {  	_ =	swait.ge [sflag:s15], $0x2000  }
0x4a: {  	s1 =	sld [smem:$0x7FD]  }
0x4b: {  	[sflag:s15] =	ssyncset.done $0x0  }
0x4c: {  	s16 =	simm.s32 $0xB;
	[sflag:s15] =	ssyncadd.s32 $0xFFFFE000  }
0x4d: {  	[hbm4b:s1+s3] =	stream.linear.scatter [tilespmem:s10], [sflag:$0xC], $0x2000, $0x38;
	[tilespmem:$0x15900] =	vst v63  }
0x4e: {  	_ =	swait.ge [sflag:s16], $0x2000  }
0x4f: {  	[sflag:s16] =	ssyncset.done $0x0  }
0x50: {  	s5 =	simm.s32 $0x500;
	[sflag:s16] =	ssyncadd.s32 $0xFFFFE000  }
0x51: {  	[tilespmem:s9], [sflag:$0x1] =	stream.indirect.gather [hbm4b:s4+s29], $0x40, s5, s29, $0xb8;
	[tilespmem:$0x15900] =	vst v63  }
0x52: {  	s5 =	simm.s32 $0x3  }
0x53: {  	_ =	swait.ge [sflag:s5], $0x2000  }
0x54: {  	[sflag:s5] =	ssyncset.done $0x0  }
0x55: {  	s6 =	rddreg [dreg:$0x10];
	[sflag:s5] =	ssyncadd.s32 $0xFFFFE000  }
0x56: {  	[hbm4b:s6+s3] =	stream.linear.scatter [tilespmem:s11], [sflag:$0xD], $0x2000, $0x38;
	[tilespmem:$0x15900] =	vst v63  }
0x57: {  	s6 =	simm.s32 $0xC  }
0x58: {  	_ =	swait.ge [sflag:s6], $0x2000  }
0x59: {  	[sflag:s6] =	ssyncset.done $0x0  }
0x5a: {  	s8 =	simm.s32 $0x580;
	[sflag:s6] =	ssyncadd.s32 $0xFFFFE000  }
0x5b: {  	[tilespmem:s10], [sflag:$0x2] =	stream.indirect.gather [hbm4b:s4+s29], $0x40, s8, s29, $0xb8;
	[tilespmem:$0x15900] =	vst v63  }
0x5c: {  	s8 =	simm.s32 $0x4  }
0x5d: {  	_ =	swait.ge [sflag:s8], $0x2000  }
0x5e: {  	[sflag:s8] =	ssyncset.done $0x0  }
0x5f: {  	s1 =	rddreg [dreg:$0x11];
	[sflag:s8] =	ssyncadd.s32 $0xFFFFE000  }
0x60: {  	[hbm4b:s1+s3] =	stream.linear.scatter [tilespmem:s12], [sflag:$0xE], $0x2000, $0x38;
	[tilespmem:$0x15900] =	vst v63  }
0x61: {  	_ =	swait.ge [sflag:s17], $0x2000  }
0x62: {  	[sflag:s17] =	ssyncset.done $0x0  }
0x63: {  	s1 =	simm.s32 $0x600;
	[sflag:s17] =	ssyncadd.s32 $0xFFFFE000  }
0x64: {  	[tilespmem:s11], [sflag:$0x3] =	stream.indirect.gather [hbm4b:s4+s29], $0x40, s1, s29, $0xb8;
	[tilespmem:$0x15900] =	vst v63  }
0x65: {  	_ =	swait.ge [sflag:s18], $0x2000  }
0x66: {  	[sflag:s18] =	ssyncset.done $0x0  }
0x67: {  	s13 =	simm.s32 $0x9900;
	s1 =	rddreg [dreg:$0x12];
	[sflag:s18] =	ssyncadd.s32 $0xFFFFE000  }
0x68: {  	[hbm4b:s1+s3] =	stream.linear.scatter [tilespmem:s13], [sflag:$0xF], $0x2000, $0x38;
	[tilespmem:$0x15900] =	vst v63  }
0x69: {  	_ =	swait.ge [sflag:s19], $0x2000  }
0x6a: {  	[sflag:s19] =	ssyncset.done $0x0  }
0x6b: {  	s1 =	simm.s32 $0x680;
	[sflag:s19] =	ssyncadd.s32 $0xFFFFE000  }
0x6c: {  	[tilespmem:s12], [sflag:$0x4] =	stream.indirect.gather [hbm4b:s4+s29], $0x40, s1, s29, $0xb8;
	[tilespmem:$0x15900] =	vst v63  }
0x6d: {  	_ =	swait.ge [sflag:s20], $0x2000  }
0x6e: {  	[sflag:s20] =	ssyncset.done $0x0  }
0x6f: {  	s1 =	simm.s32 $0xB900;
	s0 =	rddreg [dreg:$0x13];
	[sflag:s20] =	ssyncadd.s32 $0xFFFFE000  }
0x70: {  	[hbm4b:s0+s3] =	stream.linear.scatter [tilespmem:s1], [sflag:$0x10], $0x2000, $0x38;
	[tilespmem:$0x15900] =	vst v63  }
0x71: {  	_ =	swait.ge [sflag:s21], $0x2000  }
0x72: {  	[sflag:s21] =	ssyncset.done $0x0  }
0x73: {  	s0 =	simm.s32 $0x700;
	[sflag:s21] =	ssyncadd.s32 $0xFFFFE000  }
0x74: {  	[tilespmem:s13], [sflag:$0x5] =	stream.indirect.gather [hbm4b:s4+s29], $0x40, s0, s29, $0xb8;
	[tilespmem:$0x15900] =	vst v63  }
0x75: {  	_ =	swait.ge [sflag:s22], $0x2000  }
0x76: {  	[sflag:s22] =	ssyncset.done $0x0  }
0x77: {  	s13 =	simm.s32 $0xD900;
	s0 =	rddreg [dreg:$0x14];
	[sflag:s22] =	ssyncadd.s32 $0xFFFFE000  }
0x78: {  	[hbm4b:s0+s3] =	stream.linear.scatter [tilespmem:s13], [sflag:$0x11], $0x2000, $0x38;
	[tilespmem:$0x15900] =	vst v63  }
0x79: {  	_ =	swait.ge [sflag:s23], $0x2000  }
0x7a: {  	[sflag:s23] =	ssyncset.done $0x0  }
0x7b: {  	s0 =	simm.s32 $0x780;
	[sflag:s23] =	ssyncadd.s32 $0xFFFFE000  }
0x7c: {  	[tilespmem:s1], [sflag:$0x6] =	stream.indirect.gather [hbm4b:s4+s29], $0x40, s0, s29, $0xb8;
	[tilespmem:$0x15900] =	vst v63  }
0x7d: {  	_ =	swait.ge [sflag:s24], $0x2000  }
0x7e: {  	[sflag:s24] =	ssyncset.done $0x0  }
0x7f: {  	s1 =	simm.s32 $0xF900;
	s0 =	rddreg [dreg:$0x15];
	[sflag:s24] =	ssyncadd.s32 $0xFFFFE000  }
0x80: {  	[hbm4b:s0+s3] =	stream.linear.scatter [tilespmem:s1], [sflag:$0x12], $0x2000, $0x38;
	[tilespmem:$0x15900] =	vst v63  }
0x81: {  	_ =	swait.ge [sflag:s25], $0x2000  }
0x82: {  	[sflag:s25] =	ssyncset.done $0x0  }
0x83: {  	s0 =	simm.s32 $0x800;
	[sflag:s25] =	ssyncadd.s32 $0xFFFFE000  }
0x84: {  	[tilespmem:s13], [sflag:$0x7] =	stream.indirect.gather [hbm4b:s4+s29], $0x40, s0, s29, $0xb8;
	[tilespmem:$0x15900] =	vst v63  }
0x85: {  	_ =	swait.ge [sflag:s26], $0x2000  }
0x86: {  	[sflag:s26] =	ssyncset.done $0x0  }
0x87: {  	s13 =	simm.s32 $0x11900;
	s0 =	rddreg [dreg:$0x16];
	[sflag:s26] =	ssyncadd.s32 $0xFFFFE000  }
0x88: {  	[hbm4b:s0+s3] =	stream.linear.scatter [tilespmem:s13], [sflag:$0x13], $0x2000, $0x38;
	[tilespmem:$0x15900] =	vst v63  }
0x89: {  	_ =	swait.ge [sflag:s28], $0x2000  }
0x8a: {  	[sflag:s28] =	ssyncset.done $0x0  }
0x8b: {  	s13 =	simm.s32 $0x880;
	[sflag:s28] =	ssyncadd.s32 $0xFFFFE000  }
0x8c: {  	[tilespmem:s1], [sflag:$0x8] =	stream.indirect.gather [hbm4b:s4+s29], $0x40, s13, s29, $0xb8;
	[tilespmem:$0x15900] =	vst v63  }
0x8d: {  	_ =	swait.ge [sflag:s2], $0x2000  }
0x8e: {  	[sflag:s2] =	ssyncset.done $0x0  }
0x8f: {  	s1 =	rddreg [dreg:$0x17];
	[sflag:s2] =	ssyncadd.s32 $0xFFFFE000  }
0x90: {  	[hbm4b:s1+s3] =	stream.linear.scatter [tilespmem:s14], [sflag:$0x14], $0x2000, $0x38;
	[tilespmem:$0x15900] =	vst v63  }
0x91: {  	_ =	swait.ge [sflag:s30], $0x2000  }
0x92: {  	[sflag:s30] =	ssyncset.done $0x0  }
0x93: {  	s13 =	simm.s32 $0x900;
	s1 =	simm.s32 $0x11900;
	[sflag:s30] =	ssyncadd.s32 $0xFFFFE000  }
0x94: {  	[tilespmem:s1], [sflag:$0x9] =	stream.indirect.gather [hbm4b:s4+s29], $0x40, s13, s29, $0xb8;
	[tilespmem:$0x15900] =	vst v63  }
0x95: {  	_ =	swait.ge [sflag:s7], $0x2000  }
0x96: {  	[sflag:s7] =	ssyncset.done $0x0  }
0x97: {  	s1 =	rddreg [dreg:$0xc];
	[sflag:s7] =	ssyncadd.s32 $0xFFFFE000  }
0x98: {  	s7 =	rddreg [dreg:$0x2]  }
0x99: {  	s0 =	sadd.s32 s7, s1  }
0x9a: {  	[hbm4b:s0+s3] =	stream.linear.scatter [tilespmem:s9], [sflag:$0xB], $0x2000, $0x38;
	[tilespmem:$0x15900] =	vst v63  }
0x9b: {  	_ =	swait.ge [sflag:s31], $0x2000  }
0x9c: {  	[sflag:s31] =	ssyncset.done $0x0  }
0x9d: {  	s1 =	simm.s32 $0x980;
	[sflag:s31] =	ssyncadd.s32 $0xFFFFE000  }
0x9e: {  	[tilespmem:s14], [sflag:$0xA] =	stream.indirect.gather [hbm4b:s4+s29], $0x40, s1, s29, $0xb8;
	[tilespmem:$0x15900] =	vst v63  }
0x9f: {  	_ =	swait.ge [sflag:s15], $0x2000  }
0xa0: {  	s14 =	rddreg [dreg:$0xa];
	[sflag:s15] =	ssyncset.done $0x0  }
0xa1: {  	[sflag:s15] =	ssyncadd.s32 $0xFFFFE000;
	s0 =	sadd.s32 s7, s14  }
0xa2: {  	[hbm4b:s0+s3] =	stream.linear.scatter [tilespmem:s10], [sflag:$0xC], $0x2000, $0x38;
	[tilespmem:$0x15900] =	vst v63  }
0xa3: {  	_ =	swait.ge [sflag:s16], $0x2000  }
0xa4: {  	[sflag:s16] =	ssyncset.done $0x0  }
0xa5: {  	[sflag:s16] =	ssyncadd.s32 $0xFFFFE000;
	s16 =	simm.s32 $0xA00  }
0xa6: {  	[tilespmem:s9], [sflag:$0x1] =	stream.indirect.gather [hbm4b:s4+s29], $0x40, s16, s29, $0xb8;
	[tilespmem:$0x15900] =	vst v63  }
0xa7: {  	_ =	swait.ge [sflag:s5], $0x2000  }
0xa8: {  	s1 =	rddreg [dreg:$0x9];
	[sflag:s5] =	ssyncset.done $0x0  }
0xa9: {  	[sflag:s5] =	ssyncadd.s32 $0xFFFFE000;
	s0 =	sadd.s32 s7, s1  }
0xaa: {  	[hbm4b:s0+s3] =	stream.linear.scatter [tilespmem:s11], [sflag:$0xD], $0x2000, $0x38;
	[tilespmem:$0x15900] =	vst v63  }
0xab: {  	_ =	swait.ge [sflag:s6], $0x2000  }
0xac: {  	[sflag:s6] =	ssyncset.done $0x0  }
0xad: {  	s5 =	simm.s32 $0xA80;
	[sflag:s6] =	ssyncadd.s32 $0xFFFFE000  }
0xae: {  	[tilespmem:s10], [sflag:$0x2] =	stream.indirect.gather [hbm4b:s4+s29], $0x40, s5, s29, $0xb8;
	[tilespmem:$0x15900] =	vst v63  }
0xaf: {  	_ =	swait.ge [sflag:s8], $0x2000  }
0xb0: {  	s6 =	rddreg [dreg:$0x8];
	[sflag:s8] =	ssyncset.done $0x0  }
0xb1: {  	[sflag:s8] =	ssyncadd.s32 $0xFFFFE000;
	s0 =	sadd.s32 s7, s6  }
0xb2: {  	[hbm4b:s0+s3] =	stream.linear.scatter [tilespmem:s12], [sflag:$0xE], $0x2000, $0x38;
	[tilespmem:$0x15900] =	vst v63  }
0xb3: {  	_ =	swait.ge [sflag:s17], $0x2000  }
0xb4: {  	[sflag:s17] =	ssyncset.done $0x0  }
0xb5: {  	s8 =	simm.s32 $0xB00;
	[sflag:s17] =	ssyncadd.s32 $0xFFFFE000  }
0xb6: {  	[tilespmem:s11], [sflag:$0x3] =	stream.indirect.gather [hbm4b:s4+s29], $0x40, s8, s29, $0xb8;
	[tilespmem:$0x15900] =	vst v63  }
0xb7: {  	_ =	swait.ge [sflag:s18], $0x2000  }
0xb8: {  	s9 =	rddreg [dreg:$0x7];
	[sflag:s18] =	ssyncset.done $0x0  }
0xb9: {  	s10 =	simm.s32 $0x9900;
	[sflag:s18] =	ssyncadd.s32 $0xFFFFE000;
	s0 =	sadd.s32 s7, s9  }
0xba: {  	[hbm4b:s0+s3] =	stream.linear.scatter [tilespmem:s10], [sflag:$0xF], $0x2000, $0x38;
	[tilespmem:$0x15900] =	vst v63  }
0xbb: {  	_ =	swait.ge [sflag:s19], $0x2000  }
0xbc: {  	[sflag:s19] =	ssyncset.done $0x0  }
0xbd: {  	s11 =	simm.s32 $0xB80;
	[sflag:s19] =	ssyncadd.s32 $0xFFFFE000  }
0xbe: {  	[tilespmem:s12], [sflag:$0x4] =	stream.indirect.gather [hbm4b:s4+s29], $0x40, s11, s29, $0xb8;
	[tilespmem:$0x15900] =	vst v63  }
0xbf: {  	_ =	swait.ge [sflag:s20], $0x2000  }
0xc0: {  	s14 =	rddreg [dreg:$0x6];
	[sflag:s20] =	ssyncset.done $0x0  }
0xc1: {  	s15 =	simm.s32 $0xB900;
	[sflag:s20] =	ssyncadd.s32 $0xFFFFE000;
	s0 =	sadd.s32 s7, s14  }
0xc2: {  	[hbm4b:s0+s3] =	stream.linear.scatter [tilespmem:s15], [sflag:$0x10], $0x2000, $0x38;
	[tilespmem:$0x15900] =	vst v63  }
0xc3: {  	_ =	swait.ge [sflag:s21], $0x2000  }
0xc4: {  	[sflag:s21] =	ssyncset.done $0x0  }
0xc5: {  	s16 =	simm.s32 $0xC00;
	[sflag:s21] =	ssyncadd.s32 $0xFFFFE000  }
0xc6: {  	[tilespmem:s10], [sflag:$0x5] =	stream.indirect.gather [hbm4b:s4+s29], $0x40, s16, s29, $0xb8;
	[tilespmem:$0x15900] =	vst v63  }
0xc7: {  	_ =	swait.ge [sflag:s22], $0x2000  }
0xc8: {  	s5 =	rddreg [dreg:$0x5];
	[sflag:s22] =	ssyncset.done $0x0  }
0xc9: {  	s8 =	simm.s32 $0xD900;
	[sflag:s22] =	ssyncadd.s32 $0xFFFFE000;
	s0 =	sadd.s32 s7, s5  }
0xca: {  	[hbm4b:s0+s3] =	stream.linear.scatter [tilespmem:s8], [sflag:$0x11], $0x2000, $0x38;
	[tilespmem:$0x15900] =	vst v63  }
0xcb: {  	_ =	swait.ge [sflag:s23], $0x2000  }
0xcc: {  	[sflag:s23] =	ssyncset.done $0x0  }
0xcd: {  	s9 =	simm.s32 $0xC80;
	[sflag:s23] =	ssyncadd.s32 $0xFFFFE000  }
0xce: {  	[tilespmem:s15], [sflag:$0x6] =	stream.indirect.gather [hbm4b:s4+s29], $0x40, s9, s29, $0xb8;
	[tilespmem:$0x15900] =	vst v63  }
0xcf: {  	_ =	swait.ge [sflag:s24], $0x2000  }
0xd0: {  	s10 =	rddreg [dreg:$0x4];
	[sflag:s24] =	ssyncset.done $0x0  }
0xd1: {  	s11 =	simm.s32 $0xF900;
	[sflag:s24] =	ssyncadd.s32 $0xFFFFE000;
	s0 =	sadd.s32 s7, s10  }
0xd2: {  	[hbm4b:s0+s3] =	stream.linear.scatter [tilespmem:s11], [sflag:$0x12], $0x2000, $0x38;
	[tilespmem:$0x15900] =	vst v63  }
0xd3: {  	_ =	swait.ge [sflag:s25], $0x2000  }
0xd4: {  	[sflag:s25] =	ssyncset.done $0x0  }
0xd5: {  	s12 =	simm.s32 $0xD00;
	[sflag:s25] =	ssyncadd.s32 $0xFFFFE000  }
0xd6: {  	[tilespmem:s8], [sflag:$0x7] =	stream.indirect.gather [hbm4b:s4+s29], $0x40, s12, s29, $0xb8;
	[tilespmem:$0x15900] =	vst v63  }
0xd7: {  	_ =	swait.ge [sflag:s26], $0x2000  }
0xd8: {  	s14 =	rddreg [dreg:$0xd];
	[sflag:s26] =	ssyncset.done $0x0  }
0xd9: {  	s13 =	simm.s32 $0x11900;
	[sflag:s26] =	ssyncadd.s32 $0xFFFFE000;
	s0 =	sadd.s32 s7, s14  }
0xda: {  	[hbm4b:s0+s3] =	stream.linear.scatter [tilespmem:s13], [sflag:$0x13], $0x2000, $0x38;
	[tilespmem:$0x15900] =	vst v63  }
0xdb: {  	_ =	swait.ge [sflag:s28], $0x2000  }
0xdc: {  	[sflag:s28] =	ssyncset.done $0x0  }
0xdd: {  	s15 =	simm.s32 $0xD80;
	[sflag:s28] =	ssyncadd.s32 $0xFFFFE000  }
0xde: {  	[tilespmem:s11], [sflag:$0x8] =	stream.indirect.gather [hbm4b:s4+s29], $0x40, s15, s29, $0xb8;
	[tilespmem:$0x15900] =	vst v63  }
0xdf: {  	_ =	swait.ge [sflag:s2], $0x2000  }
0xe0: {  	s1 =	sadd.s32 $0x2800, s7;
	s16 =	rddreg [dreg:$0xb];
	[sflag:s2] =	ssyncset.done $0x0  }
0xe1: {  	s0 =	simm.s32 $0x1400;
	[sflag:s2] =	ssyncadd.s32 $0xFFFFE000;
	s5 =	sadd.s32 s7, s16  }
.LBB2_2:
0xe2: {  	s8 =	simm.s32 $0x13900  }
0xe3: {  	[hbm4b:s5+s3] =	stream.linear.scatter [tilespmem:s8], [sflag:$0x14], $0x2000, $0x38;
	[tilespmem:$0x15900] =	vst v63  }
0xe4: {  	s10 =	smov.u32 s0;
	_ =	swait.ge [sflag:s30], $0x2000  }
0xe5: {  	s16 =	simm.s32 $0x11900;
	s5 =	sshra.s32 s10, $0x2;
	[sflag:s30] =	ssyncset.done $0x0  }
0xe6: {  	s6 =	simm.s32 $0x1;
	s7 =	sadd.s32 $0x900, s5;
	[sflag:s30] =	ssyncadd.s32 $0xFFFFE000  }
0xe7: {  	[tilespmem:s16], [sflag:$0x9] =	stream.indirect.gather [hbm4b:s4+s29], $0x40, s7, s29, $0xb8;
	[tilespmem:$0x15900] =	vst v63  }
0xe8: {  	_ =	swait.ge [sflag:s6], $0x2000  }
0xe9: {  	s11 =	rddreg [dreg:$0xc];
	[sflag:s6] =	ssyncset.done $0x0  }
0xea: {  	s9 =	simm.s32 $0x1900;
	[sflag:s6] =	ssyncadd.s32 $0xFFFFE000;
	s7 =	sadd.s32 s1, s11  }
0xeb: {  	[hbm4b:s7+s3] =	stream.linear.scatter [tilespmem:s9], [sflag:$0xB], $0x2000, $0x38;
	[tilespmem:$0x15900] =	vst v63  }
0xec: {  	_ =	swait.ge [sflag:s31], $0x2000  }
0xed: {  	[sflag:s31] =	ssyncset.done $0x0  }
0xee: {  	s13 =	simm.s32 $0x2;
	s12 =	sadd.s32 $0x980, s5;
	[sflag:s31] =	ssyncadd.s32 $0xFFFFE000  }
0xef: {  	[tilespmem:s8], [sflag:$0xA] =	stream.indirect.gather [hbm4b:s4+s29], $0x40, s12, s29, $0xb8;
	[tilespmem:$0x15900] =	vst v63  }
0xf0: {  	_ =	swait.ge [sflag:s13], $0x2000  }
0xf1: {  	s15 =	simm.s32 $0xB;
	s14 =	rddreg [dreg:$0xa];
	[sflag:s13] =	ssyncset.done $0x0  }
0xf2: {  	s10 =	simm.s32 $0x3900;
	[sflag:s13] =	ssyncadd.s32 $0xFFFFE000;
	s7 =	sadd.s32 s1, s14  }
0xf3: {  	[hbm4b:s7+s3] =	stream.linear.scatter [tilespmem:s10], [sflag:$0xC], $0x2000, $0x38;
	[tilespmem:$0x15900] =	vst v63  }
0xf4: {  	_ =	swait.ge [sflag:s15], $0x2000  }
0xf5: {  	[sflag:s15] =	ssyncset.done $0x0  }
0xf6: {  	s6 =	sadd.s32 $0xA00, s5;
	s7 =	simm.s32 $0x3;
	[sflag:s15] =	ssyncadd.s32 $0xFFFFE000  }
0xf7: {  	[tilespmem:s9], [sflag:$0x1] =	stream.indirect.gather [hbm4b:s4+s29], $0x40, s6, s29, $0xb8;
	[tilespmem:$0x15900] =	vst v63  }
0xf8: {  	_ =	swait.ge [sflag:s7], $0x2000  }
0xf9: {  	s11 =	simm.s32 $0xC;
	s9 =	rddreg [dreg:$0x9];
	[sflag:s7] =	ssyncset.done $0x0  }
0xfa: {  	s12 =	simm.s32 $0x5900;
	[sflag:s7] =	ssyncadd.s32 $0xFFFFE000;
	s7 =	sadd.s32 s1, s9  }
0xfb: {  	[hbm4b:s7+s3] =	stream.linear.scatter [tilespmem:s12], [sflag:$0xD], $0x2000, $0x38;
	[tilespmem:$0x15900] =	vst v63  }
0xfc: {  	_ =	swait.ge [sflag:s11], $0x2000  }
0xfd: {  	[sflag:s11] =	ssyncset.done $0x0  }
0xfe: {  	s13 =	sadd.s32 $0xA80, s5;
	s14 =	simm.s32 $0x4;
	[sflag:s11] =	ssyncadd.s32 $0xFFFFE000  }
0xff: {  	[tilespmem:s10], [sflag:$0x2] =	stream.indirect.gather [hbm4b:s4+s29], $0x40, s13, s29, $0xb8;
	[tilespmem:$0x15900] =	vst v63  }
0x100: {  	_ =	swait.ge [sflag:s14], $0x2000  }
0x101: {  	s15 =	rddreg [dreg:$0x8];
	[sflag:s14] =	ssyncset.done $0x0  }
0x102: {  	s11 =	simm.s32 $0x7900;
	[sflag:s14] =	ssyncadd.s32 $0xFFFFE000;
	s7 =	sadd.s32 s1, s15  }
0x103: {  	[hbm4b:s7+s3] =	stream.linear.scatter [tilespmem:s11], [sflag:$0xE], $0x2000, $0x38;
	[tilespmem:$0x15900] =	vst v63  }
0x104: {  	_ =	swait.ge [sflag:s17], $0x2000  }
0x105: {  	[sflag:s17] =	ssyncset.done $0x0  }
0x106: {  	s6 =	sadd.s32 $0xB00, s5;
	[sflag:s17] =	ssyncadd.s32 $0xFFFFE000  }
0x107: {  	[tilespmem:s12], [sflag:$0x3] =	stream.indirect.gather [hbm4b:s4+s29], $0x40, s6, s29, $0xb8;
	[tilespmem:$0x15900] =	vst v63  }
0x108: {  	_ =	swait.ge [sflag:s18], $0x2000  }
0x109: {  	s13 =	rddreg [dreg:$0x7];
	[sflag:s18] =	ssyncset.done $0x0  }
0x10a: {  	[sflag:s18] =	ssyncadd.s32 $0xFFFFE000;
	s7 =	sadd.s32 s1, s13;
	s13 =	simm.s32 $0x9900  }
0x10b: {  	[hbm4b:s7+s3] =	stream.linear.scatter [tilespmem:s13], [sflag:$0xF], $0x2000, $0x38;
	[tilespmem:$0x15900] =	vst v63  }
0x10c: {  	_ =	swait.ge [sflag:s19], $0x2000  }
0x10d: {  	[sflag:s19] =	ssyncset.done $0x0  }
0x10e: {  	s14 =	sadd.s32 $0xB80, s5;
	[sflag:s19] =	ssyncadd.s32 $0xFFFFE000  }
0x10f: {  	[tilespmem:s11], [sflag:$0x4] =	stream.indirect.gather [hbm4b:s4+s29], $0x40, s14, s29, $0xb8;
	[tilespmem:$0x15900] =	vst v63  }
0x110: {  	_ =	swait.ge [sflag:s20], $0x2000  }
0x111: {  	s15 =	rddreg [dreg:$0x6];
	[sflag:s20] =	ssyncset.done $0x0  }
0x112: {  	s14 =	simm.s32 $0xB900;
	[sflag:s20] =	ssyncadd.s32 $0xFFFFE000;
	s7 =	sadd.s32 s1, s15  }
0x113: {  	[hbm4b:s7+s3] =	stream.linear.scatter [tilespmem:s14], [sflag:$0x10], $0x2000, $0x38;
	[tilespmem:$0x15900] =	vst v63  }
0x114: {  	_ =	swait.ge [sflag:s21], $0x2000  }
0x115: {  	[sflag:s21] =	ssyncset.done $0x0  }
0x116: {  	s6 =	sadd.s32 $0xC00, s5;
	[sflag:s21] =	ssyncadd.s32 $0xFFFFE000  }
0x117: {  	[tilespmem:s13], [sflag:$0x5] =	stream.indirect.gather [hbm4b:s4+s29], $0x40, s6, s29, $0xb8;
	[tilespmem:$0x15900] =	vst v63  }
0x118: {  	_ =	swait.ge [sflag:s22], $0x2000  }
0x119: {  	s15 =	rddreg [dreg:$0x5];
	[sflag:s22] =	ssyncset.done $0x0  }
0x11a: {  	[sflag:s22] =	ssyncadd.s32 $0xFFFFE000;
	s7 =	sadd.s32 s1, s15;
	s15 =	simm.s32 $0xD900  }
0x11b: {  	[hbm4b:s7+s3] =	stream.linear.scatter [tilespmem:s15], [sflag:$0x11], $0x2000, $0x38;
	[tilespmem:$0x15900] =	vst v63  }
0x11c: {  	_ =	swait.ge [sflag:s23], $0x2000  }
0x11d: {  	[sflag:s23] =	ssyncset.done $0x0  }
0x11e: {  	s6 =	sadd.s32 $0xC80, s5;
	[sflag:s23] =	ssyncadd.s32 $0xFFFFE000  }
0x11f: {  	[tilespmem:s14], [sflag:$0x6] =	stream.indirect.gather [hbm4b:s4+s29], $0x40, s6, s29, $0xb8;
	[tilespmem:$0x15900] =	vst v63  }
0x120: {  	_ =	swait.ge [sflag:s24], $0x2000  }
0x121: {  	s14 =	rddreg [dreg:$0x4];
	[sflag:s24] =	ssyncset.done $0x0  }
0x122: {  	s6 =	simm.s32 $0xF900;
	[sflag:s24] =	ssyncadd.s32 $0xFFFFE000;
	s7 =	sadd.s32 s1, s14  }
0x123: {  	[hbm4b:s7+s3] =	stream.linear.scatter [tilespmem:s6], [sflag:$0x12], $0x2000, $0x38;
	[tilespmem:$0x15900] =	vst v63  }
0x124: {  	_ =	swait.ge [sflag:s25], $0x2000  }
0x125: {  	[sflag:s25] =	ssyncset.done $0x0  }
0x126: {  	s7 =	sadd.s32 $0xD00, s5;
	[sflag:s25] =	ssyncadd.s32 $0xFFFFE000  }
0x127: {  	[tilespmem:s15], [sflag:$0x7] =	stream.indirect.gather [hbm4b:s4+s29], $0x40, s7, s29, $0xb8;
	[tilespmem:$0x15900] =	vst v63  }
0x128: {  	p0 =	sne.s32 s0, $0x2800;
	_ =	swait.ge [sflag:s26], $0x2000  }
0x129: {  	s0 =	sadd.s32 $0x1400, s0;
	s15 =	rddreg [dreg:$0xd];
	[sflag:s26] =	ssyncset.done $0x0  }
0x12a: {  	s8 =	simm.s32 $0x1900;
	[sflag:s26] =	ssyncadd.s32 $0xFFFFE000;
	s7 =	sadd.s32 s1, s15  }
0x12b: {  	[hbm4b:s7+s3] =	stream.linear.scatter [tilespmem:s16], [sflag:$0x13], $0x2000, $0x38;
	[tilespmem:$0x15900] =	vst v63  }
0x12c: {  	s9 =	simm.s32 $0x3900;
	s10 =	simm.s32 $0x5900;
	_ =	swait.ge [sflag:s28], $0x2000  }
0x12d: {  	s12 =	simm.s32 $0x7900;
	s11 =	simm.s32 $0x9900;
	[sflag:s28] =	ssyncset.done $0x0  }
.Ltmp0:
0x12e: {  	s5 =	sadd.s32 $0xD80, s5;
	[sflag:s28] =	ssyncadd.s32 $0xFFFFE000;
	(pc) =	sbr.rel @p0 .LBB2_2-.Ltmp0, $4  }
0x12f: {  	[tilespmem:s6], [sflag:$0x8] =	stream.indirect.gather [hbm4b:s4+s29], $0x40, s5, s29, $0xb8;
	[tilespmem:$0x15900] =	vst v63  }
0x130: {  	s13 =	simm.s32 $0xB900;
	s14 =	simm.s32 $0xD900;
	_ =	swait.ge [sflag:s2], $0x2000  }
0x131: {  	s7 =	simm.s32 $0xF900;
	[sflag:s2] =	ssyncset.done $0x0;
	s16 =	rddreg [dreg:$0xb]  }
0x132: {  	[sflag:s2] =	ssyncadd.s32 $0xFFFFE000;
	s5 =	sadd.s32 s1, s16;
	s1 =	sadd.s32 $0x2800, s1  }
0x133: {  	s6 =	simm.s32 $0x13900  }
0x134: {  	[hbm4b:s5+s3] =	stream.linear.scatter [tilespmem:s6], [sflag:$0x14], $0x2000, $0x38;
	[tilespmem:$0x15900] =	vst v63  }
0x135: {  	_ =	swait.ge [sflag:s30], $0x2000  }
0x136: {  	s1 =	simm.s32 $0x11900;
	[sflag:s30] =	ssyncset.done $0x0  }
0x137: {  	s0 =	simm.s32 $0x1800;
	s16 =	simm.s32 $0x1;
	[sflag:s30] =	ssyncadd.s32 $0xFFFFE000  }
0x138: {  	[tilespmem:s1], [sflag:$0x9] =	stream.indirect.gather [hbm4b:s4+s29], $0x40, s0, s29, $0xb8;
	[tilespmem:$0x15900] =	vst v63  }
0x139: {  	_ =	swait.ge [sflag:s16], $0x2000  }
0x13a: {  	[sflag:s16] =	ssyncset.done $0x0  }
0x13b: {  	s5 =	rddreg [dreg:$0x18];
	[sflag:s16] =	ssyncadd.s32 $0xFFFFE000  }
0x13c: {  	[hbm4b:s5+s3] =	stream.linear.scatter [tilespmem:s8], [sflag:$0xB], $0x2000, $0x38;
	[tilespmem:$0x15900] =	vst v63  }
0x13d: {  	_ =	swait.ge [sflag:s31], $0x2000  }
0x13e: {  	[sflag:s31] =	ssyncset.done $0x0  }
0x13f: {  	s15 =	simm.s32 $0x1880;
	s16 =	simm.s32 $0x2;
	[sflag:s31] =	ssyncadd.s32 $0xFFFFE000  }
0x140: {  	[tilespmem:s6], [sflag:$0xA] =	stream.indirect.gather [hbm4b:s4+s29], $0x40, s15, s29, $0xb8;
	[tilespmem:$0x15900] =	vst v63  }
0x141: {  	_ =	swait.ge [sflag:s16], $0x2000  }
0x142: {  	[sflag:s16] =	ssyncset.done $0x0  }
0x143: {  	s8 =	simm.s32 $0x3;
	s5 =	rddreg [dreg:$0x19];
	[sflag:s16] =	ssyncadd.s32 $0xFFFFE000  }
0x144: {  	[hbm4b:s5+s3] =	stream.linear.scatter [tilespmem:s9], [sflag:$0xC], $0x2000, $0x38;
	[tilespmem:$0x15900] =	vst v63  }
0x145: {  	_ =	swait.ge [sflag:s8], $0x2000  }
0x146: {  	[sflag:s8] =	ssyncset.done $0x0  }
0x147: {  	s15 =	simm.s32 $0x4;
	s9 =	rddreg [dreg:$0x1a];
	[sflag:s8] =	ssyncadd.s32 $0xFFFFE000  }
0x148: {  	[hbm4b:s9+s3] =	stream.linear.scatter [tilespmem:s10], [sflag:$0xD], $0x2000, $0x38;
	[tilespmem:$0x15900] =	vst v63  }
0x149: {  	_ =	swait.ge [sflag:s15], $0x2000  }
0x14a: {  	[sflag:s15] =	ssyncset.done $0x0  }
0x14b: {  	s16 =	rddreg [dreg:$0x1b];
	[sflag:s15] =	ssyncadd.s32 $0xFFFFE000  }
0x14c: {  	[hbm4b:s16+s3] =	stream.linear.scatter [tilespmem:s12], [sflag:$0xE], $0x2000, $0x38;
	[tilespmem:$0x15900] =	vst v63  }
0x14d: {  	_ =	swait.ge [sflag:s18], $0x2000  }
0x14e: {  	[sflag:s18] =	ssyncset.done $0x0  }
0x14f: {  	s5 =	rddreg [dreg:$0x1c];
	[sflag:s18] =	ssyncadd.s32 $0xFFFFE000  }
0x150: {  	[hbm4b:s5+s3] =	stream.linear.scatter [tilespmem:s11], [sflag:$0xF], $0x2000, $0x38;
	[tilespmem:$0x15900] =	vst v63  }
0x151: {  	_ =	swait.ge [sflag:s20], $0x2000  }
0x152: {  	[sflag:s20] =	ssyncset.done $0x0  }
0x153: {  	s8 =	rddreg [dreg:$0x1d];
	[sflag:s20] =	ssyncadd.s32 $0xFFFFE000  }
0x154: {  	[hbm4b:s8+s3] =	stream.linear.scatter [tilespmem:s13], [sflag:$0x10], $0x2000, $0x38;
	[tilespmem:$0x15900] =	vst v63  }
0x155: {  	_ =	swait.ge [sflag:s22], $0x2000  }
0x156: {  	[sflag:s22] =	ssyncset.done $0x0  }
0x157: {  	s9 =	rddreg [dreg:$0x1e];
	[sflag:s22] =	ssyncadd.s32 $0xFFFFE000  }
0x158: {  	[hbm4b:s9+s3] =	stream.linear.scatter [tilespmem:s14], [sflag:$0x11], $0x2000, $0x38;
	[tilespmem:$0x15900] =	vst v63  }
0x159: {  	_ =	swait.ge [sflag:s24], $0x2000  }
0x15a: {  	[sflag:s24] =	ssyncset.done $0x0  }
0x15b: {  	s10 =	rddreg [dreg:$0x1f];
	[sflag:s24] =	ssyncadd.s32 $0xFFFFE000  }
0x15c: {  	[hbm4b:s10+s3] =	stream.linear.scatter [tilespmem:s7], [sflag:$0x12], $0x2000, $0x38;
	[tilespmem:$0x15900] =	vst v63  }
0x15d: {  	_ =	swait.ge [sflag:s26], $0x2000  }
0x15e: {  	s11 =	sld [smem:$0x7FA]  }
0x15f: {  	[sflag:s26] =	ssyncset.done $0x0  }
0x160: {  	[sflag:s26] =	ssyncadd.s32 $0xFFFFE000  }
0x161: {  	[hbm4b:s11+s3] =	stream.linear.scatter [tilespmem:s1], [sflag:$0x13], $0x2000, $0x38;
	[tilespmem:$0x15900] =	vst v63  }
0x162: {  	_ =	swait.ge [sflag:s2], $0x2000  }
0x163: {  	s12 =	sld [smem:$0x7FB]  }
0x164: {  	[sflag:s2] =	ssyncset.done $0x0  }
0x165: {  	s13 =	simm.s32 $0xB;
	[sflag:s2] =	ssyncadd.s32 $0xFFFFE000  }
0x166: {  	[hbm4b:s12+s3] =	stream.linear.scatter [tilespmem:s6], [sflag:$0x14], $0x2000, $0x38;
	[tilespmem:$0x15900] =	vst v63  }
0x167: {  	_ =	swait.ge [sflag:s13], $0x2000  }
0x168: {  	[sflag:s13] =	ssyncset.done $0x0  }
0x169: {  	s14 =	simm.s32 $0xC;
	[sflag:s13] =	ssyncadd.s32 $0xFFFFE000  }
0x16a: {  	_ =	swait.ge [sflag:s14], $0x2000  }
0x16b: {  	[sflag:s14] =	ssyncset.done $0x0  }
0x16c: {  	[sflag:s14] =	ssyncadd.s32 $0xFFFFE000  }
0x16d: {  	_ =	swait.ge [sflag:s17], $0x2000  }
0x16e: {  	[sflag:s17] =	ssyncset.done $0x0  }
0x16f: {  	[sflag:s17] =	ssyncadd.s32 $0xFFFFE000  }
0x170: {  	_ =	swait.ge [sflag:s19], $0x2000  }
0x171: {  	[sflag:s19] =	ssyncset.done $0x0  }
0x172: {  	[sflag:s19] =	ssyncadd.s32 $0xFFFFE000  }
0x173: {  	_ =	swait.ge [sflag:s21], $0x2000  }
0x174: {  	[sflag:s21] =	ssyncset.done $0x0  }
0x175: {  	[sflag:s21] =	ssyncadd.s32 $0xFFFFE000  }
0x176: {  	_ =	swait.ge [sflag:s23], $0x2000  }
0x177: {  	[sflag:s23] =	ssyncset.done $0x0  }
0x178: {  	[sflag:s23] =	ssyncadd.s32 $0xFFFFE000  }
0x179: {  	_ =	swait.ge [sflag:s25], $0x2000  }
0x17a: {  	[sflag:s25] =	ssyncset.done $0x0  }
0x17b: {  	[sflag:s25] =	ssyncadd.s32 $0xFFFFE000  }
0x17c: {  	_ =	swait.ge [sflag:s28], $0x2000  }
0x17d: {  	[sflag:s28] =	ssyncset.done $0x0  }
0x17e: {  	[sflag:s28] =	ssyncadd.s32 $0xFFFFE000  }
0x17f: {  	_ =	swait.ge [sflag:s30], $0x2000  }
0x180: {  	[sflag:s30] =	ssyncset.done $0x0  }
0x181: {  	[sflag:s30] =	ssyncadd.s32 $0xFFFFE000  }
0x182: {  	_ =	swait.ge [sflag:s31], $0x2000  }
0x183: {  	s15 =	sld [smem:$0x7F9]  }
0x184: {  	s16 =	sld [smem:$0x7FC];
	_ =	sdelay $0x1  }
0x185: {  	s1 =	sadd.s32 $0x1, s15  }
0x186: {  	p0 =	sne.s32 s1, s16  }
.Ltmp1:
0x187: {  	_ = 	snop;
	(pc) =	sbr.rel @p0 .LBB2_1-.Ltmp1, $3  }
0x188: {  	_ =	sdelay $0x1  }
0x189: {  	[sflag:s31] =	ssyncset.done $0x0  }
0x18a: {  	[sflag:s31] =	ssyncadd.s32 $0xFFFFE000  }
0x18b: {  	_ =	sfence.sel $0x180000  }
0x18c: {  	[bflag:$0x0] =	sbarrier.arrive $0xFFFF  }
0x18d: {  	_ =	strace $0x90000047  }
0x18e: {  	s0 =	stileid.u32;
	[bflag:$0x2] =	sbarrier.arrive $0xFFFF  }
0x18f: {  	p0 =	sne.s32 s0, $0x0;
	s0 =	rddreg [dreg:$0x3]  }
0x190: {  	s0 =	sadd.s32 @!p0 $0x100000, s0  }
0x191: {  	[sflag:s0] =	ssyncadd.tile.s32 @!p0 $0x1;
	_ =	shalt  }
.Lfunc_end2:
_tile_overlayer_lowered:
.L_overlay_start_2:
0x192: {  	(tag) =	ssettag $0x2  }
0x193: {  	s0 =	rddreg [dreg:$0x0];
	s2 =	stileid.u32  }
0x194: {  	s1 =	rddreg [dreg:$0x1];
	p0 =	sne.s32 s2, $0x0  }
0x195: {  	s3 =	rddreg [dreg:$0x2];
	[bflag:$0x3] =	sbarrier.arrive $0xFFFF;
	s2 =	simm.s32 @!p0 $0x1C15  }
0x196: {  	[timem:s3], [sflag:s2] =	dma.local @!p0 [hbm:s0], s1  }
0x197: {  	s0 =	simm.s32 @!p0 $0x15  }
0x198: {  	_ =	swait.ge @!p0 [sflag:s0], s1  }
0x199: {  	s1 =	ssub.s32 @!p0 $0x0, s1;
	[sflag:s0] =	ssyncset.done @!p0 $0x0  }
0x19a: {  	[sflag:s0] =	ssyncadd.s32 @!p0 s1  }
0x19b: {  	[bflag:$0x3] =	sbarrier.arrive $0xFFFF  }
0x19c: {  	_ =	shalt  }

// kernel: sparse-core-data-format-call.cloned.1.call-start
scs
called_computation_lowered:
.L_overlay_start_0:
0x0: {  	s2 =	sld [smem:$0x3FD9]  }
0x1: {  	s3 =	sld [smem:$0x3FFE];
	_ =	sdelay $0x1  }
0x2: {  	s1 =	srdreg.scid  }
0x3: {  	s0 =	sand.u32 $0x1, s1  }
0x4: {  	s15 =	sshll.u32 s0, $0xA;
	s2 =	sadd.s32 s3, s2  }
0x5: {  	s2 =	sadd.s32 s2, s15  }
0x6: {  	[smem:$0x3FC6] =	sst s2  }
0x7: {  	_ = 	snop  }
0x8: {  	s2 =	sld [smem:$0x3FD0];
	_ =	sdelay $0x2  }
0x9: {  	s16 =	simm.s32 $0xA;
	s4 =	simm.s32 $0x10  }
0xa: {  	[smem:s4], [sflag:s16] =	dma.local [hbm:s2], $0x1  }
0xb: {  	_ =	swait.eq [sflag:s16], $0x1  }
0xc: {  	[sflag:s16] =	ssyncset.done $0x0  }
0xd: {  	[sflag:s16] =	ssyncadd.s32 $0xFFFFFFFF  }
0xe: {  	s17 =	sld [smem:$0x10];
	(tm) =	ssettm $0x1  }
0xf: {  	s18 =	sld [smem:$0x3FFB];
	_ =	sdelay $0x3  }
0x10: {  	_ =	strace s18  }
0x11: {  	s3 =	sld [smem:$0x3FFC];
	_ =	sdelay $0x3  }
0x12: {  	_ =	strace s3  }
0x13: {  	s3 =	sld [smem:$0x3FFD];
	_ =	sdelay $0x3  }
0x14: {  	_ =	strace s3  }
0x15: {  	_ =	strace $0x8FFFFFFF  }
0x16: {  	s19 =	sld [smem:$0x3FDB];
	_ =	sdelay $0x1  }
0x17: {  	s20 =	simm.s32 $_scs_section_size  }
0x18: {  	s5 =	simm.s32 $_size__tile_overlayer_lowered;
	s6 =	simm.s32 $_tile_overlayer_lowered  }
0x19: {  	s23 =	simm.s32 $0x1BFF;
	s22 =	sshll.u32 s6, $0x1;
	s3 =	sadd.s32 s20, s19  }
0x1a: {  	s7 =	simm.s32 $0x0;
	s21 =	sshll.u32 s5, $0x1;
	s5 =	sadd.s32 s22, s3  }
0x1b: {  	[timem:s7], [sflag:s23] =	dma.local [hbm:s5], s21  }
0x1c: {  	_ =	swait.ge [sflag:s23], s21  }
0x1d: {  	s4 =	ssub.s32 $0x0, s21;
	[sflag:s23] =	ssyncset.done $0x0  }
0x1e: {  	[sflag:s23] =	ssyncadd.s32 s4;
	_ =	sdelay $0x1  }
0x1f: {  	s24 =	simm.s32 $0x1B8B  }
0x20: {  	_ =	swait.ge [sflag:s24], $0x1  }
0x21: {  	[sflag:s24] =	ssyncset.done $0x0  }
0x22: {  	s26 =	simm.s32 $0x1B8E;
	s25 =	sld [smem:$0x3FFE];
	[sflag:s24] =	ssyncadd.s32 $0xFFFFFFFF  }
0x23: {  	s27 =	simm.s32 $execute0_lowered;
	[smem:$0x3FD2] =	sst s26  }
0x24: {  	s5 =	sshll.u32 s27, $0x1;
	_ =	strace $0x80000049;
	[dreg:$0x1] =	wrdreg $0xFFFFFFFF  }
0x25: {  	s28 =	simm.s32 $_size_execute0_lowered;
	s3 =	sadd.s32 s3, s5;
	[dreg:$0x0] =	wrdreg $0x0  }
0x26: {  	s5 =	sshll.u32 s28, $0x1;
	[dreg:$0x2] =	wrdreg s3  }
0x27: {  	[dreg:$0x3] =	wrdreg s5  }
0x28: {  	[dreg:$0x4] =	wrdreg $0xC0  }
0x29: {  	_ =	task [dreg:s7], $0x5FFFF  }
0x2a: {  	[dreg:$0x1] =	wrdreg $0xFFFFFFFF  }
0x2b: {  	[dreg:$0x0] =	wrdreg $0x60  }
0x2c: {  	[dreg:$0x2] =	wrdreg s25  }
0x2d: {  	[dreg:$0x3] =	wrdreg s17  }
0x2e: {  	[dreg:$0x4] =	wrdreg $0x9  }
0x2f: {  	_ =	task.clear_ibuf [dreg:s7], $0x5FFFF;
	_ =	strace $0x90000049  }
0x30: {  	s29 =	simm.s32 $0x9;
	_ =	strace $0x8000004B  }
0x31: {  	_ =	swait.ge [sflag:s29], $0x1  }
0x32: {  	[sflag:s29] =	ssyncadd.s32 $0xFFFFFFFF  }
0x33: {  	_ =	strace $0x9000004B  }
0x34: {  	_ =	sfence  }
0x35: {  	s30 =	sld [smem:$0x0];
	_ =	sdelay $0x2  }
0x36: {  	s31 =	sshll.u32 s1, $0xD;
	s1 =	sshrl.u32 s1, $0x2  }
0x37: {  	s3 =	sand.u32 $0x4000, s31;
	s1 =	sadd.s32 s1, s30  }
0x38: {  	s0 =	sor.u32 s3, s0;
	s1 =	sshll.u32 s1, $0x11  }
0x39: {  	s0 =	sor.u32 s1, s0  }
0x3a: {  	s0 =	sadd.s32 $0x8F2B, s0  }
0x3b: {  	[sflag:s0] =	ssyncadd.remote.s32 $0x1  }
0x3c: {  	_ =	sfence.sel $0xFFFF  }
0x3d: {  	[dreg:$0x0] =	wrdreg $0xFFFFFFFF;
	(pc) =	sbr.abs _section_cstart, $3  }
0x3e: {  	[dreg:$0x1] =	wrdreg $0xFFFFFFFF  }
0x3f: {  	_ =	task.clear_ibuf [dreg:s7], $0x2FFFF;
	_ =	strace $0x9FFFFFFF  }
0x40: {  	(tm) =	ssettm $0x7FFFFFFF  }
0x41: {  	_ =	shalt  }
tec
execute0_lowered:
.L_overlay_start_1:
0x0: {  	(tag) =	ssettag $0x1  }
0x1: {  	s0 =	srdreg.scid  }
0x2: {  	s1 =	sshll.u32 s0, $0x4  }
0x3: {  	s5 =	rddreg [dreg:$0x0];
	s0 =	stileid.u32;
	s1 =	sand.u32 $0x10, s1  }
0x4: {  	s3 =	rddreg [dreg:$0x1];
	s31 =	simm.s32 $0x2;
	s4 =	sor.u32 s0, s1  }
0x5: {  	s13 =	simm.s32 $0x0;
	s9 =	simm.s32 $0x400;
	s2 =	sshll.u32 s4, $0x7  }
0x6: {  	s10 =	simm.s32 $0x8000;
	s14 =	simm.s32 $0x0;
	s6 =	ssub.s32 $0x1000, s2  }
0x7: {  	s1 =	rddreg [dreg:$0x2];
	_ =	strace $0x8000004A;
	s7 =	sand.u32 $0xF80, s6  }
0x8: {  	s4 =	sshll.u32 s4, $0xB;
	p0 =	sne.s32 s7, $0x0;
	s7 =	simm.s32 $0x1  }
.Ltmp0:
0x9: {  	s6 =	sshrl.u32 s6, $0xC;
	s7 =	simm.s32 @!p0 $0x0;
	(pc) =	sbr.rel .LBB1_1-.Ltmp0, $4  }
0xa: {  	s8 =	sadd.s32 s4, s5;
	s4 =	simm.s32 $0x1;
	s30 =	sadd.s32 s7, s6  }
0xb: {  	s11 =	simm.s32 $0x0;
	[sflag:s4] =	ssyncpa.u1 $0x0;
	s5 =	smul.u32 $0x19, s30  }
0xc: {  	s12 =	simm.s32 $0x0;
	[sflag:s31] =	ssyncpa.u1 $0x0;
	p0 =	por $0x0, $0x0  }
0xd: {  	s6 =	sadd.s32 $0xC00, s8;
	s7 =	sadd.s32 $0x10C00, s8;
	s8 =	sadd.s32 $0x1, s5  }
.LBB1_7:
0xe: {  	s15 =	sadd.s32 $0x2, s11  }
0xf: {  	p2 =	sgt.s32 s15, $0x31  }
0x10: {  	s15 =	simm.s32 @p2 $0x0;
	p2 =	sne.s32 s12, s8  }
.Ltmp1:
0x11: {  	p1 =	slt.u32 s12, $0x2;
	(pc) =	sbr.rel @!p2 .LBB1_8-.Ltmp1, $4  }
0x12: {  	s13 =	simm.s32 @!p1 $0x2  }
0x13: {  	s16 =	sadd.s32 $0x1, s12;
	s14 =	smov.u32 s11;
	_ =	swait.ge @!p1 [sflag:s13], $0x4000  }
0x14: {  	p0 =	por !p0, !p0;
	s12 =	smov.u32 s16;
	[sflag:s13] =	ssyncset.done @!p1 $0x0  }
0x15: {  	s11 =	smov.u32 s15;
	[sflag:s13] =	ssyncadd.s32 @!p1 $0xFFFFC000;
	s13 =	smov.u32 s2  }
.LBB1_1:
0x16: {  	p1 =	sge.u32 s12, s5  }
0x17: {  	s15 =	sxor.u32 @!p1 $0xFFFFFFFF, s12  }
0x18: {  	s16 =	sshll.u32 @!p1 s11, $0x10;
	s18 =	simm.s32 @!p1 $0x40;
	s15 =	sshll.u32 @!p1 s15, $0xE  }
0x19: {  	s19 =	simm.s32 @!p1 $0x80;
	s17 =	sadd.s32 @!p1 s16, s6;
	s15 =	sand.u32 @!p1 $0x4000, s15  }
0x1a: {  	[tilespmem:s15], [sflag:$0x1] =	stream.strided.gather @!p1 [hbm4b:s17+s18], $0x2000, s19, s18, $0x38;
	[tilespmem:$0x10100] =	vst v63  }
0x1b: {  	s31 =	sadd.s32 $0xFFFFFFFF, s12;
	s16 =	sadd.s32 @!p1 s16, s7;
	s15 =	sor.u32 @!p1 $0x2000, s15  }
0x1c: {  	[tilespmem:s15], [sflag:$0x1] =	stream.strided.gather @!p1 [hbm4b:s16+s18], $0x2000, s19, s18, $0x38;
	[tilespmem:$0x10100] =	vst v63  }
0x1d: {  	p1 =	sge.u32 s31, s5  }
.Ltmp2:
0x1e: {  	_ = 	snop;
	(pc) =	sbr.rel @p1 .LBB1_7-.Ltmp2, $1  }
0x1f: {  	_ =	sdelay $0x3  }
0x20: {  	s15 =	simm.s32 $0x1;
	s17 =	sand.u32 $0x1, s12  }
0x21: {  	_ =	swait.ge [sflag:s4], $0x4000;
	s15 =	simm.s32 @!p0 $0x0;
	s17 =	smul.u32 $0x10200, s17  }
0x22: {  	p2 =	por $0x1, $0x1;
	[sflag:s4] =	ssyncset.done $0x0;
	s16 =	smul.u32 $0x10200, s15  }
0x23: {  	s18 =	sshll.u32 s15, $0x10;
	[sflag:s4] =	ssyncadd.s32 $0xFFFFC000;
	s30 =	sshrl.u32 s17, $0x2  }
0x24: {  	s31 =	sshrl.u32 s18, $0x2;
	s18 =	simm.s32 $0x0;
	s16 =	sshrl.u32 s16, $0x2  }
0x25: {  	s15 =	sor.u32 $0x8000, s30;
	s17 =	sadd.s32 $0x20, s31;
	s16 =	sor.u32 $0x8000, s16  }
.LBB1_3:
0x26: {  	s19 =	sshll.u32 s18, $0xD  }
0x27: {  	s19 =	sand.u32 $0x3FFFE000, s19  }
0x28: {  	s21 =	sadd.s32 s19, s17  }
0x29: {  	s31 =	smul.u32 $0x8100, s18;
	v3 =	vld [tilespmem:s21+$0x10]  }
0x2a: {  	v1 =	vld [tilespmem:s21+$0xFFFFFFF0]  }
0x2b: {  	s18 =	sshra.s32 s31, $0x2;
	v0 =	vld [tilespmem:s21+$0x0]  }
0x2c: {  	s18 =	sadd.s32 s18, s16;
	v2 =	vld [tilespmem:s21+$0xFFFFFFE0]  }
0x2d: {  	s19 =	sadd.s32 $0x0, s18  }
0x2e: {  	p1 =	por p2, p2;
	s20 =	simm.s32 $0x4;
	s21 =	sadd.s32 $0x40, s21;
	[tilespmem:s19+$0x1830 ss:$0x81] =	vst.msk $0xffff, v3  }
.LBB1_4:
0x2f: {  	v3 =	vld [tilespmem:s21+$0x10];
	p2 =	sne.s32 s20, $0x1FC;
	[tilespmem:s19+$0x810 ss:$0x81] =	vst.msk $0xffff, v1;
	s22 =	smov.u32 s20;
	s20 =	sadd.s32 $0x4, s20  }
.Ltmp3:
0x30: {  	v1 =	vld [tilespmem:s21+$0xFFFFFFF0];
	[tilespmem:s19+$0x1020 ss:$0x81] =	vst.msk $0xffff, v0;
	(pc) =	sbr.rel @p2 .LBB1_4-.Ltmp3, $4  }
0x31: {  	v0 =	vld [tilespmem:s21+$0x0];
	[tilespmem:s19+$0x0 ss:$0x81] =	vst.msk $0xffff, v2  }
0x32: {  	s19 =	sshra.s32 s22, $0x2;
	v2 =	vld [tilespmem:s21+$0xFFFFFFE0]  }
0x33: {  	s19 =	sadd.s32 s19, s18  }
0x34: {  	s21 =	sadd.s32 $0x40, s21;
	[tilespmem:s19+$0x1830 ss:$0x81] =	vst.msk $0xffff, v3  }
.Ltmp4:
0x35: {  	(pc) =	sbr.rel @p1 .LBB1_3-.Ltmp4, $4  }
0x36: {  	_ = 	snop  }
0x37: {  	[tilespmem:s19+$0x810 ss:$0x81] =	vst.msk $0xffff, v1  }
0x38: {  	[tilespmem:s19+$0x1020 ss:$0x81] =	vst.msk $0xffff, v0  }
0x39: {  	s18 =	simm.s32 $0x1;
	p2 =	por $0x0, $0x0;
	[tilespmem:s19+$0x0 ss:$0x81] =	vst.msk $0xffff, v2  }
.Ltmp5:
0x3a: {  	(pc) =	sbr.rel .LBB1_7-.Ltmp5, $4  }
0x3b: {  	s14 =	sshll.u32 s14, $0xF  }
0x3c: {  	s14 =	sadd.s32 s3, s14  }
0x3d: {  	s13 =	sadd.s32 s13, s14  }
0x3e: {  	[hbm4b:s13+s9] =	stream.strided.scatter [tilespmem:s15], [sflag:$0x2], $0x4000, s10, s9, $0x20;
	[tilespmem:$0x10100] =	vst v63  }
.LBB1_8:
0x3f: {  	_ =	sfence.sel $0x180000  }
0x40: {  	s2 =	simm.s32 $0x1;
	[bflag:$0x0] =	sbarrier.arrive $0xFFFF  }
0x41: {  	s31 =	simm.s32 $0x2;
	[sflag:s2] =	ssyncpa.u1 $0x1  }
0x42: {  	[sflag:s31] =	ssyncpa.u1 $0x1  }
0x43: {  	p0 =	sne.s32 s0, $0x0;
	_ =	strace $0x9000004A  }
0x44: {  	s0 =	sadd.s32 @!p0 $0x100000, s1;
	[bflag:$0x2] =	sbarrier.arrive $0xFFFF  }
0x45: {  	[sflag:s0] =	ssyncadd.tile.s32 @!p0 $0x1;
	_ =	shalt  }
.Lfunc_end1:
_tile_overlayer_lowered:
.L_overlay_start_2:
0x46: {  	(tag) =	ssettag $0x2  }
0x47: {  	s0 =	rddreg [dreg:$0x0];
	s2 =	stileid.u32  }
0x48: {  	s1 =	rddreg [dreg:$0x1];
	p0 =	sne.s32 s2, $0x0  }
0x49: {  	s3 =	rddreg [dreg:$0x2];
	[bflag:$0x3] =	sbarrier.arrive $0xFFFF;
	s2 =	simm.s32 @!p0 $0x1C01  }
0x4a: {  	[timem:s3], [sflag:s2] =	dma.local @!p0 [hbm:s0], s1  }
0x4b: {  	s0 =	simm.s32 @!p0 $0x1  }
0x4c: {  	_ =	swait.ge @!p0 [sflag:s0], s1  }
0x4d: {  	s1 =	ssub.s32 @!p0 $0x0, s1;
	[sflag:s0] =	ssyncset.done @!p0 $0x0  }
0x4e: {  	[sflag:s0] =	ssyncadd.s32 @!p0 s1  }
0x4f: {  	[bflag:$0x3] =	sbarrier.arrive $0xFFFF  }
0x50: {  	_ =	shalt  }

</sc_bundles>
